<compile_context>
chip_gen: v7x
topology: tpu7x:2x2x1
jax: 0.10.2.dev20260603
libtpu: 0.0.44.dev20260713+nightly
codegen_flags: <defaults>
</compile_context>

<pallas_src>
import functools

import jax
import jax.numpy as jnp
from jax import lax
from jax.experimental import pallas as pl
from jax.experimental.pallas import tpu as pltpu
from jax.experimental.pallas import tpu_sc as plsc

VOCAB = 1000000
EMBED = 128
B = 4096
L = 200
OUT = 384

NC = 2
NS = 16
NW = NC * NS
RPW = B // NW
LANES = 16
KCH = EMBED // LANES
C0, C1 = 128, L - 128
IDXC = 32

_mesh = plsc.VectorSubcoreMesh(core_axis_name="c", subcore_axis_name="s")


@functools.partial(
    pl.kernel,
    out_type=jax.ShapeDtypeStruct((B, EMBED), jnp.float32),
    mesh=_mesh,
    scratch_types=[
        pltpu.VMEM((2, IDXC, L), jnp.int32),
        pltpu.VMEM((L, EMBED), jnp.float32),
        pltpu.VMEM((L, EMBED), jnp.float32),
        pltpu.VMEM((L, EMBED), jnp.float32),
        pltpu.VMEM((L, EMBED), jnp.float32),
        pltpu.VMEM((16, EMBED), jnp.float32),
        pltpu.SemaphoreType.DMA,
        pltpu.SemaphoreType.DMA,
        pltpu.SemaphoreType.DMA,
        pltpu.SemaphoreType.DMA,
        pltpu.SemaphoreType.DMA,
    ],
)
def _bag_kernel(idx_hbm, table_hbm, out_hbm, idx_v, buf0, buf1, buf2, buf3,
                fbuf, sem0, sem1, sem2, sem3, isem):
    wid = lax.axis_index("s") * NC + lax.axis_index("c")
    base = wid * RPW
    NCH = RPW // IDXC
    pltpu.sync_copy(idx_hbm.at[pl.ds(base, IDXC)], idx_v.at[0])
    pltpu.async_copy(idx_hbm.at[pl.ds(base + IDXC, IDXC)], idx_v.at[1], isem)

    bufs = (buf0, buf1, buf2, buf3)
    sems = (sem0, sem1, sem2, sem3)
    NBUF = 4

    def start(row, buf, sem):
        p = (row // IDXC) % 2
        r = row % IDXC
        pltpu.async_copy(
            table_hbm.at[idx_v.at[p, r, pl.ds(0, C0)]], buf.at[pl.ds(0, C0)], sem)
        pltpu.async_copy(
            table_hbm.at[idx_v.at[p, r, pl.ds(C0, C1)]], buf.at[pl.ds(C0, C1)], sem)

    def wait(buf, sem):
        pltpu.make_async_copy(
            table_hbm.at[idx_v.at[0, 0, pl.ds(0, C0)]], buf.at[pl.ds(0, C0)], sem).wait()
        pltpu.make_async_copy(
            table_hbm.at[idx_v.at[0, 0, pl.ds(C0, C1)]], buf.at[pl.ds(C0, C1)], sem).wait()

    def accum_row(buf, row):
        def body(i, acc):
            a = list(acc)
            for u in range(4):
                j = 4 * i + u
                for k in range(KCH):
                    a[k] = a[k] + buf[j, pl.ds(k * LANES, LANES)]
            return tuple(a)

        acc = lax.fori_loop(
            0, L // 4, body,
            tuple(jnp.zeros((LANES,), jnp.float32) for _ in range(KCH)))
        for k in range(KCH):
            fbuf[row % 16, pl.ds(k * LANES, LANES)] = acc[k] * jnp.float32(1.0 / L)

    for b in range(NBUF):
        start(b, bufs[b], sems[b])

    TPC = IDXC // NBUF

    def outer(t, carry):
        @pl.when(((t % TPC) == TPC - 1) & (t // TPC + 1 <= NCH - 1))
        def _():
            pltpu.make_async_copy(
                idx_hbm.at[pl.ds(0, IDXC)], idx_v.at[0], isem).wait()

        for b in range(NBUF):
            row = NBUF * t + b
            wait(bufs[b], sems[b])
            accum_row(bufs[b], row)

            @pl.when(row + NBUF < RPW)
            def _():
                start(row + NBUF, bufs[b], sems[b])

        @pl.when((t & 3) == 3)
        def _():
            pltpu.sync_copy(
                fbuf, out_hbm.at[pl.ds(base + (t // 4) * 16, 16)])

        @pl.when(((t % TPC) == TPC - 1) & (t // TPC + 2 <= NCH - 1))
        def _():
            c2 = t // TPC + 2
            pltpu.async_copy(
                idx_hbm.at[pl.ds(base + c2 * IDXC, IDXC)],
                idx_v.at[(t // TPC) % 2], isem)

        return carry

    lax.fori_loop(0, RPW // NBUF, outer, 0)


def _mlp_body(text, url, link, Wu, bu, Wl, bl, W1t, W1u, W1l, bc1, Wc2, bc2, out):
    f32 = jnp.float32
    u = jnp.maximum(jnp.dot(url[...], Wu[...], preferred_element_type=f32) + bu[...], 0.0)
    lv = jnp.maximum(jnp.dot(link[...], Wl[...], preferred_element_type=f32) + bl[...], 0.0)
    h = jnp.dot(text[...], W1t[...], preferred_element_type=f32)
    h = h + jnp.dot(u, W1u[...], preferred_element_type=f32)
    h = h + jnp.dot(lv, W1l[...], preferred_element_type=f32)
    h = jnp.maximum(h + bc1[...], 0.0)
    out[...] = jnp.dot(h, Wc2[...], preferred_element_type=f32) + bc2[...]


_BB = 2048


def _mlp(text_vec, url_bits, link_feats, Wu, bu, Wl, bl, W1t, W1u, W1l, bc1, Wc2, bc2):
    n = B // _BB
    row = lambda i: (i, 0)
    rep = lambda i: (0, 0)
    return pl.pallas_call(
        _mlp_body,
        grid=(n,),
        in_specs=[
            pl.BlockSpec((_BB, EMBED), row),
            pl.BlockSpec((_BB, 64), row),
            pl.BlockSpec((_BB, 32), row),
            pl.BlockSpec((64, 64), rep),
            pl.BlockSpec((1, 64), rep),
            pl.BlockSpec((32, 64), rep),
            pl.BlockSpec((1, 64), rep),
            pl.BlockSpec((EMBED, 256), rep),
            pl.BlockSpec((64, 256), rep),
            pl.BlockSpec((64, 256), rep),
            pl.BlockSpec((1, 256), rep),
            pl.BlockSpec((256, OUT), rep),
            pl.BlockSpec((1, OUT), rep),
        ],
        out_specs=pl.BlockSpec((_BB, OUT), row),
        out_shape=jax.ShapeDtypeStruct((B, OUT), jnp.float32),
    )(text_vec, url_bits, link_feats, Wu, bu, Wl, bl, W1t, W1u, W1l, bc1, Wc2, bc2)


def kernel(text_indices, url_bits, link_feats, text_table, Wu, bu, Wl, bl, Wc1, bc1, Wc2, bc2):
    idx = text_indices.astype(jnp.int32)
    text_vec = _bag_kernel(idx, text_table)
    W1t = Wc1[:EMBED]
    W1u = Wc1[EMBED:EMBED + 64]
    W1l = Wc1[EMBED + 64:]
    return _mlp(
        text_vec, url_bits, link_feats,
        Wu, bu.reshape(1, 64), Wl, bl.reshape(1, 64),
        W1t, W1u, W1l, bc1.reshape(1, 256), Wc2, bc2.reshape(1, OUT))

# --- scband reference (transcript-rebuilt; emitter-appended) ---
"""Pipeline reference for scband-browser-observation-encoder-11510512353479 (READ-ONLY COPY).

The authoritative reference and input builder live on the scoring server;
editing this copy changes nothing except your own understanding.
"""

import jax, jax.numpy as jnp
import numpy as np

VOCAB = 1000000
EMBED = 128
B = 4096
L = 200
OUT = 384

def setup_inputs(seed: int = 0) -> dict:
    key = jax.random.key(seed)
    ks = jax.random.split(key, 12)
    text_indices = jax.random.randint(ks[0], (B, L), 0, VOCAB, dtype=jnp.int64) if jax.config.jax_enable_x64 else jax.random.randint(ks[0], (B, L), 0, VOCAB, dtype=jnp.int32)
    url_bits = jax.random.uniform(ks[1], (B, 64), dtype=jnp.float32)
    link_feats = jax.random.uniform(ks[2], (B, 32), dtype=jnp.float32)
    text_table = jax.random.normal(ks[3], (VOCAB, EMBED), dtype=jnp.float32) * 0.02
    Wu = jax.random.normal(ks[4], (64, 64), dtype=jnp.float32) * (1.0 / np.sqrt(64))
    bu = jnp.zeros((64,), dtype=jnp.float32)
    Wl = jax.random.normal(ks[5], (32, 64), dtype=jnp.float32) * (1.0 / np.sqrt(32))
    bl = jnp.zeros((64,), dtype=jnp.float32)
    Wc1 = jax.random.normal(ks[6], (256, 256), dtype=jnp.float32) * (1.0 / np.sqrt(256))
    bc1 = jnp.zeros((256,), dtype=jnp.float32)
    Wc2 = jax.random.normal(ks[7], (256, OUT), dtype=jnp.float32) * (1.0 / np.sqrt(256))
    bc2 = jnp.zeros((OUT,), dtype=jnp.float32)
    return {
        "text_indices": text_indices,
        "url_bits": url_bits,
        "link_feats": link_feats,
        "text_table": text_table,
        "Wu": Wu, "bu": bu,
        "Wl": Wl, "bl": bl,
        "Wc1": Wc1, "bc1": bc1,
        "Wc2": Wc2, "bc2": bc2,
    }

def reference(text_indices, url_bits, link_feats, text_table, Wu, bu, Wl, bl, Wc1, bc1, Wc2, bc2):
    # EmbeddingBag(mode='mean'): gather then mean over bag length
    gathered = jnp.take(text_table, text_indices, axis=0)  # [B, L, EMBED]
    text_vec = jnp.mean(gathered, axis=1)                  # [B, EMBED]
    url_vec = jax.nn.relu(url_bits @ Wu + bu)              # [B, 64]
    link_vec = jax.nn.relu(link_feats @ Wl + bl)           # [B, 64]
    combined = jnp.concatenate([text_vec, url_vec, link_vec], axis=-1)  # [B, 256]
    h = jax.nn.relu(combined @ Wc1 + bc1)
    out = h @ Wc2 + bc2                                    # [B, OUT]
    return out

if __name__ == "__main__":
    import jax
    _d = setup_inputs()
    print(jax.jit(kernel)(*tuple(_d.values())))

</pallas_src>

<mosaic_0001>
#map = affine_map<(d0, d1) -> (0, 0)>
module attributes {stable_mosaic.version = 14 : i64} {
  func.func @_bag_kernel(%arg0: i32, %arg1: i32, %arg2: memref<4096x200xi32, #tpu.memory_space<hbm>>, %arg3: memref<1000000x128xf32, #tpu.memory_space<hbm>>, %arg4: memref<4096x128xf32, #tpu.memory_space<hbm>>, %arg5: memref<2x32x200xi32, #tpu.memory_space<vmem>>, %arg6: memref<200x128xf32, #tpu.memory_space<vmem>>, %arg7: memref<200x128xf32, #tpu.memory_space<vmem>>, %arg8: memref<200x128xf32, #tpu.memory_space<vmem>>, %arg9: memref<200x128xf32, #tpu.memory_space<vmem>>, %arg10: memref<16x128xf32, #tpu.memory_space<vmem>>, %arg11: memref<!tpu.dma_semaphore, #tpu.memory_space<semaphore_mem>>, %arg12: memref<!tpu.dma_semaphore, #tpu.memory_space<semaphore_mem>>, %arg13: memref<!tpu.dma_semaphore, #tpu.memory_space<semaphore_mem>>, %arg14: memref<!tpu.dma_semaphore, #tpu.memory_space<semaphore_mem>>, %arg15: memref<!tpu.dma_semaphore, #tpu.memory_space<semaphore_mem>>) attributes {dimension_semantics = [#tpu.dimension_semantics<core_parallel>, #tpu.dimension_semantics<subcore_parallel>], iteration_bounds = array<i64: 2, 16>, scalar_prefetch = 0 : i64, scratch_operands = 11 : i64, tpu.core_type = #tpu.core_type<sc_vector_subcore>, window_params = [{transform_indices = #map}, {transform_indices = #map}, {transform_indices = #map}]} {
    %mul3A = arith.constant 2 : i32
    %mul3A_0 = arith.muli %arg1, %mul3A : i32
    %add3A = arith.addi %mul3A_0, %arg0 : i32
    %mul3A_1 = arith.constant 128 : i32
    %mul3A_2 = arith.muli %add3A, %mul3A_1 : i32
    %run_scoped3A = arith.constant 0 : i32
    "tpu.region"() ({
      %run_scoped3A_110 = tpu.sem_alloc : memref<!tpu.dma_semaphore, #tpu.memory_space<semaphore_mem>>
      %dma_start3A_111 = arith.constant 0 : i32
      %dma_start3A_112 = arith.constant 0 : i32
      %dma_start3A_113 = tpu.memref_slice %arg5[%run_scoped3A, %dma_start3A_111, %dma_start3A_112] : memref<2x32x200xi32, #tpu.memory_space<vmem>> -> memref<1x32x200xi32, #tpu.memory_space<vmem>>
      %dma_start3A_114 = tpu.memref_squeeze %dma_start3A_113 : memref<1x32x200xi32, #tpu.memory_space<vmem>> -> memref<32x200xi32, #tpu.memory_space<vmem>>
      %dma_start3A_115 = arith.constant 0 : i32
      %dma_start3A_116 = tpu.memref_slice %arg2[%mul3A_2, %dma_start3A_115] : memref<4096x200xi32, #tpu.memory_space<hbm>> -> memref<32x200xi32, #tpu.memory_space<hbm>>
      %dma_start3A_117 = arith.constant 0 : i32
      %dma_start3A_118 = arith.constant 0 : i32
      %dma_start3A_119 = tpu.memref_slice %arg5[%run_scoped3A, %dma_start3A_117, %dma_start3A_118] : memref<2x32x200xi32, #tpu.memory_space<vmem>> -> memref<1x32x200xi32, #tpu.memory_space<vmem>>
      %dma_start3A_120 = tpu.memref_squeeze %dma_start3A_119 : memref<1x32x200xi32, #tpu.memory_space<vmem>> -> memref<32x200xi32, #tpu.memory_space<vmem>>
      %dma_start3A_121 = arith.constant 0 : i32
      %dma_start3A_122 = tpu.memref_slice %arg2[%mul3A_2, %dma_start3A_121] : memref<4096x200xi32, #tpu.memory_space<hbm>> -> memref<32x200xi32, #tpu.memory_space<hbm>>
      tpu.enqueue_dma source(%dma_start3A_122 : memref<32x200xi32, #tpu.memory_space<hbm>>) target(%dma_start3A_120 : memref<32x200xi32, #tpu.memory_space<vmem>>) target_semaphore(%run_scoped3A_110 : memref<!tpu.dma_semaphore, #tpu.memory_space<semaphore_mem>>)
      %dma_wait3A = arith.constant 0 : i32
      %dma_wait3A_123 = arith.constant 0 : i32
      %dma_wait3A_124 = tpu.memref_slice %arg5[%run_scoped3A, %dma_wait3A, %dma_wait3A_123] : memref<2x32x200xi32, #tpu.memory_space<vmem>> -> memref<1x32x200xi32, #tpu.memory_space<vmem>>
      %dma_wait3A_125 = tpu.memref_squeeze %dma_wait3A_124 : memref<1x32x200xi32, #tpu.memory_space<vmem>> -> memref<32x200xi32, #tpu.memory_space<vmem>>
      %dma_wait3A_126 = arith.constant 0 : i32
      %dma_wait3A_127 = tpu.memref_slice %arg2[%mul3A_2, %dma_wait3A_126] : memref<4096x200xi32, #tpu.memory_space<hbm>> -> memref<32x200xi32, #tpu.memory_space<hbm>>
      %dma_wait3A_128 = arith.constant 0 : i32
      %dma_wait3A_129 = arith.constant 0 : i32
      %dma_wait3A_130 = tpu.memref_slice %arg5[%run_scoped3A, %dma_wait3A_128, %dma_wait3A_129] : memref<2x32x200xi32, #tpu.memory_space<vmem>> -> memref<1x32x200xi32, #tpu.memory_space<vmem>>
      %dma_wait3A_131 = tpu.memref_squeeze %dma_wait3A_130 : memref<1x32x200xi32, #tpu.memory_space<vmem>> -> memref<32x200xi32, #tpu.memory_space<vmem>>
      %dma_wait3A_132 = arith.constant 0 : i32
      %dma_wait3A_133 = tpu.memref_slice %arg2[%mul3A_2, %dma_wait3A_132] : memref<4096x200xi32, #tpu.memory_space<hbm>> -> memref<32x200xi32, #tpu.memory_space<hbm>>
      tpu.wait_dma2 semaphore(%run_scoped3A_110 : memref<!tpu.dma_semaphore, #tpu.memory_space<semaphore_mem>>) src(%dma_wait3A_133 : memref<32x200xi32, #tpu.memory_space<hbm>>) dst(%dma_wait3A_131 : memref<32x200xi32, #tpu.memory_space<vmem>>)
      tpu.yield
    }) : () -> ()
    %add3A_3 = arith.constant 32 : i32
    %add3A_4 = arith.addi %mul3A_2, %add3A_3 : i32
    %dma_start3A = arith.constant 1 : i32
    %dma_start3A_5 = arith.constant 0 : i32
    %dma_start3A_6 = arith.constant 0 : i32
    %dma_start3A_7 = tpu.memref_slice %arg5[%dma_start3A, %dma_start3A_5, %dma_start3A_6] : memref<2x32x200xi32, #tpu.memory_space<vmem>> -> memref<1x32x200xi32, #tpu.memory_space<vmem>>
    %dma_start3A_8 = tpu.memref_squeeze %dma_start3A_7 : memref<1x32x200xi32, #tpu.memory_space<vmem>> -> memref<32x200xi32, #tpu.memory_space<vmem>>
    %dma_start3A_9 = arith.constant 0 : i32
    %dma_start3A_10 = tpu.memref_slice %arg2[%add3A_4, %dma_start3A_9] : memref<4096x200xi32, #tpu.memory_space<hbm>> -> memref<32x200xi32, #tpu.memory_space<hbm>>
    %dma_start3A_11 = arith.constant 0 : i32
    %dma_start3A_12 = arith.constant 0 : i32
    %dma_start3A_13 = tpu.memref_slice %arg5[%dma_start3A, %dma_start3A_11, %dma_start3A_12] : memref<2x32x200xi32, #tpu.memory_space<vmem>> -> memref<1x32x200xi32, #tpu.memory_space<vmem>>
    %dma_start3A_14 = tpu.memref_squeeze %dma_start3A_13 : memref<1x32x200xi32, #tpu.memory_space<vmem>> -> memref<32x200xi32, #tpu.memory_space<vmem>>
    %dma_start3A_15 = arith.constant 0 : i32
    %dma_start3A_16 = tpu.memref_slice %arg2[%add3A_4, %dma_start3A_15] : memref<4096x200xi32, #tpu.memory_space<hbm>> -> memref<32x200xi32, #tpu.memory_space<hbm>>
    tpu.enqueue_dma source(%dma_start3A_16 : memref<32x200xi32, #tpu.memory_space<hbm>>) target(%dma_start3A_14 : memref<32x200xi32, #tpu.memory_space<vmem>>) target_semaphore(%arg15 : memref<!tpu.dma_semaphore, #tpu.memory_space<semaphore_mem>>)
    %dma_start3A_17 = arith.constant 0 : i32
    %dma_start3A_18 = arith.constant 0 : i32
    %dma_start3A_19 = arith.constant 0 : i32
    %dma_start3A_20 = arith.constant 0 : i32
    %dma_start3A_21 = tpu.memref_slice %arg6[%dma_start3A_19, %dma_start3A_20] : memref<200x128xf32, #tpu.memory_space<vmem>> -> memref<128x128xf32, #tpu.memory_space<vmem>>
    %dma_start3A_22 = arith.constant 0 : i32
    %dma_start3A_23 = tpu.memref_slice %arg5[%dma_start3A_17, %dma_start3A_18, %dma_start3A_22] : memref<2x32x200xi32, #tpu.memory_space<vmem>> -> memref<1x1x128xi32, #tpu.memory_space<vmem>>
    %dma_start3A_24 = tpu.memref_squeeze %dma_start3A_23 : memref<1x1x128xi32, #tpu.memory_space<vmem>> -> memref<128xi32, #tpu.memory_space<vmem>>
    %dma_start3A_25 = arith.constant 0 : i32
    %dma_start3A_26 = arith.constant 0 : i32
    %dma_start3A_27 = tpu.memref_slice %arg3[%dma_start3A_25, %dma_start3A_26] : memref<1000000x128xf32, #tpu.memory_space<hbm>> -> memref<1000000x128xf32, #tpu.memory_space<hbm>>
    tpu.enqueue_indirect_dma source(%dma_start3A_27 : memref<1000000x128xf32, #tpu.memory_space<hbm>>) target(%dma_start3A_21 : memref<128x128xf32, #tpu.memory_space<vmem>>) offsets(%dma_start3A_24 : memref<128xi32, #tpu.memory_space<vmem>>) semaphore(%arg11 : memref<!tpu.dma_semaphore, #tpu.memory_space<semaphore_mem>>)
    %dma_start3A_28 = arith.constant 0 : i32
    %dma_start3A_29 = arith.constant 0 : i32
    %dma_start3A_30 = arith.constant 128 : i32
    %dma_start3A_31 = arith.constant 0 : i32
    %dma_start3A_32 = tpu.memref_slice %arg6[%dma_start3A_30, %dma_start3A_31] : memref<200x128xf32, #tpu.memory_space<vmem>> -> memref<72x128xf32, #tpu.memory_space<vmem>>
    %dma_start3A_33 = arith.constant 128 : i32
    %dma_start3A_34 = tpu.memref_slice %arg5[%dma_start3A_28, %dma_start3A_29, %dma_start3A_33] : memref<2x32x200xi32, #tpu.memory_space<vmem>> -> memref<1x1x72xi32, #tpu.memory_space<vmem>>
    %dma_start3A_35 = tpu.memref_squeeze %dma_start3A_34 : memref<1x1x72xi32, #tpu.memory_space<vmem>> -> memref<72xi32, #tpu.memory_space<vmem>>
    %dma_start3A_36 = arith.constant 0 : i32
    %dma_start3A_37 = arith.constant 0 : i32
    %dma_start3A_38 = tpu.memref_slice %arg3[%dma_start3A_36, %dma_start3A_37] : memref<1000000x128xf32, #tpu.memory_space<hbm>> -> memref<1000000x128xf32, #tpu.memory_space<hbm>>
    tpu.enqueue_indirect_dma source(%dma_start3A_38 : memref<1000000x128xf32, #tpu.memory_space<hbm>>) target(%dma_start3A_32 : memref<72x128xf32, #tpu.memory_space<vmem>>) offsets(%dma_start3A_35 : memref<72xi32, #tpu.memory_space<vmem>>) semaphore(%arg11 : memref<!tpu.dma_semaphore, #tpu.memory_space<semaphore_mem>>)
    %dma_start3A_39 = arith.constant 0 : i32
    %dma_start3A_40 = arith.constant 1 : i32
    %dma_start3A_41 = arith.constant 0 : i32
    %dma_start3A_42 = arith.constant 0 : i32
    %dma_start3A_43 = tpu.memref_slice %arg7[%dma_start3A_41, %dma_start3A_42] : memref<200x128xf32, #tpu.memory_space<vmem>> -> memref<128x128xf32, #tpu.memory_space<vmem>>
    %dma_start3A_44 = arith.constant 0 : i32
    %dma_start3A_45 = tpu.memref_slice %arg5[%dma_start3A_39, %dma_start3A_40, %dma_start3A_44] : memref<2x32x200xi32, #tpu.memory_space<vmem>> -> memref<1x1x128xi32, #tpu.memory_space<vmem>>
    %dma_start3A_46 = tpu.memref_squeeze %dma_start3A_45 : memref<1x1x128xi32, #tpu.memory_space<vmem>> -> memref<128xi32, #tpu.memory_space<vmem>>
    %dma_start3A_47 = arith.constant 0 : i32
    %dma_start3A_48 = arith.constant 0 : i32
    %dma_start3A_49 = tpu.memref_slice %arg3[%dma_start3A_47, %dma_start3A_48] : memref<1000000x128xf32, #tpu.memory_space<hbm>> -> memref<1000000x128xf32, #tpu.memory_space<hbm>>
    tpu.enqueue_indirect_dma source(%dma_start3A_49 : memref<1000000x128xf32, #tpu.memory_space<hbm>>) target(%dma_start3A_43 : memref<128x128xf32, #tpu.memory_space<vmem>>) offsets(%dma_start3A_46 : memref<128xi32, #tpu.memory_space<vmem>>) semaphore(%arg12 : memref<!tpu.dma_semaphore, #tpu.memory_space<semaphore_mem>>)
    %dma_start3A_50 = arith.constant 0 : i32
    %dma_start3A_51 = arith.constant 1 : i32
    %dma_start3A_52 = arith.constant 128 : i32
    %dma_start3A_53 = arith.constant 0 : i32
    %dma_start3A_54 = tpu.memref_slice %arg7[%dma_start3A_52, %dma_start3A_53] : memref<200x128xf32, #tpu.memory_space<vmem>> -> memref<72x128xf32, #tpu.memory_space<vmem>>
    %dma_start3A_55 = arith.constant 128 : i32
    %dma_start3A_56 = tpu.memref_slice %arg5[%dma_start3A_50, %dma_start3A_51, %dma_start3A_55] : memref<2x32x200xi32, #tpu.memory_space<vmem>> -> memref<1x1x72xi32, #tpu.memory_space<vmem>>
    %dma_start3A_57 = tpu.memref_squeeze %dma_start3A_56 : memref<1x1x72xi32, #tpu.memory_space<vmem>> -> memref<72xi32, #tpu.memory_space<vmem>>
    %dma_start3A_58 = arith.constant 0 : i32
    %dma_start3A_59 = arith.constant 0 : i32
    %dma_start3A_60 = tpu.memref_slice %arg3[%dma_start3A_58, %dma_start3A_59] : memref<1000000x128xf32, #tpu.memory_space<hbm>> -> memref<1000000x128xf32, #tpu.memory_space<hbm>>
    tpu.enqueue_indirect_dma source(%dma_start3A_60 : memref<1000000x128xf32, #tpu.memory_space<hbm>>) target(%dma_start3A_54 : memref<72x128xf32, #tpu.memory_space<vmem>>) offsets(%dma_start3A_57 : memref<72xi32, #tpu.memory_space<vmem>>) semaphore(%arg12 : memref<!tpu.dma_semaphore, #tpu.memory_space<semaphore_mem>>)
    %dma_start3A_61 = arith.constant 0 : i32
    %dma_start3A_62 = arith.constant 2 : i32
    %dma_start3A_63 = arith.constant 0 : i32
    %dma_start3A_64 = arith.constant 0 : i32
    %dma_start3A_65 = tpu.memref_slice %arg8[%dma_start3A_63, %dma_start3A_64] : memref<200x128xf32, #tpu.memory_space<vmem>> -> memref<128x128xf32, #tpu.memory_space<vmem>>
    %dma_start3A_66 = arith.constant 0 : i32
    %dma_start3A_67 = tpu.memref_slice %arg5[%dma_start3A_61, %dma_start3A_62, %dma_start3A_66] : memref<2x32x200xi32, #tpu.memory_space<vmem>> -> memref<1x1x128xi32, #tpu.memory_space<vmem>>
    %dma_start3A_68 = tpu.memref_squeeze %dma_start3A_67 : memref<1x1x128xi32, #tpu.memory_space<vmem>> -> memref<128xi32, #tpu.memory_space<vmem>>
    %dma_start3A_69 = arith.constant 0 : i32
    %dma_start3A_70 = arith.constant 0 : i32
    %dma_start3A_71 = tpu.memref_slice %arg3[%dma_start3A_69, %dma_start3A_70] : memref<1000000x128xf32, #tpu.memory_space<hbm>> -> memref<1000000x128xf32, #tpu.memory_space<hbm>>
    tpu.enqueue_indirect_dma source(%dma_start3A_71 : memref<1000000x128xf32, #tpu.memory_space<hbm>>) target(%dma_start3A_65 : memref<128x128xf32, #tpu.memory_space<vmem>>) offsets(%dma_start3A_68 : memref<128xi32, #tpu.memory_space<vmem>>) semaphore(%arg13 : memref<!tpu.dma_semaphore, #tpu.memory_space<semaphore_mem>>)
    %dma_start3A_72 = arith.constant 0 : i32
    %dma_start3A_73 = arith.constant 2 : i32
    %dma_start3A_74 = arith.constant 128 : i32
    %dma_start3A_75 = arith.constant 0 : i32
    %dma_start3A_76 = tpu.memref_slice %arg8[%dma_start3A_74, %dma_start3A_75] : memref<200x128xf32, #tpu.memory_space<vmem>> -> memref<72x128xf32, #tpu.memory_space<vmem>>
    %dma_start3A_77 = arith.constant 128 : i32
    %dma_start3A_78 = tpu.memref_slice %arg5[%dma_start3A_72, %dma_start3A_73, %dma_start3A_77] : memref<2x32x200xi32, #tpu.memory_space<vmem>> -> memref<1x1x72xi32, #tpu.memory_space<vmem>>
    %dma_start3A_79 = tpu.memref_squeeze %dma_start3A_78 : memref<1x1x72xi32, #tpu.memory_space<vmem>> -> memref<72xi32, #tpu.memory_space<vmem>>
    %dma_start3A_80 = arith.constant 0 : i32
    %dma_start3A_81 = arith.constant 0 : i32
    %dma_start3A_82 = tpu.memref_slice %arg3[%dma_start3A_80, %dma_start3A_81] : memref<1000000x128xf32, #tpu.memory_space<hbm>> -> memref<1000000x128xf32, #tpu.memory_space<hbm>>
    tpu.enqueue_indirect_dma source(%dma_start3A_82 : memref<1000000x128xf32, #tpu.memory_space<hbm>>) target(%dma_start3A_76 : memref<72x128xf32, #tpu.memory_space<vmem>>) offsets(%dma_start3A_79 : memref<72xi32, #tpu.memory_space<vmem>>) semaphore(%arg13 : memref<!tpu.dma_semaphore, #tpu.memory_space<semaphore_mem>>)
    %dma_start3A_83 = arith.constant 0 : i32
    %dma_start3A_84 = arith.constant 3 : i32
    %dma_start3A_85 = arith.constant 0 : i32
    %dma_start3A_86 = arith.constant 0 : i32
    %dma_start3A_87 = tpu.memref_slice %arg9[%dma_start3A_85, %dma_start3A_86] : memref<200x128xf32, #tpu.memory_space<vmem>> -> memref<128x128xf32, #tpu.memory_space<vmem>>
    %dma_start3A_88 = arith.constant 0 : i32
    %dma_start3A_89 = tpu.memref_slice %arg5[%dma_start3A_83, %dma_start3A_84, %dma_start3A_88] : memref<2x32x200xi32, #tpu.memory_space<vmem>> -> memref<1x1x128xi32, #tpu.memory_space<vmem>>
    %dma_start3A_90 = tpu.memref_squeeze %dma_start3A_89 : memref<1x1x128xi32, #tpu.memory_space<vmem>> -> memref<128xi32, #tpu.memory_space<vmem>>
    %dma_start3A_91 = arith.constant 0 : i32
    %dma_start3A_92 = arith.constant 0 : i32
    %dma_start3A_93 = tpu.memref_slice %arg3[%dma_start3A_91, %dma_start3A_92] : memref<1000000x128xf32, #tpu.memory_space<hbm>> -> memref<1000000x128xf32, #tpu.memory_space<hbm>>
    tpu.enqueue_indirect_dma source(%dma_start3A_93 : memref<1000000x128xf32, #tpu.memory_space<hbm>>) target(%dma_start3A_87 : memref<128x128xf32, #tpu.memory_space<vmem>>) offsets(%dma_start3A_90 : memref<128xi32, #tpu.memory_space<vmem>>) semaphore(%arg14 : memref<!tpu.dma_semaphore, #tpu.memory_space<semaphore_mem>>)
    %dma_start3A_94 = arith.constant 0 : i32
    %dma_start3A_95 = arith.constant 3 : i32
    %dma_start3A_96 = arith.constant 128 : i32
    %dma_start3A_97 = arith.constant 0 : i32
    %dma_start3A_98 = tpu.memref_slice %arg9[%dma_start3A_96, %dma_start3A_97] : memref<200x128xf32, #tpu.memory_space<vmem>> -> memref<72x128xf32, #tpu.memory_space<vmem>>
    %dma_start3A_99 = arith.constant 128 : i32
    %dma_start3A_100 = tpu.memref_slice %arg5[%dma_start3A_94, %dma_start3A_95, %dma_start3A_99] : memref<2x32x200xi32, #tpu.memory_space<vmem>> -> memref<1x1x72xi32, #tpu.memory_space<vmem>>
    %dma_start3A_101 = tpu.memref_squeeze %dma_start3A_100 : memref<1x1x72xi32, #tpu.memory_space<vmem>> -> memref<72xi32, #tpu.memory_space<vmem>>
    %dma_start3A_102 = arith.constant 0 : i32
    %dma_start3A_103 = arith.constant 0 : i32
    %dma_start3A_104 = tpu.memref_slice %arg3[%dma_start3A_102, %dma_start3A_103] : memref<1000000x128xf32, #tpu.memory_space<hbm>> -> memref<1000000x128xf32, #tpu.memory_space<hbm>>
    tpu.enqueue_indirect_dma source(%dma_start3A_104 : memref<1000000x128xf32, #tpu.memory_space<hbm>>) target(%dma_start3A_98 : memref<72x128xf32, #tpu.memory_space<vmem>>) offsets(%dma_start3A_101 : memref<72xi32, #tpu.memory_space<vmem>>) semaphore(%arg14 : memref<!tpu.dma_semaphore, #tpu.memory_space<semaphore_mem>>)
    %scan3A = arith.constant 0 : i32
    %scan3A_105 = arith.constant 0 : i32
    %scan3A_106 = arith.constant 32 : i32
    %scan3A_107 = arith.addi %scan3A_105, %scan3A_106 : i32
    %scan3A_108 = arith.constant 1 : i32
    scf.for %scan3A_110 = %scan3A_105 to %scan3A_107 step %scan3A_108  : i32 {
      %jit3A = arith.constant 8 : i32
      %eq3A = arith.constant 0 : i32
      %eq3A_111 = arith.cmpi eq, %jit3A, %eq3A : i32
      %jit3A_112 = arith.constant 1 : i32
      %select_n3A = arith.select %eq3A_111, %jit3A_112, %jit3A : i32
      %rem3A = arith.remsi %scan3A_110, %select_n3A : i32
      %ne3A = arith.constant 0 : i32
      %ne3A_113 = arith.cmpi ne, %rem3A, %ne3A : i32
      %lt3A = arith.constant 0 : i32
      %lt3A_114 = arith.cmpi slt, %rem3A, %lt3A : i32
      %lt3A_115 = arith.constant 0 : i32
      %lt3A_116 = arith.cmpi slt, %select_n3A, %lt3A_115 : i32
      %ne3A_117 = arith.xori %lt3A_114, %lt3A_116 : i1
      %and3A = arith.andi %ne3A_117, %ne3A_113 : i1
      %add3A_118 = arith.addi %rem3A, %select_n3A : i32
      %select_n3A_119 = arith.select %and3A, %add3A_118, %rem3A : i32
      %eq3A_120 = arith.constant 7 : i32
      %eq3A_121 = arith.cmpi eq, %select_n3A_119, %eq3A_120 : i32
      %jit3A_122 = arith.constant 8 : i32
      %div3A = arith.divsi %scan3A_110, %jit3A_122 : i32
      %sign3A = arith.constant 0 : i32
      %sign3A_123 = arith.cmpi sgt, %scan3A_110, %sign3A : i32
      %sign3A_124 = arith.extui %sign3A_123 : i1 to i32
      %sign3A_125 = arith.constant 0 : i32
      %sign3A_126 = arith.cmpi slt, %scan3A_110, %sign3A_125 : i32
      %sign3A_127 = arith.extui %sign3A_126 : i1 to i32
      %sign3A_128 = arith.subi %sign3A_124, %sign3A_127 : i32
      %sign3A_129 = arith.constant 0 : i32
      %sign3A_130 = arith.cmpi sgt, %jit3A_122, %sign3A_129 : i32
      %sign3A_131 = arith.extui %sign3A_130 : i1 to i32
      %sign3A_132 = arith.constant 0 : i32
      %sign3A_133 = arith.cmpi slt, %jit3A_122, %sign3A_132 : i32
      %sign3A_134 = arith.extui %sign3A_133 : i1 to i32
      %sign3A_135 = arith.subi %sign3A_131, %sign3A_134 : i32
      %ne3A_136 = arith.cmpi ne, %sign3A_128, %sign3A_135 : i32
      %rem3A_137 = arith.remsi %scan3A_110, %jit3A_122 : i32
      %ne3A_138 = arith.constant 0 : i32
      %ne3A_139 = arith.cmpi ne, %rem3A_137, %ne3A_138 : i32
      %and3A_140 = arith.andi %ne3A_136, %ne3A_139 : i1
      %sub3A = arith.constant 1 : i32
      %sub3A_141 = arith.subi %div3A, %sub3A : i32
      %select_n3A_142 = arith.select %and3A_140, %sub3A_141, %div3A : i32
      %add3A_143 = arith.constant 1 : i32
      %add3A_144 = arith.addi %select_n3A_142, %add3A_143 : i32
      %le3A = arith.constant 3 : i32
      %le3A_145 = arith.cmpi sle, %add3A_144, %le3A : i32
      %and3A_146 = arith.andi %eq3A_121, %le3A_145 : i1
      %convert_element_type3A = arith.extui %and3A_146 : i1 to i32
      %cond3A = arith.constant 0 : i32
      %cond3A_147 = arith.cmpi ne, %convert_element_type3A, %cond3A : i32
      scf.if %cond3A_147 {
        %dma_wait3A_1190 = arith.constant 0 : i32
        %dma_wait3A_1191 = arith.constant 0 : i32
        %dma_wait3A_1192 = arith.constant 0 : i32
        %dma_wait3A_1193 = tpu.memref_slice %arg5[%dma_wait3A_1190, %dma_wait3A_1191, %dma_wait3A_1192] : memref<2x32x200xi32, #tpu.memory_space<vmem>> -> memref<1x32x200xi32, #tpu.memory_space<vmem>>
        %dma_wait3A_1194 = tpu.memref_squeeze %dma_wait3A_1193 : memref<1x32x200xi32, #tpu.memory_space<vmem>> -> memref<32x200xi32, #tpu.memory_space<vmem>>
        %dma_wait3A_1195 = arith.constant 0 : i32
        %dma_wait3A_1196 = arith.constant 0 : i32
        %dma_wait3A_1197 = tpu.memref_slice %arg2[%dma_wait3A_1195, %dma_wait3A_1196] : memref<4096x200xi32, #tpu.memory_space<hbm>> -> memref<32x200xi32, #tpu.memory_space<hbm>>
        %dma_wait3A_1198 = arith.constant 0 : i32
        %dma_wait3A_1199 = arith.constant 0 : i32
        %dma_wait3A_1200 = tpu.memref_slice %arg5[%dma_wait3A_1190, %dma_wait3A_1198, %dma_wait3A_1199] : memref<2x32x200xi32, #tpu.memory_space<vmem>> -> memref<1x32x200xi32, #tpu.memory_space<vmem>>
        %dma_wait3A_1201 = tpu.memref_squeeze %dma_wait3A_1200 : memref<1x32x200xi32, #tpu.memory_space<vmem>> -> memref<32x200xi32, #tpu.memory_space<vmem>>
        %dma_wait3A_1202 = arith.constant 0 : i32
        %dma_wait3A_1203 = arith.constant 0 : i32
        %dma_wait3A_1204 = tpu.memref_slice %arg2[%dma_wait3A_1202, %dma_wait3A_1203] : memref<4096x200xi32, #tpu.memory_space<hbm>> -> memref<32x200xi32, #tpu.memory_space<hbm>>
        tpu.wait_dma2 semaphore(%arg15 : memref<!tpu.dma_semaphore, #tpu.memory_space<semaphore_mem>>) src(%dma_wait3A_1204 : memref<32x200xi32, #tpu.memory_space<hbm>>) dst(%dma_wait3A_1201 : memref<32x200xi32, #tpu.memory_space<vmem>>)
      } else {
      }
      %mul3A_148 = arith.constant 4 : i32
      %mul3A_149 = arith.muli %mul3A_148, %scan3A_110 : i32
      %add3A_150 = arith.constant 0 : i32
      %add3A_151 = arith.addi %mul3A_149, %add3A_150 : i32
      %dma_wait3A = arith.constant 0 : i32
      %dma_wait3A_152 = arith.constant 0 : i32
      %dma_wait3A_153 = arith.constant 0 : i32
      %dma_wait3A_154 = arith.constant 0 : i32
      %dma_wait3A_155 = tpu.memref_slice %arg6[%dma_wait3A_153, %dma_wait3A_154] : memref<200x128xf32, #tpu.memory_space<vmem>> -> memref<128x128xf32, #tpu.memory_space<vmem>>
      %dma_wait3A_156 = arith.constant 0 : i32
      %dma_wait3A_157 = tpu.memref_slice %arg5[%dma_wait3A, %dma_wait3A_152, %dma_wait3A_156] : memref<2x32x200xi32, #tpu.memory_space<vmem>> -> memref<1x1x128xi32, #tpu.memory_space<vmem>>
      %dma_wait3A_158 = tpu.memref_squeeze %dma_wait3A_157 : memref<1x1x128xi32, #tpu.memory_space<vmem>> -> memref<128xi32, #tpu.memory_space<vmem>>
      %dma_wait3A_159 = arith.constant 0 : i32
      %dma_wait3A_160 = arith.constant 0 : i32
      %dma_wait3A_161 = tpu.memref_slice %arg3[%dma_wait3A_159, %dma_wait3A_160] : memref<1000000x128xf32, #tpu.memory_space<hbm>> -> memref<1000000x128xf32, #tpu.memory_space<hbm>>
      tpu.wait_indirect_dma semaphore(%arg11 : memref<!tpu.dma_semaphore, #tpu.memory_space<semaphore_mem>>) src(%dma_wait3A_161 : memref<1000000x128xf32, #tpu.memory_space<hbm>>) dst(%dma_wait3A_155 : memref<128x128xf32, #tpu.memory_space<vmem>>)
      %dma_wait3A_162 = arith.constant 0 : i32
      %dma_wait3A_163 = arith.constant 0 : i32
      %dma_wait3A_164 = arith.constant 128 : i32
      %dma_wait3A_165 = arith.constant 0 : i32
      %dma_wait3A_166 = tpu.memref_slice %arg6[%dma_wait3A_164, %dma_wait3A_165] : memref<200x128xf32, #tpu.memory_space<vmem>> -> memref<72x128xf32, #tpu.memory_space<vmem>>
      %dma_wait3A_167 = arith.constant 128 : i32
      %dma_wait3A_168 = tpu.memref_slice %arg5[%dma_wait3A_162, %dma_wait3A_163, %dma_wait3A_167] : memref<2x32x200xi32, #tpu.memory_space<vmem>> -> memref<1x1x72xi32, #tpu.memory_space<vmem>>
      %dma_wait3A_169 = tpu.memref_squeeze %dma_wait3A_168 : memref<1x1x72xi32, #tpu.memory_space<vmem>> -> memref<72xi32, #tpu.memory_space<vmem>>
      %dma_wait3A_170 = arith.constant 0 : i32
      %dma_wait3A_171 = arith.constant 0 : i32
      %dma_wait3A_172 = tpu.memref_slice %arg3[%dma_wait3A_170, %dma_wait3A_171] : memref<1000000x128xf32, #tpu.memory_space<hbm>> -> memref<1000000x128xf32, #tpu.memory_space<hbm>>
      tpu.wait_indirect_dma semaphore(%arg11 : memref<!tpu.dma_semaphore, #tpu.memory_space<semaphore_mem>>) src(%dma_wait3A_172 : memref<1000000x128xf32, #tpu.memory_space<hbm>>) dst(%dma_wait3A_166 : memref<72x128xf32, #tpu.memory_space<vmem>>)
      %broadcast_in_dim3A = arith.constant 0.000000e+00 : f32
      %broadcast_in_dim3A_173 = vector.broadcast %broadcast_in_dim3A : f32 to vector<16xf32>
      %broadcast_in_dim3A_174 = arith.constant 0.000000e+00 : f32
      %broadcast_in_dim3A_175 = vector.broadcast %broadcast_in_dim3A_174 : f32 to vector<16xf32>
      %broadcast_in_dim3A_176 = arith.constant 0.000000e+00 : f32
      %broadcast_in_dim3A_177 = vector.broadcast %broadcast_in_dim3A_176 : f32 to vector<16xf32>
      %broadcast_in_dim3A_178 = arith.constant 0.000000e+00 : f32
      %broadcast_in_dim3A_179 = vector.broadcast %broadcast_in_dim3A_178 : f32 to vector<16xf32>
      %broadcast_in_dim3A_180 = arith.constant 0.000000e+00 : f32
      %broadcast_in_dim3A_181 = vector.broadcast %broadcast_in_dim3A_180 : f32 to vector<16xf32>
      %broadcast_in_dim3A_182 = arith.constant 0.000000e+00 : f32
      %broadcast_in_dim3A_183 = vector.broadcast %broadcast_in_dim3A_182 : f32 to vector<16xf32>
      %broadcast_in_dim3A_184 = arith.constant 0.000000e+00 : f32
      %broadcast_in_dim3A_185 = vector.broadcast %broadcast_in_dim3A_184 : f32 to vector<16xf32>
      %broadcast_in_dim3A_186 = arith.constant 0.000000e+00 : f32
      %broadcast_in_dim3A_187 = vector.broadcast %broadcast_in_dim3A_186 : f32 to vector<16xf32>
      %scan3A_188 = arith.constant 0 : i32
      %scan3A_189 = arith.constant 50 : i32
      %scan3A_190 = arith.addi %scan3A_188, %scan3A_189 : i32
      %scan3A_191 = arith.constant 1 : i32
      %scan3A_192:8 = scf.for %scan3A_1190 = %scan3A_188 to %scan3A_190 step %scan3A_191 iter_args(%scan3A_1191 = %broadcast_in_dim3A_173, %scan3A_1192 = %broadcast_in_dim3A_175, %scan3A_1193 = %broadcast_in_dim3A_177, %scan3A_1194 = %broadcast_in_dim3A_179, %scan3A_1195 = %broadcast_in_dim3A_181, %scan3A_1196 = %broadcast_in_dim3A_183, %scan3A_1197 = %broadcast_in_dim3A_185, %scan3A_1198 = %broadcast_in_dim3A_187) -> (vector<16xf32>, vector<16xf32>, vector<16xf32>, vector<16xf32>, vector<16xf32>, vector<16xf32>, vector<16xf32>, vector<16xf32>)  : i32 {
        %mul3A_1199 = arith.constant 4 : i32
        %mul3A_1200 = arith.muli %mul3A_1199, %scan3A_1190 : i32
        %add3A_1201 = arith.constant 0 : i32
        %add3A_1202 = arith.addi %mul3A_1200, %add3A_1201 : i32
        %get3A = arith.index_cast %add3A_1202 : i32 to index
        %get3A_1203 = arith.constant 0 : index
        %get3A_1204 = tpu.vector_load %arg6[%get3A, %get3A_1203] {strides = array<i32>} : memref<200x128xf32, #tpu.memory_space<vmem>>, vector<1x16xf32>,
        %get3A_1205 = vector.shape_cast %get3A_1204 : vector<1x16xf32> to vector<16xf32>
        %add3A_1206 = arith.addf %scan3A_1191, %get3A_1205 : vector<16xf32>
        %get3A_1207 = arith.index_cast %add3A_1202 : i32 to index
        %get3A_1208 = arith.constant 16 : index
        %get3A_1209 = tpu.vector_load %arg6[%get3A_1207, %get3A_1208] {strides = array<i32>} : memref<200x128xf32, #tpu.memory_space<vmem>>, vector<1x16xf32>,
        %get3A_1210 = vector.shape_cast %get3A_1209 : vector<1x16xf32> to vector<16xf32>
        %add3A_1211 = arith.addf %scan3A_1192, %get3A_1210 : vector<16xf32>
        %get3A_1212 = arith.index_cast %add3A_1202 : i32 to index
        %get3A_1213 = arith.constant 32 : index
        %get3A_1214 = tpu.vector_load %arg6[%get3A_1212, %get3A_1213] {strides = array<i32>} : memref<200x128xf32, #tpu.memory_space<vmem>>, vector<1x16xf32>,
        %get3A_1215 = vector.shape_cast %get3A_1214 : vector<1x16xf32> to vector<16xf32>
        %add3A_1216 = arith.addf %scan3A_1193, %get3A_1215 : vector<16xf32>
        %get3A_1217 = arith.index_cast %add3A_1202 : i32 to index
        %get3A_1218 = arith.constant 48 : index
        %get3A_1219 = tpu.vector_load %arg6[%get3A_1217, %get3A_1218] {strides = array<i32>} : memref<200x128xf32, #tpu.memory_space<vmem>>, vector<1x16xf32>,
        %get3A_1220 = vector.shape_cast %get3A_1219 : vector<1x16xf32> to vector<16xf32>
        %add3A_1221 = arith.addf %scan3A_1194, %get3A_1220 : vector<16xf32>
        %get3A_1222 = arith.index_cast %add3A_1202 : i32 to index
        %get3A_1223 = arith.constant 64 : index
        %get3A_1224 = tpu.vector_load %arg6[%get3A_1222, %get3A_1223] {strides = array<i32>} : memref<200x128xf32, #tpu.memory_space<vmem>>, vector<1x16xf32>,
        %get3A_1225 = vector.shape_cast %get3A_1224 : vector<1x16xf32> to vector<16xf32>
        %add3A_1226 = arith.addf %scan3A_1195, %get3A_1225 : vector<16xf32>
        %get3A_1227 = arith.index_cast %add3A_1202 : i32 to index
        %get3A_1228 = arith.constant 80 : index
        %get3A_1229 = tpu.vector_load %arg6[%get3A_1227, %get3A_1228] {strides = array<i32>} : memref<200x128xf32, #tpu.memory_space<vmem>>, vector<1x16xf32>,
        %get3A_1230 = vector.shape_cast %get3A_1229 : vector<1x16xf32> to vector<16xf32>
        %add3A_1231 = arith.addf %scan3A_1196, %get3A_1230 : vector<16xf32>
        %get3A_1232 = arith.index_cast %add3A_1202 : i32 to index
        %get3A_1233 = arith.constant 96 : index
        %get3A_1234 = tpu.vector_load %arg6[%get3A_1232, %get3A_1233] {strides = array<i32>} : memref<200x128xf32, #tpu.memory_space<vmem>>, vector<1x16xf32>,
        %get3A_1235 = vector.shape_cast %get3A_1234 : vector<1x16xf32> to vector<16xf32>
        %add3A_1236 = arith.addf %scan3A_1197, %get3A_1235 : vector<16xf32>
        %get3A_1237 = arith.index_cast %add3A_1202 : i32 to index
        %get3A_1238 = arith.constant 112 : index
        %get3A_1239 = tpu.vector_load %arg6[%get3A_1237, %get3A_1238] {strides = array<i32>} : memref<200x128xf32, #tpu.memory_space<vmem>>, vector<1x16xf32>,
        %get3A_1240 = vector.shape_cast %get3A_1239 : vector<1x16xf32> to vector<16xf32>
        %add3A_1241 = arith.addf %scan3A_1198, %get3A_1240 : vector<16xf32>
        %mul3A_1242 = arith.constant 4 : i32
        %mul3A_1243 = arith.muli %mul3A_1242, %scan3A_1190 : i32
        %add3A_1244 = arith.constant 1 : i32
        %add3A_1245 = arith.addi %mul3A_1243, %add3A_1244 : i32
        %get3A_1246 = arith.index_cast %add3A_1245 : i32 to index
        %get3A_1247 = arith.constant 0 : index
        %get3A_1248 = tpu.vector_load %arg6[%get3A_1246, %get3A_1247] {strides = array<i32>} : memref<200x128xf32, #tpu.memory_space<vmem>>, vector<1x16xf32>,
        %get3A_1249 = vector.shape_cast %get3A_1248 : vector<1x16xf32> to vector<16xf32>
        %add3A_1250 = arith.addf %add3A_1206, %get3A_1249 : vector<16xf32>
        %get3A_1251 = arith.index_cast %add3A_1245 : i32 to index
        %get3A_1252 = arith.constant 16 : index
        %get3A_1253 = tpu.vector_load %arg6[%get3A_1251, %get3A_1252] {strides = array<i32>} : memref<200x128xf32, #tpu.memory_space<vmem>>, vector<1x16xf32>,
        %get3A_1254 = vector.shape_cast %get3A_1253 : vector<1x16xf32> to vector<16xf32>
        %add3A_1255 = arith.addf %add3A_1211, %get3A_1254 : vector<16xf32>
        %get3A_1256 = arith.index_cast %add3A_1245 : i32 to index
        %get3A_1257 = arith.constant 32 : index
        %get3A_1258 = tpu.vector_load %arg6[%get3A_1256, %get3A_1257] {strides = array<i32>} : memref<200x128xf32, #tpu.memory_space<vmem>>, vector<1x16xf32>,
        %get3A_1259 = vector.shape_cast %get3A_1258 : vector<1x16xf32> to vector<16xf32>
        %add3A_1260 = arith.addf %add3A_1216, %get3A_1259 : vector<16xf32>
        %get3A_1261 = arith.index_cast %add3A_1245 : i32 to index
        %get3A_1262 = arith.constant 48 : index
        %get3A_1263 = tpu.vector_load %arg6[%get3A_1261, %get3A_1262] {strides = array<i32>} : memref<200x128xf32, #tpu.memory_space<vmem>>, vector<1x16xf32>,
        %get3A_1264 = vector.shape_cast %get3A_1263 : vector<1x16xf32> to vector<16xf32>
        %add3A_1265 = arith.addf %add3A_1221, %get3A_1264 : vector<16xf32>
        %get3A_1266 = arith.index_cast %add3A_1245 : i32 to index
        %get3A_1267 = arith.constant 64 : index
        %get3A_1268 = tpu.vector_load %arg6[%get3A_1266, %get3A_1267] {strides = array<i32>} : memref<200x128xf32, #tpu.memory_space<vmem>>, vector<1x16xf32>,
        %get3A_1269 = vector.shape_cast %get3A_1268 : vector<1x16xf32> to vector<16xf32>
        %add3A_1270 = arith.addf %add3A_1226, %get3A_1269 : vector<16xf32>
        %get3A_1271 = arith.index_cast %add3A_1245 : i32 to index
        %get3A_1272 = arith.constant 80 : index
        %get3A_1273 = tpu.vector_load %arg6[%get3A_1271, %get3A_1272] {strides = array<i32>} : memref<200x128xf32, #tpu.memory_space<vmem>>, vector<1x16xf32>,
        %get3A_1274 = vector.shape_cast %get3A_1273 : vector<1x16xf32> to vector<16xf32>
        %add3A_1275 = arith.addf %add3A_1231, %get3A_1274 : vector<16xf32>
        %get3A_1276 = arith.index_cast %add3A_1245 : i32 to index
        %get3A_1277 = arith.constant 96 : index
        %get3A_1278 = tpu.vector_load %arg6[%get3A_1276, %get3A_1277] {strides = array<i32>} : memref<200x128xf32, #tpu.memory_space<vmem>>, vector<1x16xf32>,
        %get3A_1279 = vector.shape_cast %get3A_1278 : vector<1x16xf32> to vector<16xf32>
        %add3A_1280 = arith.addf %add3A_1236, %get3A_1279 : vector<16xf32>
        %get3A_1281 = arith.index_cast %add3A_1245 : i32 to index
        %get3A_1282 = arith.constant 112 : index
        %get3A_1283 = tpu.vector_load %arg6[%get3A_1281, %get3A_1282] {strides = array<i32>} : memref<200x128xf32, #tpu.memory_space<vmem>>, vector<1x16xf32>,
        %get3A_1284 = vector.shape_cast %get3A_1283 : vector<1x16xf32> to vector<16xf32>
        %add3A_1285 = arith.addf %add3A_1241, %get3A_1284 : vector<16xf32>
        %mul3A_1286 = arith.constant 4 : i32
        %mul3A_1287 = arith.muli %mul3A_1286, %scan3A_1190 : i32
        %add3A_1288 = arith.constant 2 : i32
        %add3A_1289 = arith.addi %mul3A_1287, %add3A_1288 : i32
        %get3A_1290 = arith.index_cast %add3A_1289 : i32 to index
        %get3A_1291 = arith.constant 0 : index
        %get3A_1292 = tpu.vector_load %arg6[%get3A_1290, %get3A_1291] {strides = array<i32>} : memref<200x128xf32, #tpu.memory_space<vmem>>, vector<1x16xf32>,
        %get3A_1293 = vector.shape_cast %get3A_1292 : vector<1x16xf32> to vector<16xf32>
        %add3A_1294 = arith.addf %add3A_1250, %get3A_1293 : vector<16xf32>
        %get3A_1295 = arith.index_cast %add3A_1289 : i32 to index
        %get3A_1296 = arith.constant 16 : index
        %get3A_1297 = tpu.vector_load %arg6[%get3A_1295, %get3A_1296] {strides = array<i32>} : memref<200x128xf32, #tpu.memory_space<vmem>>, vector<1x16xf32>,
        %get3A_1298 = vector.shape_cast %get3A_1297 : vector<1x16xf32> to vector<16xf32>
        %add3A_1299 = arith.addf %add3A_1255, %get3A_1298 : vector<16xf32>
        %get3A_1300 = arith.index_cast %add3A_1289 : i32 to index
        %get3A_1301 = arith.constant 32 : index
        %get3A_1302 = tpu.vector_load %arg6[%get3A_1300, %get3A_1301] {strides = array<i32>} : memref<200x128xf32, #tpu.memory_space<vmem>>, vector<1x16xf32>,
        %get3A_1303 = vector.shape_cast %get3A_1302 : vector<1x16xf32> to vector<16xf32>
        %add3A_1304 = arith.addf %add3A_1260, %get3A_1303 : vector<16xf32>
        %get3A_1305 = arith.index_cast %add3A_1289 : i32 to index
        %get3A_1306 = arith.constant 48 : index
        %get3A_1307 = tpu.vector_load %arg6[%get3A_1305, %get3A_1306] {strides = array<i32>} : memref<200x128xf32, #tpu.memory_space<vmem>>, vector<1x16xf32>,
        %get3A_1308 = vector.shape_cast %get3A_1307 : vector<1x16xf32> to vector<16xf32>
        %add3A_1309 = arith.addf %add3A_1265, %get3A_1308 : vector<16xf32>
        %get3A_1310 = arith.index_cast %add3A_1289 : i32 to index
        %get3A_1311 = arith.constant 64 : index
        %get3A_1312 = tpu.vector_load %arg6[%get3A_1310, %get3A_1311] {strides = array<i32>} : memref<200x128xf32, #tpu.memory_space<vmem>>, vector<1x16xf32>,
        %get3A_1313 = vector.shape_cast %get3A_1312 : vector<1x16xf32> to vector<16xf32>
        %add3A_1314 = arith.addf %add3A_1270, %get3A_1313 : vector<16xf32>
        %get3A_1315 = arith.index_cast %add3A_1289 : i32 to index
        %get3A_1316 = arith.constant 80 : index
        %get3A_1317 = tpu.vector_load %arg6[%get3A_1315, %get3A_1316] {strides = array<i32>} : memref<200x128xf32, #tpu.memory_space<vmem>>, vector<1x16xf32>,
        %get3A_1318 = vector.shape_cast %get3A_1317 : vector<1x16xf32> to vector<16xf32>
        %add3A_1319 = arith.addf %add3A_1275, %get3A_1318 : vector<16xf32>
        %get3A_1320 = arith.index_cast %add3A_1289 : i32 to index
        %get3A_1321 = arith.constant 96 : index
        %get3A_1322 = tpu.vector_load %arg6[%get3A_1320, %get3A_1321] {strides = array<i32>} : memref<200x128xf32, #tpu.memory_space<vmem>>, vector<1x16xf32>,
        %get3A_1323 = vector.shape_cast %get3A_1322 : vector<1x16xf32> to vector<16xf32>
        %add3A_1324 = arith.addf %add3A_1280, %get3A_1323 : vector<16xf32>
        %get3A_1325 = arith.index_cast %add3A_1289 : i32 to index
        %get3A_1326 = arith.constant 112 : index
        %get3A_1327 = tpu.vector_load %arg6[%get3A_1325, %get3A_1326] {strides = array<i32>} : memref<200x128xf32, #tpu.memory_space<vmem>>, vector<1x16xf32>,
        %get3A_1328 = vector.shape_cast %get3A_1327 : vector<1x16xf32> to vector<16xf32>
        %add3A_1329 = arith.addf %add3A_1285, %get3A_1328 : vector<16xf32>
        %mul3A_1330 = arith.constant 4 : i32
        %mul3A_1331 = arith.muli %mul3A_1330, %scan3A_1190 : i32
        %add3A_1332 = arith.constant 3 : i32
        %add3A_1333 = arith.addi %mul3A_1331, %add3A_1332 : i32
        %get3A_1334 = arith.index_cast %add3A_1333 : i32 to index
        %get3A_1335 = arith.constant 0 : index
        %get3A_1336 = tpu.vector_load %arg6[%get3A_1334, %get3A_1335] {strides = array<i32>} : memref<200x128xf32, #tpu.memory_space<vmem>>, vector<1x16xf32>,
        %get3A_1337 = vector.shape_cast %get3A_1336 : vector<1x16xf32> to vector<16xf32>
        %add3A_1338 = arith.addf %add3A_1294, %get3A_1337 : vector<16xf32>
        %get3A_1339 = arith.index_cast %add3A_1333 : i32 to index
        %get3A_1340 = arith.constant 16 : index
        %get3A_1341 = tpu.vector_load %arg6[%get3A_1339, %get3A_1340] {strides = array<i32>} : memref<200x128xf32, #tpu.memory_space<vmem>>, vector<1x16xf32>,
        %get3A_1342 = vector.shape_cast %get3A_1341 : vector<1x16xf32> to vector<16xf32>
        %add3A_1343 = arith.addf %add3A_1299, %get3A_1342 : vector<16xf32>
        %get3A_1344 = arith.index_cast %add3A_1333 : i32 to index
        %get3A_1345 = arith.constant 32 : index
        %get3A_1346 = tpu.vector_load %arg6[%get3A_1344, %get3A_1345] {strides = array<i32>} : memref<200x128xf32, #tpu.memory_space<vmem>>, vector<1x16xf32>,
        %get3A_1347 = vector.shape_cast %get3A_1346 : vector<1x16xf32> to vector<16xf32>
        %add3A_1348 = arith.addf %add3A_1304, %get3A_1347 : vector<16xf32>
        %get3A_1349 = arith.index_cast %add3A_1333 : i32 to index
        %get3A_1350 = arith.constant 48 : index
        %get3A_1351 = tpu.vector_load %arg6[%get3A_1349, %get3A_1350] {strides = array<i32>} : memref<200x128xf32, #tpu.memory_space<vmem>>, vector<1x16xf32>,
        %get3A_1352 = vector.shape_cast %get3A_1351 : vector<1x16xf32> to vector<16xf32>
        %add3A_1353 = arith.addf %add3A_1309, %get3A_1352 : vector<16xf32>
        %get3A_1354 = arith.index_cast %add3A_1333 : i32 to index
        %get3A_1355 = arith.constant 64 : index
        %get3A_1356 = tpu.vector_load %arg6[%get3A_1354, %get3A_1355] {strides = array<i32>} : memref<200x128xf32, #tpu.memory_space<vmem>>, vector<1x16xf32>,
        %get3A_1357 = vector.shape_cast %get3A_1356 : vector<1x16xf32> to vector<16xf32>
        %add3A_1358 = arith.addf %add3A_1314, %get3A_1357 : vector<16xf32>
        %get3A_1359 = arith.index_cast %add3A_1333 : i32 to index
        %get3A_1360 = arith.constant 80 : index
        %get3A_1361 = tpu.vector_load %arg6[%get3A_1359, %get3A_1360] {strides = array<i32>} : memref<200x128xf32, #tpu.memory_space<vmem>>, vector<1x16xf32>,
        %get3A_1362 = vector.shape_cast %get3A_1361 : vector<1x16xf32> to vector<16xf32>
        %add3A_1363 = arith.addf %add3A_1319, %get3A_1362 : vector<16xf32>
        %get3A_1364 = arith.index_cast %add3A_1333 : i32 to index
        %get3A_1365 = arith.constant 96 : index
        %get3A_1366 = tpu.vector_load %arg6[%get3A_1364, %get3A_1365] {strides = array<i32>} : memref<200x128xf32, #tpu.memory_space<vmem>>, vector<1x16xf32>,
        %get3A_1367 = vector.shape_cast %get3A_1366 : vector<1x16xf32> to vector<16xf32>
        %add3A_1368 = arith.addf %add3A_1324, %get3A_1367 : vector<16xf32>
        %get3A_1369 = arith.index_cast %add3A_1333 : i32 to index
        %get3A_1370 = arith.constant 112 : index
        %get3A_1371 = tpu.vector_load %arg6[%get3A_1369, %get3A_1370] {strides = array<i32>} : memref<200x128xf32, #tpu.memory_space<vmem>>, vector<1x16xf32>,
        %get3A_1372 = vector.shape_cast %get3A_1371 : vector<1x16xf32> to vector<16xf32>
        %add3A_1373 = arith.addf %add3A_1329, %get3A_1372 : vector<16xf32>
        scf.yield %add3A_1338, %add3A_1343, %add3A_1348, %add3A_1353, %add3A_1358, %add3A_1363, %add3A_1368, %add3A_1373 : vector<16xf32>, vector<16xf32>, vector<16xf32>, vector<16xf32>, vector<16xf32>, vector<16xf32>, vector<16xf32>, vector<16xf32>
      }
      %scan3A_193 = arith.constant 50 : i32
      %mul3A_194 = arith.constant 5.000000e-03 : f32
      %mul3A_195 = vector.broadcast %mul3A_194 : f32 to vector<16xf32>
      %mul3A_196 = arith.mulf %scan3A_192#0, %mul3A_195 : vector<16xf32>
      %jit3A_197 = arith.constant 16 : i32
      %eq3A_198 = arith.constant 0 : i32
      %eq3A_199 = arith.cmpi eq, %jit3A_197, %eq3A_198 : i32
      %jit3A_200 = arith.constant 1 : i32
      %select_n3A_201 = arith.select %eq3A_199, %jit3A_200, %jit3A_197 : i32
      %rem3A_202 = arith.remsi %add3A_151, %select_n3A_201 : i32
      %ne3A_203 = arith.constant 0 : i32
      %ne3A_204 = arith.cmpi ne, %rem3A_202, %ne3A_203 : i32
      %lt3A_205 = arith.constant 0 : i32
      %lt3A_206 = arith.cmpi slt, %rem3A_202, %lt3A_205 : i32
      %lt3A_207 = arith.constant 0 : i32
      %lt3A_208 = arith.cmpi slt, %select_n3A_201, %lt3A_207 : i32
      %ne3A_209 = arith.xori %lt3A_206, %lt3A_208 : i1
      %and3A_210 = arith.andi %ne3A_209, %ne3A_204 : i1
      %add3A_211 = arith.addi %rem3A_202, %select_n3A_201 : i32
      %select_n3A_212 = arith.select %and3A_210, %add3A_211, %rem3A_202 : i32
      %swap3A = arith.index_cast %select_n3A_212 : i32 to index
      %swap3A_213 = arith.constant 0 : index
      %swap3A_214 = tpu.vector_load %arg10[%swap3A, %swap3A_213] {strides = array<i32>} : memref<16x128xf32, #tpu.memory_space<vmem>>, vector<1x16xf32>,
      %swap3A_215 = vector.shape_cast %swap3A_214 : vector<1x16xf32> to vector<16xf32>
      %swap3A_216 = vector.shape_cast %mul3A_196 : vector<16xf32> to vector<1x16xf32>
      tpu.vector_store %arg10[%swap3A, %swap3A_213], %swap3A_216 {strides = array<i32>} : memref<16x128xf32, #tpu.memory_space<vmem>>, vector<1x16xf32>,
      %mul3A_217 = arith.constant 5.000000e-03 : f32
      %mul3A_218 = vector.broadcast %mul3A_217 : f32 to vector<16xf32>
      %mul3A_219 = arith.mulf %scan3A_192#1, %mul3A_218 : vector<16xf32>
      %jit3A_220 = arith.constant 16 : i32
      %eq3A_221 = arith.constant 0 : i32
      %eq3A_222 = arith.cmpi eq, %jit3A_220, %eq3A_221 : i32
      %jit3A_223 = arith.constant 1 : i32
      %select_n3A_224 = arith.select %eq3A_222, %jit3A_223, %jit3A_220 : i32
      %rem3A_225 = arith.remsi %add3A_151, %select_n3A_224 : i32
      %ne3A_226 = arith.constant 0 : i32
      %ne3A_227 = arith.cmpi ne, %rem3A_225, %ne3A_226 : i32
      %lt3A_228 = arith.constant 0 : i32
      %lt3A_229 = arith.cmpi slt, %rem3A_225, %lt3A_228 : i32
      %lt3A_230 = arith.constant 0 : i32
      %lt3A_231 = arith.cmpi slt, %select_n3A_224, %lt3A_230 : i32
      %ne3A_232 = arith.xori %lt3A_229, %lt3A_231 : i1
      %and3A_233 = arith.andi %ne3A_232, %ne3A_227 : i1
      %add3A_234 = arith.addi %rem3A_225, %select_n3A_224 : i32
      %select_n3A_235 = arith.select %and3A_233, %add3A_234, %rem3A_225 : i32
      %swap3A_236 = arith.index_cast %select_n3A_235 : i32 to index
      %swap3A_237 = arith.constant 16 : index
      %swap3A_238 = tpu.vector_load %arg10[%swap3A_236, %swap3A_237] {strides = array<i32>} : memref<16x128xf32, #tpu.memory_space<vmem>>, vector<1x16xf32>,
      %swap3A_239 = vector.shape_cast %swap3A_238 : vector<1x16xf32> to vector<16xf32>
      %swap3A_240 = vector.shape_cast %mul3A_219 : vector<16xf32> to vector<1x16xf32>
      tpu.vector_store %arg10[%swap3A_236, %swap3A_237], %swap3A_240 {strides = array<i32>} : memref<16x128xf32, #tpu.memory_space<vmem>>, vector<1x16xf32>,
      %mul3A_241 = arith.constant 5.000000e-03 : f32
      %mul3A_242 = vector.broadcast %mul3A_241 : f32 to vector<16xf32>
      %mul3A_243 = arith.mulf %scan3A_192#2, %mul3A_242 : vector<16xf32>
      %jit3A_244 = arith.constant 16 : i32
      %eq3A_245 = arith.constant 0 : i32
      %eq3A_246 = arith.cmpi eq, %jit3A_244, %eq3A_245 : i32
      %jit3A_247 = arith.constant 1 : i32
      %select_n3A_248 = arith.select %eq3A_246, %jit3A_247, %jit3A_244 : i32
      %rem3A_249 = arith.remsi %add3A_151, %select_n3A_248 : i32
      %ne3A_250 = arith.constant 0 : i32
      %ne3A_251 = arith.cmpi ne, %rem3A_249, %ne3A_250 : i32
      %lt3A_252 = arith.constant 0 : i32
      %lt3A_253 = arith.cmpi slt, %rem3A_249, %lt3A_252 : i32
      %lt3A_254 = arith.constant 0 : i32
      %lt3A_255 = arith.cmpi slt, %select_n3A_248, %lt3A_254 : i32
      %ne3A_256 = arith.xori %lt3A_253, %lt3A_255 : i1
      %and3A_257 = arith.andi %ne3A_256, %ne3A_251 : i1
      %add3A_258 = arith.addi %rem3A_249, %select_n3A_248 : i32
      %select_n3A_259 = arith.select %and3A_257, %add3A_258, %rem3A_249 : i32
      %swap3A_260 = arith.index_cast %select_n3A_259 : i32 to index
      %swap3A_261 = arith.constant 32 : index
      %swap3A_262 = tpu.vector_load %arg10[%swap3A_260, %swap3A_261] {strides = array<i32>} : memref<16x128xf32, #tpu.memory_space<vmem>>, vector<1x16xf32>,
      %swap3A_263 = vector.shape_cast %swap3A_262 : vector<1x16xf32> to vector<16xf32>
      %swap3A_264 = vector.shape_cast %mul3A_243 : vector<16xf32> to vector<1x16xf32>
      tpu.vector_store %arg10[%swap3A_260, %swap3A_261], %swap3A_264 {strides = array<i32>} : memref<16x128xf32, #tpu.memory_space<vmem>>, vector<1x16xf32>,
      %mul3A_265 = arith.constant 5.000000e-03 : f32
      %mul3A_266 = vector.broadcast %mul3A_265 : f32 to vector<16xf32>
      %mul3A_267 = arith.mulf %scan3A_192#3, %mul3A_266 : vector<16xf32>
      %jit3A_268 = arith.constant 16 : i32
      %eq3A_269 = arith.constant 0 : i32
      %eq3A_270 = arith.cmpi eq, %jit3A_268, %eq3A_269 : i32
      %jit3A_271 = arith.constant 1 : i32
      %select_n3A_272 = arith.select %eq3A_270, %jit3A_271, %jit3A_268 : i32
      %rem3A_273 = arith.remsi %add3A_151, %select_n3A_272 : i32
      %ne3A_274 = arith.constant 0 : i32
      %ne3A_275 = arith.cmpi ne, %rem3A_273, %ne3A_274 : i32
      %lt3A_276 = arith.constant 0 : i32
      %lt3A_277 = arith.cmpi slt, %rem3A_273, %lt3A_276 : i32
      %lt3A_278 = arith.constant 0 : i32
      %lt3A_279 = arith.cmpi slt, %select_n3A_272, %lt3A_278 : i32
      %ne3A_280 = arith.xori %lt3A_277, %lt3A_279 : i1
      %and3A_281 = arith.andi %ne3A_280, %ne3A_275 : i1
      %add3A_282 = arith.addi %rem3A_273, %select_n3A_272 : i32
      %select_n3A_283 = arith.select %and3A_281, %add3A_282, %rem3A_273 : i32
      %swap3A_284 = arith.index_cast %select_n3A_283 : i32 to index
      %swap3A_285 = arith.constant 48 : index
      %swap3A_286 = tpu.vector_load %arg10[%swap3A_284, %swap3A_285] {strides = array<i32>} : memref<16x128xf32, #tpu.memory_space<vmem>>, vector<1x16xf32>,
      %swap3A_287 = vector.shape_cast %swap3A_286 : vector<1x16xf32> to vector<16xf32>
      %swap3A_288 = vector.shape_cast %mul3A_267 : vector<16xf32> to vector<1x16xf32>
      tpu.vector_store %arg10[%swap3A_284, %swap3A_285], %swap3A_288 {strides = array<i32>} : memref<16x128xf32, #tpu.memory_space<vmem>>, vector<1x16xf32>,
      %mul3A_289 = arith.constant 5.000000e-03 : f32
      %mul3A_290 = vector.broadcast %mul3A_289 : f32 to vector<16xf32>
      %mul3A_291 = arith.mulf %scan3A_192#4, %mul3A_290 : vector<16xf32>
      %jit3A_292 = arith.constant 16 : i32
      %eq3A_293 = arith.constant 0 : i32
      %eq3A_294 = arith.cmpi eq, %jit3A_292, %eq3A_293 : i32
      %jit3A_295 = arith.constant 1 : i32
      %select_n3A_296 = arith.select %eq3A_294, %jit3A_295, %jit3A_292 : i32
      %rem3A_297 = arith.remsi %add3A_151, %select_n3A_296 : i32
      %ne3A_298 = arith.constant 0 : i32
      %ne3A_299 = arith.cmpi ne, %rem3A_297, %ne3A_298 : i32
      %lt3A_300 = arith.constant 0 : i32
      %lt3A_301 = arith.cmpi slt, %rem3A_297, %lt3A_300 : i32
      %lt3A_302 = arith.constant 0 : i32
      %lt3A_303 = arith.cmpi slt, %select_n3A_296, %lt3A_302 : i32
      %ne3A_304 = arith.xori %lt3A_301, %lt3A_303 : i1
      %and3A_305 = arith.andi %ne3A_304, %ne3A_299 : i1
      %add3A_306 = arith.addi %rem3A_297, %select_n3A_296 : i32
      %select_n3A_307 = arith.select %and3A_305, %add3A_306, %rem3A_297 : i32
      %swap3A_308 = arith.index_cast %select_n3A_307 : i32 to index
      %swap3A_309 = arith.constant 64 : index
      %swap3A_310 = tpu.vector_load %arg10[%swap3A_308, %swap3A_309] {strides = array<i32>} : memref<16x128xf32, #tpu.memory_space<vmem>>, vector<1x16xf32>,
      %swap3A_311 = vector.shape_cast %swap3A_310 : vector<1x16xf32> to vector<16xf32>
      %swap3A_312 = vector.shape_cast %mul3A_291 : vector<16xf32> to vector<1x16xf32>
      tpu.vector_store %arg10[%swap3A_308, %swap3A_309], %swap3A_312 {strides = array<i32>} : memref<16x128xf32, #tpu.memory_space<vmem>>, vector<1x16xf32>,
      %mul3A_313 = arith.constant 5.000000e-03 : f32
      %mul3A_314 = vector.broadcast %mul3A_313 : f32 to vector<16xf32>
      %mul3A_315 = arith.mulf %scan3A_192#5, %mul3A_314 : vector<16xf32>
      %jit3A_316 = arith.constant 16 : i32
      %eq3A_317 = arith.constant 0 : i32
      %eq3A_318 = arith.cmpi eq, %jit3A_316, %eq3A_317 : i32
      %jit3A_319 = arith.constant 1 : i32
      %select_n3A_320 = arith.select %eq3A_318, %jit3A_319, %jit3A_316 : i32
      %rem3A_321 = arith.remsi %add3A_151, %select_n3A_320 : i32
      %ne3A_322 = arith.constant 0 : i32
      %ne3A_323 = arith.cmpi ne, %rem3A_321, %ne3A_322 : i32
      %lt3A_324 = arith.constant 0 : i32
      %lt3A_325 = arith.cmpi slt, %rem3A_321, %lt3A_324 : i32
      %lt3A_326 = arith.constant 0 : i32
      %lt3A_327 = arith.cmpi slt, %select_n3A_320, %lt3A_326 : i32
      %ne3A_328 = arith.xori %lt3A_325, %lt3A_327 : i1
      %and3A_329 = arith.andi %ne3A_328, %ne3A_323 : i1
      %add3A_330 = arith.addi %rem3A_321, %select_n3A_320 : i32
      %select_n3A_331 = arith.select %and3A_329, %add3A_330, %rem3A_321 : i32
      %swap3A_332 = arith.index_cast %select_n3A_331 : i32 to index
      %swap3A_333 = arith.constant 80 : index
      %swap3A_334 = tpu.vector_load %arg10[%swap3A_332, %swap3A_333] {strides = array<i32>} : memref<16x128xf32, #tpu.memory_space<vmem>>, vector<1x16xf32>,
      %swap3A_335 = vector.shape_cast %swap3A_334 : vector<1x16xf32> to vector<16xf32>
      %swap3A_336 = vector.shape_cast %mul3A_315 : vector<16xf32> to vector<1x16xf32>
      tpu.vector_store %arg10[%swap3A_332, %swap3A_333], %swap3A_336 {strides = array<i32>} : memref<16x128xf32, #tpu.memory_space<vmem>>, vector<1x16xf32>,
      %mul3A_337 = arith.constant 5.000000e-03 : f32
      %mul3A_338 = vector.broadcast %mul3A_337 : f32 to vector<16xf32>
      %mul3A_339 = arith.mulf %scan3A_192#6, %mul3A_338 : vector<16xf32>
      %jit3A_340 = arith.constant 16 : i32
      %eq3A_341 = arith.constant 0 : i32
      %eq3A_342 = arith.cmpi eq, %jit3A_340, %eq3A_341 : i32
      %jit3A_343 = arith.constant 1 : i32
      %select_n3A_344 = arith.select %eq3A_342, %jit3A_343, %jit3A_340 : i32
      %rem3A_345 = arith.remsi %add3A_151, %select_n3A_344 : i32
      %ne3A_346 = arith.constant 0 : i32
      %ne3A_347 = arith.cmpi ne, %rem3A_345, %ne3A_346 : i32
      %lt3A_348 = arith.constant 0 : i32
      %lt3A_349 = arith.cmpi slt, %rem3A_345, %lt3A_348 : i32
      %lt3A_350 = arith.constant 0 : i32
      %lt3A_351 = arith.cmpi slt, %select_n3A_344, %lt3A_350 : i32
      %ne3A_352 = arith.xori %lt3A_349, %lt3A_351 : i1
      %and3A_353 = arith.andi %ne3A_352, %ne3A_347 : i1
      %add3A_354 = arith.addi %rem3A_345, %select_n3A_344 : i32
      %select_n3A_355 = arith.select %and3A_353, %add3A_354, %rem3A_345 : i32
      %swap3A_356 = arith.index_cast %select_n3A_355 : i32 to index
      %swap3A_357 = arith.constant 96 : index
      %swap3A_358 = tpu.vector_load %arg10[%swap3A_356, %swap3A_357] {strides = array<i32>} : memref<16x128xf32, #tpu.memory_space<vmem>>, vector<1x16xf32>,
      %swap3A_359 = vector.shape_cast %swap3A_358 : vector<1x16xf32> to vector<16xf32>
      %swap3A_360 = vector.shape_cast %mul3A_339 : vector<16xf32> to vector<1x16xf32>
      tpu.vector_store %arg10[%swap3A_356, %swap3A_357], %swap3A_360 {strides = array<i32>} : memref<16x128xf32, #tpu.memory_space<vmem>>, vector<1x16xf32>,
      %mul3A_361 = arith.constant 5.000000e-03 : f32
      %mul3A_362 = vector.broadcast %mul3A_361 : f32 to vector<16xf32>
      %mul3A_363 = arith.mulf %scan3A_192#7, %mul3A_362 : vector<16xf32>
      %jit3A_364 = arith.constant 16 : i32
      %eq3A_365 = arith.constant 0 : i32
      %eq3A_366 = arith.cmpi eq, %jit3A_364, %eq3A_365 : i32
      %jit3A_367 = arith.constant 1 : i32
      %select_n3A_368 = arith.select %eq3A_366, %jit3A_367, %jit3A_364 : i32
      %rem3A_369 = arith.remsi %add3A_151, %select_n3A_368 : i32
      %ne3A_370 = arith.constant 0 : i32
      %ne3A_371 = arith.cmpi ne, %rem3A_369, %ne3A_370 : i32
      %lt3A_372 = arith.constant 0 : i32
      %lt3A_373 = arith.cmpi slt, %rem3A_369, %lt3A_372 : i32
      %lt3A_374 = arith.constant 0 : i32
      %lt3A_375 = arith.cmpi slt, %select_n3A_368, %lt3A_374 : i32
      %ne3A_376 = arith.xori %lt3A_373, %lt3A_375 : i1
      %and3A_377 = arith.andi %ne3A_376, %ne3A_371 : i1
      %add3A_378 = arith.addi %rem3A_369, %select_n3A_368 : i32
      %select_n3A_379 = arith.select %and3A_377, %add3A_378, %rem3A_369 : i32
      %swap3A_380 = arith.index_cast %select_n3A_379 : i32 to index
      %swap3A_381 = arith.constant 112 : index
      %swap3A_382 = tpu.vector_load %arg10[%swap3A_380, %swap3A_381] {strides = array<i32>} : memref<16x128xf32, #tpu.memory_space<vmem>>, vector<1x16xf32>,
      %swap3A_383 = vector.shape_cast %swap3A_382 : vector<1x16xf32> to vector<16xf32>
      %swap3A_384 = vector.shape_cast %mul3A_363 : vector<16xf32> to vector<1x16xf32>
      tpu.vector_store %arg10[%swap3A_380, %swap3A_381], %swap3A_384 {strides = array<i32>} : memref<16x128xf32, #tpu.memory_space<vmem>>, vector<1x16xf32>,
      %add3A_385 = arith.constant 4 : i32
      %add3A_386 = arith.addi %add3A_151, %add3A_385 : i32
      %lt3A_387 = arith.constant 128 : i32
      %lt3A_388 = arith.cmpi slt, %add3A_386, %lt3A_387 : i32
      %convert_element_type3A_389 = arith.extui %lt3A_388 : i1 to i32
      %cond3A_390 = arith.constant 0 : i32
      %cond3A_391 = arith.cmpi ne, %convert_element_type3A_389, %cond3A_390 : i32
      scf.if %cond3A_391 {
        %add3A_1190 = arith.constant 4 : i32
        %add3A_1191 = arith.addi %add3A_151, %add3A_1190 : i32
        %jit3A_1192 = arith.constant 32 : i32
        %div3A_1193 = arith.divsi %add3A_1191, %jit3A_1192 : i32
        %sign3A_1194 = arith.constant 0 : i32
        %sign3A_1195 = arith.cmpi sgt, %add3A_1191, %sign3A_1194 : i32
        %sign3A_1196 = arith.extui %sign3A_1195 : i1 to i32
        %sign3A_1197 = arith.constant 0 : i32
        %sign3A_1198 = arith.cmpi slt, %add3A_1191, %sign3A_1197 : i32
        %sign3A_1199 = arith.extui %sign3A_1198 : i1 to i32
        %sign3A_1200 = arith.subi %sign3A_1196, %sign3A_1199 : i32
        %sign3A_1201 = arith.constant 0 : i32
        %sign3A_1202 = arith.cmpi sgt, %jit3A_1192, %sign3A_1201 : i32
        %sign3A_1203 = arith.extui %sign3A_1202 : i1 to i32
        %sign3A_1204 = arith.constant 0 : i32
        %sign3A_1205 = arith.cmpi slt, %jit3A_1192, %sign3A_1204 : i32
        %sign3A_1206 = arith.extui %sign3A_1205 : i1 to i32
        %sign3A_1207 = arith.subi %sign3A_1203, %sign3A_1206 : i32
        %ne3A_1208 = arith.cmpi ne, %sign3A_1200, %sign3A_1207 : i32
        %rem3A_1209 = arith.remsi %add3A_1191, %jit3A_1192 : i32
        %ne3A_1210 = arith.constant 0 : i32
        %ne3A_1211 = arith.cmpi ne, %rem3A_1209, %ne3A_1210 : i32
        %and3A_1212 = arith.andi %ne3A_1208, %ne3A_1211 : i1
        %sub3A_1213 = arith.constant 1 : i32
        %sub3A_1214 = arith.subi %div3A_1193, %sub3A_1213 : i32
        %select_n3A_1215 = arith.select %and3A_1212, %sub3A_1214, %div3A_1193 : i32
        %jit3A_1216 = arith.constant 2 : i32
        %eq3A_1217 = arith.constant 0 : i32
        %eq3A_1218 = arith.cmpi eq, %jit3A_1216, %eq3A_1217 : i32
        %jit3A_1219 = arith.constant 1 : i32
        %select_n3A_1220 = arith.select %eq3A_1218, %jit3A_1219, %jit3A_1216 : i32
        %rem3A_1221 = arith.remsi %select_n3A_1215, %select_n3A_1220 : i32
        %ne3A_1222 = arith.constant 0 : i32
        %ne3A_1223 = arith.cmpi ne, %rem3A_1221, %ne3A_1222 : i32
        %lt3A_1224 = arith.constant 0 : i32
        %lt3A_1225 = arith.cmpi slt, %rem3A_1221, %lt3A_1224 : i32
        %lt3A_1226 = arith.constant 0 : i32
        %lt3A_1227 = arith.cmpi slt, %select_n3A_1220, %lt3A_1226 : i32
        %ne3A_1228 = arith.xori %lt3A_1225, %lt3A_1227 : i1
        %and3A_1229 = arith.andi %ne3A_1228, %ne3A_1223 : i1
        %add3A_1230 = arith.addi %rem3A_1221, %select_n3A_1220 : i32
        %select_n3A_1231 = arith.select %and3A_1229, %add3A_1230, %rem3A_1221 : i32
        %jit3A_1232 = arith.constant 32 : i32
        %eq3A_1233 = arith.constant 0 : i32
        %eq3A_1234 = arith.cmpi eq, %jit3A_1232, %eq3A_1233 : i32
        %jit3A_1235 = arith.constant 1 : i32
        %select_n3A_1236 = arith.select %eq3A_1234, %jit3A_1235, %jit3A_1232 : i32
        %rem3A_1237 = arith.remsi %add3A_1191, %select_n3A_1236 : i32
        %ne3A_1238 = arith.constant 0 : i32
        %ne3A_1239 = arith.cmpi ne, %rem3A_1237, %ne3A_1238 : i32
        %lt3A_1240 = arith.constant 0 : i32
        %lt3A_1241 = arith.cmpi slt, %rem3A_1237, %lt3A_1240 : i32
        %lt3A_1242 = arith.constant 0 : i32
        %lt3A_1243 = arith.cmpi slt, %select_n3A_1236, %lt3A_1242 : i32
        %ne3A_1244 = arith.xori %lt3A_1241, %lt3A_1243 : i1
        %and3A_1245 = arith.andi %ne3A_1244, %ne3A_1239 : i1
        %add3A_1246 = arith.addi %rem3A_1237, %select_n3A_1236 : i32
        %select_n3A_1247 = arith.select %and3A_1245, %add3A_1246, %rem3A_1237 : i32
        %dma_start3A_1248 = arith.constant 0 : i32
        %dma_start3A_1249 = arith.constant 0 : i32
        %dma_start3A_1250 = tpu.memref_slice %arg6[%dma_start3A_1248, %dma_start3A_1249] : memref<200x128xf32, #tpu.memory_space<vmem>> -> memref<128x128xf32, #tpu.memory_space<vmem>>
        %dma_start3A_1251 = arith.constant 0 : i32
        %dma_start3A_1252 = tpu.memref_slice %arg5[%select_n3A_1231, %select_n3A_1247, %dma_start3A_1251] : memref<2x32x200xi32, #tpu.memory_space<vmem>> -> memref<1x1x128xi32, #tpu.memory_space<vmem>>
        %dma_start3A_1253 = tpu.memref_squeeze %dma_start3A_1252 : memref<1x1x128xi32, #tpu.memory_space<vmem>> -> memref<128xi32, #tpu.memory_space<vmem>>
        %dma_start3A_1254 = arith.constant 0 : i32
        %dma_start3A_1255 = arith.constant 0 : i32
        %dma_start3A_1256 = tpu.memref_slice %arg3[%dma_start3A_1254, %dma_start3A_1255] : memref<1000000x128xf32, #tpu.memory_space<hbm>> -> memref<1000000x128xf32, #tpu.memory_space<hbm>>
        tpu.enqueue_indirect_dma source(%dma_start3A_1256 : memref<1000000x128xf32, #tpu.memory_space<hbm>>) target(%dma_start3A_1250 : memref<128x128xf32, #tpu.memory_space<vmem>>) offsets(%dma_start3A_1253 : memref<128xi32, #tpu.memory_space<vmem>>) semaphore(%arg11 : memref<!tpu.dma_semaphore, #tpu.memory_space<semaphore_mem>>)
        %dma_start3A_1257 = arith.constant 128 : i32
        %dma_start3A_1258 = arith.constant 0 : i32
        %dma_start3A_1259 = tpu.memref_slice %arg6[%dma_start3A_1257, %dma_start3A_1258] : memref<200x128xf32, #tpu.memory_space<vmem>> -> memref<72x128xf32, #tpu.memory_space<vmem>>
        %dma_start3A_1260 = arith.constant 128 : i32
        %dma_start3A_1261 = tpu.memref_slice %arg5[%select_n3A_1231, %select_n3A_1247, %dma_start3A_1260] : memref<2x32x200xi32, #tpu.memory_space<vmem>> -> memref<1x1x72xi32, #tpu.memory_space<vmem>>
        %dma_start3A_1262 = tpu.memref_squeeze %dma_start3A_1261 : memref<1x1x72xi32, #tpu.memory_space<vmem>> -> memref<72xi32, #tpu.memory_space<vmem>>
        %dma_start3A_1263 = arith.constant 0 : i32
        %dma_start3A_1264 = arith.constant 0 : i32
        %dma_start3A_1265 = tpu.memref_slice %arg3[%dma_start3A_1263, %dma_start3A_1264] : memref<1000000x128xf32, #tpu.memory_space<hbm>> -> memref<1000000x128xf32, #tpu.memory_space<hbm>>
        tpu.enqueue_indirect_dma source(%dma_start3A_1265 : memref<1000000x128xf32, #tpu.memory_space<hbm>>) target(%dma_start3A_1259 : memref<72x128xf32, #tpu.memory_space<vmem>>) offsets(%dma_start3A_1262 : memref<72xi32, #tpu.memory_space<vmem>>) semaphore(%arg11 : memref<!tpu.dma_semaphore, #tpu.memory_space<semaphore_mem>>)
      } else {
      }
      %mul3A_392 = arith.constant 4 : i32
      %mul3A_393 = arith.muli %mul3A_392, %scan3A_110 : i32
      %add3A_394 = arith.constant 1 : i32
      %add3A_395 = arith.addi %mul3A_393, %add3A_394 : i32
      %dma_wait3A_396 = arith.constant 0 : i32
      %dma_wait3A_397 = arith.constant 0 : i32
      %dma_wait3A_398 = arith.constant 0 : i32
      %dma_wait3A_399 = arith.constant 0 : i32
      %dma_wait3A_400 = tpu.memref_slice %arg7[%dma_wait3A_398, %dma_wait3A_399] : memref<200x128xf32, #tpu.memory_space<vmem>> -> memref<128x128xf32, #tpu.memory_space<vmem>>
      %dma_wait3A_401 = arith.constant 0 : i32
      %dma_wait3A_402 = tpu.memref_slice %arg5[%dma_wait3A_396, %dma_wait3A_397, %dma_wait3A_401] : memref<2x32x200xi32, #tpu.memory_space<vmem>> -> memref<1x1x128xi32, #tpu.memory_space<vmem>>
      %dma_wait3A_403 = tpu.memref_squeeze %dma_wait3A_402 : memref<1x1x128xi32, #tpu.memory_space<vmem>> -> memref<128xi32, #tpu.memory_space<vmem>>
      %dma_wait3A_404 = arith.constant 0 : i32
      %dma_wait3A_405 = arith.constant 0 : i32
      %dma_wait3A_406 = tpu.memref_slice %arg3[%dma_wait3A_404, %dma_wait3A_405] : memref<1000000x128xf32, #tpu.memory_space<hbm>> -> memref<1000000x128xf32, #tpu.memory_space<hbm>>
      tpu.wait_indirect_dma semaphore(%arg12 : memref<!tpu.dma_semaphore, #tpu.memory_space<semaphore_mem>>) src(%dma_wait3A_406 : memref<1000000x128xf32, #tpu.memory_space<hbm>>) dst(%dma_wait3A_400 : memref<128x128xf32, #tpu.memory_space<vmem>>)
      %dma_wait3A_407 = arith.constant 0 : i32
      %dma_wait3A_408 = arith.constant 0 : i32
      %dma_wait3A_409 = arith.constant 128 : i32
      %dma_wait3A_410 = arith.constant 0 : i32
      %dma_wait3A_411 = tpu.memref_slice %arg7[%dma_wait3A_409, %dma_wait3A_410] : memref<200x128xf32, #tpu.memory_space<vmem>> -> memref<72x128xf32, #tpu.memory_space<vmem>>
      %dma_wait3A_412 = arith.constant 128 : i32
      %dma_wait3A_413 = tpu.memref_slice %arg5[%dma_wait3A_407, %dma_wait3A_408, %dma_wait3A_412] : memref<2x32x200xi32, #tpu.memory_space<vmem>> -> memref<1x1x72xi32, #tpu.memory_space<vmem>>
      %dma_wait3A_414 = tpu.memref_squeeze %dma_wait3A_413 : memref<1x1x72xi32, #tpu.memory_space<vmem>> -> memref<72xi32, #tpu.memory_space<vmem>>
      %dma_wait3A_415 = arith.constant 0 : i32
      %dma_wait3A_416 = arith.constant 0 : i32
      %dma_wait3A_417 = tpu.memref_slice %arg3[%dma_wait3A_415, %dma_wait3A_416] : memref<1000000x128xf32, #tpu.memory_space<hbm>> -> memref<1000000x128xf32, #tpu.memory_space<hbm>>
      tpu.wait_indirect_dma semaphore(%arg12 : memref<!tpu.dma_semaphore, #tpu.memory_space<semaphore_mem>>) src(%dma_wait3A_417 : memref<1000000x128xf32, #tpu.memory_space<hbm>>) dst(%dma_wait3A_411 : memref<72x128xf32, #tpu.memory_space<vmem>>)
      %broadcast_in_dim3A_418 = arith.constant 0.000000e+00 : f32
      %broadcast_in_dim3A_419 = vector.broadcast %broadcast_in_dim3A_418 : f32 to vector<16xf32>
      %broadcast_in_dim3A_420 = arith.constant 0.000000e+00 : f32
      %broadcast_in_dim3A_421 = vector.broadcast %broadcast_in_dim3A_420 : f32 to vector<16xf32>
      %broadcast_in_dim3A_422 = arith.constant 0.000000e+00 : f32
      %broadcast_in_dim3A_423 = vector.broadcast %broadcast_in_dim3A_422 : f32 to vector<16xf32>
      %broadcast_in_dim3A_424 = arith.constant 0.000000e+00 : f32
      %broadcast_in_dim3A_425 = vector.broadcast %broadcast_in_dim3A_424 : f32 to vector<16xf32>
      %broadcast_in_dim3A_426 = arith.constant 0.000000e+00 : f32
      %broadcast_in_dim3A_427 = vector.broadcast %broadcast_in_dim3A_426 : f32 to vector<16xf32>
      %broadcast_in_dim3A_428 = arith.constant 0.000000e+00 : f32
      %broadcast_in_dim3A_429 = vector.broadcast %broadcast_in_dim3A_428 : f32 to vector<16xf32>
      %broadcast_in_dim3A_430 = arith.constant 0.000000e+00 : f32
      %broadcast_in_dim3A_431 = vector.broadcast %broadcast_in_dim3A_430 : f32 to vector<16xf32>
      %broadcast_in_dim3A_432 = arith.constant 0.000000e+00 : f32
      %broadcast_in_dim3A_433 = vector.broadcast %broadcast_in_dim3A_432 : f32 to vector<16xf32>
      %scan3A_434 = arith.constant 0 : i32
      %scan3A_435 = arith.constant 50 : i32
      %scan3A_436 = arith.addi %scan3A_434, %scan3A_435 : i32
      %scan3A_437 = arith.constant 1 : i32
      %scan3A_438:8 = scf.for %scan3A_1190 = %scan3A_434 to %scan3A_436 step %scan3A_437 iter_args(%scan3A_1191 = %broadcast_in_dim3A_419, %scan3A_1192 = %broadcast_in_dim3A_421, %scan3A_1193 = %broadcast_in_dim3A_423, %scan3A_1194 = %broadcast_in_dim3A_425, %scan3A_1195 = %broadcast_in_dim3A_427, %scan3A_1196 = %broadcast_in_dim3A_429, %scan3A_1197 = %broadcast_in_dim3A_431, %scan3A_1198 = %broadcast_in_dim3A_433) -> (vector<16xf32>, vector<16xf32>, vector<16xf32>, vector<16xf32>, vector<16xf32>, vector<16xf32>, vector<16xf32>, vector<16xf32>)  : i32 {
        %mul3A_1199 = arith.constant 4 : i32
        %mul3A_1200 = arith.muli %mul3A_1199, %scan3A_1190 : i32
        %add3A_1201 = arith.constant 0 : i32
        %add3A_1202 = arith.addi %mul3A_1200, %add3A_1201 : i32
        %get3A = arith.index_cast %add3A_1202 : i32 to index
        %get3A_1203 = arith.constant 0 : index
        %get3A_1204 = tpu.vector_load %arg7[%get3A, %get3A_1203] {strides = array<i32>} : memref<200x128xf32, #tpu.memory_space<vmem>>, vector<1x16xf32>,
        %get3A_1205 = vector.shape_cast %get3A_1204 : vector<1x16xf32> to vector<16xf32>
        %add3A_1206 = arith.addf %scan3A_1191, %get3A_1205 : vector<16xf32>
        %get3A_1207 = arith.index_cast %add3A_1202 : i32 to index
        %get3A_1208 = arith.constant 16 : index
        %get3A_1209 = tpu.vector_load %arg7[%get3A_1207, %get3A_1208] {strides = array<i32>} : memref<200x128xf32, #tpu.memory_space<vmem>>, vector<1x16xf32>,
        %get3A_1210 = vector.shape_cast %get3A_1209 : vector<1x16xf32> to vector<16xf32>
        %add3A_1211 = arith.addf %scan3A_1192, %get3A_1210 : vector<16xf32>
        %get3A_1212 = arith.index_cast %add3A_1202 : i32 to index
        %get3A_1213 = arith.constant 32 : index
        %get3A_1214 = tpu.vector_load %arg7[%get3A_1212, %get3A_1213] {strides = array<i32>} : memref<200x128xf32, #tpu.memory_space<vmem>>, vector<1x16xf32>,
        %get3A_1215 = vector.shape_cast %get3A_1214 : vector<1x16xf32> to vector<16xf32>
        %add3A_1216 = arith.addf %scan3A_1193, %get3A_1215 : vector<16xf32>
        %get3A_1217 = arith.index_cast %add3A_1202 : i32 to index
        %get3A_1218 = arith.constant 48 : index
        %get3A_1219 = tpu.vector_load %arg7[%get3A_1217, %get3A_1218] {strides = array<i32>} : memref<200x128xf32, #tpu.memory_space<vmem>>, vector<1x16xf32>,
        %get3A_1220 = vector.shape_cast %get3A_1219 : vector<1x16xf32> to vector<16xf32>
        %add3A_1221 = arith.addf %scan3A_1194, %get3A_1220 : vector<16xf32>
        %get3A_1222 = arith.index_cast %add3A_1202 : i32 to index
        %get3A_1223 = arith.constant 64 : index
        %get3A_1224 = tpu.vector_load %arg7[%get3A_1222, %get3A_1223] {strides = array<i32>} : memref<200x128xf32, #tpu.memory_space<vmem>>, vector<1x16xf32>,
        %get3A_1225 = vector.shape_cast %get3A_1224 : vector<1x16xf32> to vector<16xf32>
        %add3A_1226 = arith.addf %scan3A_1195, %get3A_1225 : vector<16xf32>
        %get3A_1227 = arith.index_cast %add3A_1202 : i32 to index
        %get3A_1228 = arith.constant 80 : index
        %get3A_1229 = tpu.vector_load %arg7[%get3A_1227, %get3A_1228] {strides = array<i32>} : memref<200x128xf32, #tpu.memory_space<vmem>>, vector<1x16xf32>,
        %get3A_1230 = vector.shape_cast %get3A_1229 : vector<1x16xf32> to vector<16xf32>
        %add3A_1231 = arith.addf %scan3A_1196, %get3A_1230 : vector<16xf32>
        %get3A_1232 = arith.index_cast %add3A_1202 : i32 to index
        %get3A_1233 = arith.constant 96 : index
        %get3A_1234 = tpu.vector_load %arg7[%get3A_1232, %get3A_1233] {strides = array<i32>} : memref<200x128xf32, #tpu.memory_space<vmem>>, vector<1x16xf32>,
        %get3A_1235 = vector.shape_cast %get3A_1234 : vector<1x16xf32> to vector<16xf32>
        %add3A_1236 = arith.addf %scan3A_1197, %get3A_1235 : vector<16xf32>
        %get3A_1237 = arith.index_cast %add3A_1202 : i32 to index
        %get3A_1238 = arith.constant 112 : index
        %get3A_1239 = tpu.vector_load %arg7[%get3A_1237, %get3A_1238] {strides = array<i32>} : memref<200x128xf32, #tpu.memory_space<vmem>>, vector<1x16xf32>,
        %get3A_1240 = vector.shape_cast %get3A_1239 : vector<1x16xf32> to vector<16xf32>
        %add3A_1241 = arith.addf %scan3A_1198, %get3A_1240 : vector<16xf32>
        %mul3A_1242 = arith.constant 4 : i32
        %mul3A_1243 = arith.muli %mul3A_1242, %scan3A_1190 : i32
        %add3A_1244 = arith.constant 1 : i32
        %add3A_1245 = arith.addi %mul3A_1243, %add3A_1244 : i32
        %get3A_1246 = arith.index_cast %add3A_1245 : i32 to index
        %get3A_1247 = arith.constant 0 : index
        %get3A_1248 = tpu.vector_load %arg7[%get3A_1246, %get3A_1247] {strides = array<i32>} : memref<200x128xf32, #tpu.memory_space<vmem>>, vector<1x16xf32>,
        %get3A_1249 = vector.shape_cast %get3A_1248 : vector<1x16xf32> to vector<16xf32>
        %add3A_1250 = arith.addf %add3A_1206, %get3A_1249 : vector<16xf32>
        %get3A_1251 = arith.index_cast %add3A_1245 : i32 to index
        %get3A_1252 = arith.constant 16 : index
        %get3A_1253 = tpu.vector_load %arg7[%get3A_1251, %get3A_1252] {strides = array<i32>} : memref<200x128xf32, #tpu.memory_space<vmem>>, vector<1x16xf32>,
        %get3A_1254 = vector.shape_cast %get3A_1253 : vector<1x16xf32> to vector<16xf32>
        %add3A_1255 = arith.addf %add3A_1211, %get3A_1254 : vector<16xf32>
        %get3A_1256 = arith.index_cast %add3A_1245 : i32 to index
        %get3A_1257 = arith.constant 32 : index
        %get3A_1258 = tpu.vector_load %arg7[%get3A_1256, %get3A_1257] {strides = array<i32>} : memref<200x128xf32, #tpu.memory_space<vmem>>, vector<1x16xf32>,
        %get3A_1259 = vector.shape_cast %get3A_1258 : vector<1x16xf32> to vector<16xf32>
        %add3A_1260 = arith.addf %add3A_1216, %get3A_1259 : vector<16xf32>
        %get3A_1261 = arith.index_cast %add3A_1245 : i32 to index
        %get3A_1262 = arith.constant 48 : index
        %get3A_1263 = tpu.vector_load %arg7[%get3A_1261, %get3A_1262] {strides = array<i32>} : memref<200x128xf32, #tpu.memory_space<vmem>>, vector<1x16xf32>,
        %get3A_1264 = vector.shape_cast %get3A_1263 : vector<1x16xf32> to vector<16xf32>
        %add3A_1265 = arith.addf %add3A_1221, %get3A_1264 : vector<16xf32>
        %get3A_1266 = arith.index_cast %add3A_1245 : i32 to index
        %get3A_1267 = arith.constant 64 : index
        %get3A_1268 = tpu.vector_load %arg7[%get3A_1266, %get3A_1267] {strides = array<i32>} : memref<200x128xf32, #tpu.memory_space<vmem>>, vector<1x16xf32>,
        %get3A_1269 = vector.shape_cast %get3A_1268 : vector<1x16xf32> to vector<16xf32>
        %add3A_1270 = arith.addf %add3A_1226, %get3A_1269 : vector<16xf32>
        %get3A_1271 = arith.index_cast %add3A_1245 : i32 to index
        %get3A_1272 = arith.constant 80 : index
        %get3A_1273 = tpu.vector_load %arg7[%get3A_1271, %get3A_1272] {strides = array<i32>} : memref<200x128xf32, #tpu.memory_space<vmem>>, vector<1x16xf32>,
        %get3A_1274 = vector.shape_cast %get3A_1273 : vector<1x16xf32> to vector<16xf32>
        %add3A_1275 = arith.addf %add3A_1231, %get3A_1274 : vector<16xf32>
        %get3A_1276 = arith.index_cast %add3A_1245 : i32 to index
        %get3A_1277 = arith.constant 96 : index
        %get3A_1278 = tpu.vector_load %arg7[%get3A_1276, %get3A_1277] {strides = array<i32>} : memref<200x128xf32, #tpu.memory_space<vmem>>, vector<1x16xf32>,
        %get3A_1279 = vector.shape_cast %get3A_1278 : vector<1x16xf32> to vector<16xf32>
        %add3A_1280 = arith.addf %add3A_1236, %get3A_1279 : vector<16xf32>
        %get3A_1281 = arith.index_cast %add3A_1245 : i32 to index
        %get3A_1282 = arith.constant 112 : index
        %get3A_1283 = tpu.vector_load %arg7[%get3A_1281, %get3A_1282] {strides = array<i32>} : memref<200x128xf32, #tpu.memory_space<vmem>>, vector<1x16xf32>,
        %get3A_1284 = vector.shape_cast %get3A_1283 : vector<1x16xf32> to vector<16xf32>
        %add3A_1285 = arith.addf %add3A_1241, %get3A_1284 : vector<16xf32>
        %mul3A_1286 = arith.constant 4 : i32
        %mul3A_1287 = arith.muli %mul3A_1286, %scan3A_1190 : i32
        %add3A_1288 = arith.constant 2 : i32
        %add3A_1289 = arith.addi %mul3A_1287, %add3A_1288 : i32
        %get3A_1290 = arith.index_cast %add3A_1289 : i32 to index
        %get3A_1291 = arith.constant 0 : index
        %get3A_1292 = tpu.vector_load %arg7[%get3A_1290, %get3A_1291] {strides = array<i32>} : memref<200x128xf32, #tpu.memory_space<vmem>>, vector<1x16xf32>,
        %get3A_1293 = vector.shape_cast %get3A_1292 : vector<1x16xf32> to vector<16xf32>
        %add3A_1294 = arith.addf %add3A_1250, %get3A_1293 : vector<16xf32>
        %get3A_1295 = arith.index_cast %add3A_1289 : i32 to index
        %get3A_1296 = arith.constant 16 : index
        %get3A_1297 = tpu.vector_load %arg7[%get3A_1295, %get3A_1296] {strides = array<i32>} : memref<200x128xf32, #tpu.memory_space<vmem>>, vector<1x16xf32>,
        %get3A_1298 = vector.shape_cast %get3A_1297 : vector<1x16xf32> to vector<16xf32>
        %add3A_1299 = arith.addf %add3A_1255, %get3A_1298 : vector<16xf32>
        %get3A_1300 = arith.index_cast %add3A_1289 : i32 to index
        %get3A_1301 = arith.constant 32 : index
        %get3A_1302 = tpu.vector_load %arg7[%get3A_1300, %get3A_1301] {strides = array<i32>} : memref<200x128xf32, #tpu.memory_space<vmem>>, vector<1x16xf32>,
        %get3A_1303 = vector.shape_cast %get3A_1302 : vector<1x16xf32> to vector<16xf32>
        %add3A_1304 = arith.addf %add3A_1260, %get3A_1303 : vector<16xf32>
        %get3A_1305 = arith.index_cast %add3A_1289 : i32 to index
        %get3A_1306 = arith.constant 48 : index
        %get3A_1307 = tpu.vector_load %arg7[%get3A_1305, %get3A_1306] {strides = array<i32>} : memref<200x128xf32, #tpu.memory_space<vmem>>, vector<1x16xf32>,
        %get3A_1308 = vector.shape_cast %get3A_1307 : vector<1x16xf32> to vector<16xf32>
        %add3A_1309 = arith.addf %add3A_1265, %get3A_1308 : vector<16xf32>
        %get3A_1310 = arith.index_cast %add3A_1289 : i32 to index
        %get3A_1311 = arith.constant 64 : index
        %get3A_1312 = tpu.vector_load %arg7[%get3A_1310, %get3A_1311] {strides = array<i32>} : memref<200x128xf32, #tpu.memory_space<vmem>>, vector<1x16xf32>,
        %get3A_1313 = vector.shape_cast %get3A_1312 : vector<1x16xf32> to vector<16xf32>
        %add3A_1314 = arith.addf %add3A_1270, %get3A_1313 : vector<16xf32>
        %get3A_1315 = arith.index_cast %add3A_1289 : i32 to index
        %get3A_1316 = arith.constant 80 : index
        %get3A_1317 = tpu.vector_load %arg7[%get3A_1315, %get3A_1316] {strides = array<i32>} : memref<200x128xf32, #tpu.memory_space<vmem>>, vector<1x16xf32>,
        %get3A_1318 = vector.shape_cast %get3A_1317 : vector<1x16xf32> to vector<16xf32>
        %add3A_1319 = arith.addf %add3A_1275, %get3A_1318 : vector<16xf32>
        %get3A_1320 = arith.index_cast %add3A_1289 : i32 to index
        %get3A_1321 = arith.constant 96 : index
        %get3A_1322 = tpu.vector_load %arg7[%get3A_1320, %get3A_1321] {strides = array<i32>} : memref<200x128xf32, #tpu.memory_space<vmem>>, vector<1x16xf32>,
        %get3A_1323 = vector.shape_cast %get3A_1322 : vector<1x16xf32> to vector<16xf32>
        %add3A_1324 = arith.addf %add3A_1280, %get3A_1323 : vector<16xf32>
        %get3A_1325 = arith.index_cast %add3A_1289 : i32 to index
        %get3A_1326 = arith.constant 112 : index
        %get3A_1327 = tpu.vector_load %arg7[%get3A_1325, %get3A_1326] {strides = array<i32>} : memref<200x128xf32, #tpu.memory_space<vmem>>, vector<1x16xf32>,
        %get3A_1328 = vector.shape_cast %get3A_1327 : vector<1x16xf32> to vector<16xf32>
        %add3A_1329 = arith.addf %add3A_1285, %get3A_1328 : vector<16xf32>
        %mul3A_1330 = arith.constant 4 : i32
        %mul3A_1331 = arith.muli %mul3A_1330, %scan3A_1190 : i32
        %add3A_1332 = arith.constant 3 : i32
        %add3A_1333 = arith.addi %mul3A_1331, %add3A_1332 : i32
        %get3A_1334 = arith.index_cast %add3A_1333 : i32 to index
        %get3A_1335 = arith.constant 0 : index
        %get3A_1336 = tpu.vector_load %arg7[%get3A_1334, %get3A_1335] {strides = array<i32>} : memref<200x128xf32, #tpu.memory_space<vmem>>, vector<1x16xf32>,
        %get3A_1337 = vector.shape_cast %get3A_1336 : vector<1x16xf32> to vector<16xf32>
        %add3A_1338 = arith.addf %add3A_1294, %get3A_1337 : vector<16xf32>
        %get3A_1339 = arith.index_cast %add3A_1333 : i32 to index
        %get3A_1340 = arith.constant 16 : index
        %get3A_1341 = tpu.vector_load %arg7[%get3A_1339, %get3A_1340] {strides = array<i32>} : memref<200x128xf32, #tpu.memory_space<vmem>>, vector<1x16xf32>,
        %get3A_1342 = vector.shape_cast %get3A_1341 : vector<1x16xf32> to vector<16xf32>
        %add3A_1343 = arith.addf %add3A_1299, %get3A_1342 : vector<16xf32>
        %get3A_1344 = arith.index_cast %add3A_1333 : i32 to index
        %get3A_1345 = arith.constant 32 : index
        %get3A_1346 = tpu.vector_load %arg7[%get3A_1344, %get3A_1345] {strides = array<i32>} : memref<200x128xf32, #tpu.memory_space<vmem>>, vector<1x16xf32>,
        %get3A_1347 = vector.shape_cast %get3A_1346 : vector<1x16xf32> to vector<16xf32>
        %add3A_1348 = arith.addf %add3A_1304, %get3A_1347 : vector<16xf32>
        %get3A_1349 = arith.index_cast %add3A_1333 : i32 to index
        %get3A_1350 = arith.constant 48 : index
        %get3A_1351 = tpu.vector_load %arg7[%get3A_1349, %get3A_1350] {strides = array<i32>} : memref<200x128xf32, #tpu.memory_space<vmem>>, vector<1x16xf32>,
        %get3A_1352 = vector.shape_cast %get3A_1351 : vector<1x16xf32> to vector<16xf32>
        %add3A_1353 = arith.addf %add3A_1309, %get3A_1352 : vector<16xf32>
        %get3A_1354 = arith.index_cast %add3A_1333 : i32 to index
        %get3A_1355 = arith.constant 64 : index
        %get3A_1356 = tpu.vector_load %arg7[%get3A_1354, %get3A_1355] {strides = array<i32>} : memref<200x128xf32, #tpu.memory_space<vmem>>, vector<1x16xf32>,
        %get3A_1357 = vector.shape_cast %get3A_1356 : vector<1x16xf32> to vector<16xf32>
        %add3A_1358 = arith.addf %add3A_1314, %get3A_1357 : vector<16xf32>
        %get3A_1359 = arith.index_cast %add3A_1333 : i32 to index
        %get3A_1360 = arith.constant 80 : index
        %get3A_1361 = tpu.vector_load %arg7[%get3A_1359, %get3A_1360] {strides = array<i32>} : memref<200x128xf32, #tpu.memory_space<vmem>>, vector<1x16xf32>,
        %get3A_1362 = vector.shape_cast %get3A_1361 : vector<1x16xf32> to vector<16xf32>
        %add3A_1363 = arith.addf %add3A_1319, %get3A_1362 : vector<16xf32>
        %get3A_1364 = arith.index_cast %add3A_1333 : i32 to index
        %get3A_1365 = arith.constant 96 : index
        %get3A_1366 = tpu.vector_load %arg7[%get3A_1364, %get3A_1365] {strides = array<i32>} : memref<200x128xf32, #tpu.memory_space<vmem>>, vector<1x16xf32>,
        %get3A_1367 = vector.shape_cast %get3A_1366 : vector<1x16xf32> to vector<16xf32>
        %add3A_1368 = arith.addf %add3A_1324, %get3A_1367 : vector<16xf32>
        %get3A_1369 = arith.index_cast %add3A_1333 : i32 to index
        %get3A_1370 = arith.constant 112 : index
        %get3A_1371 = tpu.vector_load %arg7[%get3A_1369, %get3A_1370] {strides = array<i32>} : memref<200x128xf32, #tpu.memory_space<vmem>>, vector<1x16xf32>,
        %get3A_1372 = vector.shape_cast %get3A_1371 : vector<1x16xf32> to vector<16xf32>
        %add3A_1373 = arith.addf %add3A_1329, %get3A_1372 : vector<16xf32>
        scf.yield %add3A_1338, %add3A_1343, %add3A_1348, %add3A_1353, %add3A_1358, %add3A_1363, %add3A_1368, %add3A_1373 : vector<16xf32>, vector<16xf32>, vector<16xf32>, vector<16xf32>, vector<16xf32>, vector<16xf32>, vector<16xf32>, vector<16xf32>
      }
      %scan3A_439 = arith.constant 50 : i32
      %mul3A_440 = arith.constant 5.000000e-03 : f32
      %mul3A_441 = vector.broadcast %mul3A_440 : f32 to vector<16xf32>
      %mul3A_442 = arith.mulf %scan3A_438#0, %mul3A_441 : vector<16xf32>
      %jit3A_443 = arith.constant 16 : i32
      %eq3A_444 = arith.constant 0 : i32
      %eq3A_445 = arith.cmpi eq, %jit3A_443, %eq3A_444 : i32
      %jit3A_446 = arith.constant 1 : i32
      %select_n3A_447 = arith.select %eq3A_445, %jit3A_446, %jit3A_443 : i32
      %rem3A_448 = arith.remsi %add3A_395, %select_n3A_447 : i32
      %ne3A_449 = arith.constant 0 : i32
      %ne3A_450 = arith.cmpi ne, %rem3A_448, %ne3A_449 : i32
      %lt3A_451 = arith.constant 0 : i32
      %lt3A_452 = arith.cmpi slt, %rem3A_448, %lt3A_451 : i32
      %lt3A_453 = arith.constant 0 : i32
      %lt3A_454 = arith.cmpi slt, %select_n3A_447, %lt3A_453 : i32
      %ne3A_455 = arith.xori %lt3A_452, %lt3A_454 : i1
      %and3A_456 = arith.andi %ne3A_455, %ne3A_450 : i1
      %add3A_457 = arith.addi %rem3A_448, %select_n3A_447 : i32
      %select_n3A_458 = arith.select %and3A_456, %add3A_457, %rem3A_448 : i32
      %swap3A_459 = arith.index_cast %select_n3A_458 : i32 to index
      %swap3A_460 = arith.constant 0 : index
      %swap3A_461 = tpu.vector_load %arg10[%swap3A_459, %swap3A_460] {strides = array<i32>} : memref<16x128xf32, #tpu.memory_space<vmem>>, vector<1x16xf32>,
      %swap3A_462 = vector.shape_cast %swap3A_461 : vector<1x16xf32> to vector<16xf32>
      %swap3A_463 = vector.shape_cast %mul3A_442 : vector<16xf32> to vector<1x16xf32>
      tpu.vector_store %arg10[%swap3A_459, %swap3A_460], %swap3A_463 {strides = array<i32>} : memref<16x128xf32, #tpu.memory_space<vmem>>, vector<1x16xf32>,
      %mul3A_464 = arith.constant 5.000000e-03 : f32
      %mul3A_465 = vector.broadcast %mul3A_464 : f32 to vector<16xf32>
      %mul3A_466 = arith.mulf %scan3A_438#1, %mul3A_465 : vector<16xf32>
      %jit3A_467 = arith.constant 16 : i32
      %eq3A_468 = arith.constant 0 : i32
      %eq3A_469 = arith.cmpi eq, %jit3A_467, %eq3A_468 : i32
      %jit3A_470 = arith.constant 1 : i32
      %select_n3A_471 = arith.select %eq3A_469, %jit3A_470, %jit3A_467 : i32
      %rem3A_472 = arith.remsi %add3A_395, %select_n3A_471 : i32
      %ne3A_473 = arith.constant 0 : i32
      %ne3A_474 = arith.cmpi ne, %rem3A_472, %ne3A_473 : i32
      %lt3A_475 = arith.constant 0 : i32
      %lt3A_476 = arith.cmpi slt, %rem3A_472, %lt3A_475 : i32
      %lt3A_477 = arith.constant 0 : i32
      %lt3A_478 = arith.cmpi slt, %select_n3A_471, %lt3A_477 : i32
      %ne3A_479 = arith.xori %lt3A_476, %lt3A_478 : i1
      %and3A_480 = arith.andi %ne3A_479, %ne3A_474 : i1
      %add3A_481 = arith.addi %rem3A_472, %select_n3A_471 : i32
      %select_n3A_482 = arith.select %and3A_480, %add3A_481, %rem3A_472 : i32
      %swap3A_483 = arith.index_cast %select_n3A_482 : i32 to index
      %swap3A_484 = arith.constant 16 : index
      %swap3A_485 = tpu.vector_load %arg10[%swap3A_483, %swap3A_484] {strides = array<i32>} : memref<16x128xf32, #tpu.memory_space<vmem>>, vector<1x16xf32>,
      %swap3A_486 = vector.shape_cast %swap3A_485 : vector<1x16xf32> to vector<16xf32>
      %swap3A_487 = vector.shape_cast %mul3A_466 : vector<16xf32> to vector<1x16xf32>
      tpu.vector_store %arg10[%swap3A_483, %swap3A_484], %swap3A_487 {strides = array<i32>} : memref<16x128xf32, #tpu.memory_space<vmem>>, vector<1x16xf32>,
      %mul3A_488 = arith.constant 5.000000e-03 : f32
      %mul3A_489 = vector.broadcast %mul3A_488 : f32 to vector<16xf32>
      %mul3A_490 = arith.mulf %scan3A_438#2, %mul3A_489 : vector<16xf32>
      %jit3A_491 = arith.constant 16 : i32
      %eq3A_492 = arith.constant 0 : i32
      %eq3A_493 = arith.cmpi eq, %jit3A_491, %eq3A_492 : i32
      %jit3A_494 = arith.constant 1 : i32
      %select_n3A_495 = arith.select %eq3A_493, %jit3A_494, %jit3A_491 : i32
      %rem3A_496 = arith.remsi %add3A_395, %select_n3A_495 : i32
      %ne3A_497 = arith.constant 0 : i32
      %ne3A_498 = arith.cmpi ne, %rem3A_496, %ne3A_497 : i32
      %lt3A_499 = arith.constant 0 : i32
      %lt3A_500 = arith.cmpi slt, %rem3A_496, %lt3A_499 : i32
      %lt3A_501 = arith.constant 0 : i32
      %lt3A_502 = arith.cmpi slt, %select_n3A_495, %lt3A_501 : i32
      %ne3A_503 = arith.xori %lt3A_500, %lt3A_502 : i1
      %and3A_504 = arith.andi %ne3A_503, %ne3A_498 : i1
      %add3A_505 = arith.addi %rem3A_496, %select_n3A_495 : i32
      %select_n3A_506 = arith.select %and3A_504, %add3A_505, %rem3A_496 : i32
      %swap3A_507 = arith.index_cast %select_n3A_506 : i32 to index
      %swap3A_508 = arith.constant 32 : index
      %swap3A_509 = tpu.vector_load %arg10[%swap3A_507, %swap3A_508] {strides = array<i32>} : memref<16x128xf32, #tpu.memory_space<vmem>>, vector<1x16xf32>,
      %swap3A_510 = vector.shape_cast %swap3A_509 : vector<1x16xf32> to vector<16xf32>
      %swap3A_511 = vector.shape_cast %mul3A_490 : vector<16xf32> to vector<1x16xf32>
      tpu.vector_store %arg10[%swap3A_507, %swap3A_508], %swap3A_511 {strides = array<i32>} : memref<16x128xf32, #tpu.memory_space<vmem>>, vector<1x16xf32>,
      %mul3A_512 = arith.constant 5.000000e-03 : f32
      %mul3A_513 = vector.broadcast %mul3A_512 : f32 to vector<16xf32>
      %mul3A_514 = arith.mulf %scan3A_438#3, %mul3A_513 : vector<16xf32>
      %jit3A_515 = arith.constant 16 : i32
      %eq3A_516 = arith.constant 0 : i32
      %eq3A_517 = arith.cmpi eq, %jit3A_515, %eq3A_516 : i32
      %jit3A_518 = arith.constant 1 : i32
      %select_n3A_519 = arith.select %eq3A_517, %jit3A_518, %jit3A_515 : i32
      %rem3A_520 = arith.remsi %add3A_395, %select_n3A_519 : i32
      %ne3A_521 = arith.constant 0 : i32
      %ne3A_522 = arith.cmpi ne, %rem3A_520, %ne3A_521 : i32
      %lt3A_523 = arith.constant 0 : i32
      %lt3A_524 = arith.cmpi slt, %rem3A_520, %lt3A_523 : i32
      %lt3A_525 = arith.constant 0 : i32
      %lt3A_526 = arith.cmpi slt, %select_n3A_519, %lt3A_525 : i32
      %ne3A_527 = arith.xori %lt3A_524, %lt3A_526 : i1
      %and3A_528 = arith.andi %ne3A_527, %ne3A_522 : i1
      %add3A_529 = arith.addi %rem3A_520, %select_n3A_519 : i32
      %select_n3A_530 = arith.select %and3A_528, %add3A_529, %rem3A_520 : i32
      %swap3A_531 = arith.index_cast %select_n3A_530 : i32 to index
      %swap3A_532 = arith.constant 48 : index
      %swap3A_533 = tpu.vector_load %arg10[%swap3A_531, %swap3A_532] {strides = array<i32>} : memref<16x128xf32, #tpu.memory_space<vmem>>, vector<1x16xf32>,
      %swap3A_534 = vector.shape_cast %swap3A_533 : vector<1x16xf32> to vector<16xf32>
      %swap3A_535 = vector.shape_cast %mul3A_514 : vector<16xf32> to vector<1x16xf32>
      tpu.vector_store %arg10[%swap3A_531, %swap3A_532], %swap3A_535 {strides = array<i32>} : memref<16x128xf32, #tpu.memory_space<vmem>>, vector<1x16xf32>,
      %mul3A_536 = arith.constant 5.000000e-03 : f32
      %mul3A_537 = vector.broadcast %mul3A_536 : f32 to vector<16xf32>
      %mul3A_538 = arith.mulf %scan3A_438#4, %mul3A_537 : vector<16xf32>
      %jit3A_539 = arith.constant 16 : i32
      %eq3A_540 = arith.constant 0 : i32
      %eq3A_541 = arith.cmpi eq, %jit3A_539, %eq3A_540 : i32
      %jit3A_542 = arith.constant 1 : i32
      %select_n3A_543 = arith.select %eq3A_541, %jit3A_542, %jit3A_539 : i32
      %rem3A_544 = arith.remsi %add3A_395, %select_n3A_543 : i32
      %ne3A_545 = arith.constant 0 : i32
      %ne3A_546 = arith.cmpi ne, %rem3A_544, %ne3A_545 : i32
      %lt3A_547 = arith.constant 0 : i32
      %lt3A_548 = arith.cmpi slt, %rem3A_544, %lt3A_547 : i32
      %lt3A_549 = arith.constant 0 : i32
      %lt3A_550 = arith.cmpi slt, %select_n3A_543, %lt3A_549 : i32
      %ne3A_551 = arith.xori %lt3A_548, %lt3A_550 : i1
      %and3A_552 = arith.andi %ne3A_551, %ne3A_546 : i1
      %add3A_553 = arith.addi %rem3A_544, %select_n3A_543 : i32
      %select_n3A_554 = arith.select %and3A_552, %add3A_553, %rem3A_544 : i32
      %swap3A_555 = arith.index_cast %select_n3A_554 : i32 to index
      %swap3A_556 = arith.constant 64 : index
      %swap3A_557 = tpu.vector_load %arg10[%swap3A_555, %swap3A_556] {strides = array<i32>} : memref<16x128xf32, #tpu.memory_space<vmem>>, vector<1x16xf32>,
      %swap3A_558 = vector.shape_cast %swap3A_557 : vector<1x16xf32> to vector<16xf32>
      %swap3A_559 = vector.shape_cast %mul3A_538 : vector<16xf32> to vector<1x16xf32>
      tpu.vector_store %arg10[%swap3A_555, %swap3A_556], %swap3A_559 {strides = array<i32>} : memref<16x128xf32, #tpu.memory_space<vmem>>, vector<1x16xf32>,
      %mul3A_560 = arith.constant 5.000000e-03 : f32
      %mul3A_561 = vector.broadcast %mul3A_560 : f32 to vector<16xf32>
      %mul3A_562 = arith.mulf %scan3A_438#5, %mul3A_561 : vector<16xf32>
      %jit3A_563 = arith.constant 16 : i32
      %eq3A_564 = arith.constant 0 : i32
      %eq3A_565 = arith.cmpi eq, %jit3A_563, %eq3A_564 : i32
      %jit3A_566 = arith.constant 1 : i32
      %select_n3A_567 = arith.select %eq3A_565, %jit3A_566, %jit3A_563 : i32
      %rem3A_568 = arith.remsi %add3A_395, %select_n3A_567 : i32
      %ne3A_569 = arith.constant 0 : i32
      %ne3A_570 = arith.cmpi ne, %rem3A_568, %ne3A_569 : i32
      %lt3A_571 = arith.constant 0 : i32
      %lt3A_572 = arith.cmpi slt, %rem3A_568, %lt3A_571 : i32
      %lt3A_573 = arith.constant 0 : i32
      %lt3A_574 = arith.cmpi slt, %select_n3A_567, %lt3A_573 : i32
      %ne3A_575 = arith.xori %lt3A_572, %lt3A_574 : i1
      %and3A_576 = arith.andi %ne3A_575, %ne3A_570 : i1
      %add3A_577 = arith.addi %rem3A_568, %select_n3A_567 : i32
      %select_n3A_578 = arith.select %and3A_576, %add3A_577, %rem3A_568 : i32
      %swap3A_579 = arith.index_cast %select_n3A_578 : i32 to index
      %swap3A_580 = arith.constant 80 : index
      %swap3A_581 = tpu.vector_load %arg10[%swap3A_579, %swap3A_580] {strides = array<i32>} : memref<16x128xf32, #tpu.memory_space<vmem>>, vector<1x16xf32>,
      %swap3A_582 = vector.shape_cast %swap3A_581 : vector<1x16xf32> to vector<16xf32>
      %swap3A_583 = vector.shape_cast %mul3A_562 : vector<16xf32> to vector<1x16xf32>
      tpu.vector_store %arg10[%swap3A_579, %swap3A_580], %swap3A_583 {strides = array<i32>} : memref<16x128xf32, #tpu.memory_space<vmem>>, vector<1x16xf32>,
      %mul3A_584 = arith.constant 5.000000e-03 : f32
      %mul3A_585 = vector.broadcast %mul3A_584 : f32 to vector<16xf32>
      %mul3A_586 = arith.mulf %scan3A_438#6, %mul3A_585 : vector<16xf32>
      %jit3A_587 = arith.constant 16 : i32
      %eq3A_588 = arith.constant 0 : i32
      %eq3A_589 = arith.cmpi eq, %jit3A_587, %eq3A_588 : i32
      %jit3A_590 = arith.constant 1 : i32
      %select_n3A_591 = arith.select %eq3A_589, %jit3A_590, %jit3A_587 : i32
      %rem3A_592 = arith.remsi %add3A_395, %select_n3A_591 : i32
      %ne3A_593 = arith.constant 0 : i32
      %ne3A_594 = arith.cmpi ne, %rem3A_592, %ne3A_593 : i32
      %lt3A_595 = arith.constant 0 : i32
      %lt3A_596 = arith.cmpi slt, %rem3A_592, %lt3A_595 : i32
      %lt3A_597 = arith.constant 0 : i32
      %lt3A_598 = arith.cmpi slt, %select_n3A_591, %lt3A_597 : i32
      %ne3A_599 = arith.xori %lt3A_596, %lt3A_598 : i1
      %and3A_600 = arith.andi %ne3A_599, %ne3A_594 : i1
      %add3A_601 = arith.addi %rem3A_592, %select_n3A_591 : i32
      %select_n3A_602 = arith.select %and3A_600, %add3A_601, %rem3A_592 : i32
      %swap3A_603 = arith.index_cast %select_n3A_602 : i32 to index
      %swap3A_604 = arith.constant 96 : index
      %swap3A_605 = tpu.vector_load %arg10[%swap3A_603, %swap3A_604] {strides = array<i32>} : memref<16x128xf32, #tpu.memory_space<vmem>>, vector<1x16xf32>,
      %swap3A_606 = vector.shape_cast %swap3A_605 : vector<1x16xf32> to vector<16xf32>
      %swap3A_607 = vector.shape_cast %mul3A_586 : vector<16xf32> to vector<1x16xf32>
      tpu.vector_store %arg10[%swap3A_603, %swap3A_604], %swap3A_607 {strides = array<i32>} : memref<16x128xf32, #tpu.memory_space<vmem>>, vector<1x16xf32>,
      %mul3A_608 = arith.constant 5.000000e-03 : f32
      %mul3A_609 = vector.broadcast %mul3A_608 : f32 to vector<16xf32>
      %mul3A_610 = arith.mulf %scan3A_438#7, %mul3A_609 : vector<16xf32>
      %jit3A_611 = arith.constant 16 : i32
      %eq3A_612 = arith.constant 0 : i32
      %eq3A_613 = arith.cmpi eq, %jit3A_611, %eq3A_612 : i32
      %jit3A_614 = arith.constant 1 : i32
      %select_n3A_615 = arith.select %eq3A_613, %jit3A_614, %jit3A_611 : i32
      %rem3A_616 = arith.remsi %add3A_395, %select_n3A_615 : i32
      %ne3A_617 = arith.constant 0 : i32
      %ne3A_618 = arith.cmpi ne, %rem3A_616, %ne3A_617 : i32
      %lt3A_619 = arith.constant 0 : i32
      %lt3A_620 = arith.cmpi slt, %rem3A_616, %lt3A_619 : i32
      %lt3A_621 = arith.constant 0 : i32
      %lt3A_622 = arith.cmpi slt, %select_n3A_615, %lt3A_621 : i32
      %ne3A_623 = arith.xori %lt3A_620, %lt3A_622 : i1
      %and3A_624 = arith.andi %ne3A_623, %ne3A_618 : i1
      %add3A_625 = arith.addi %rem3A_616, %select_n3A_615 : i32
      %select_n3A_626 = arith.select %and3A_624, %add3A_625, %rem3A_616 : i32
      %swap3A_627 = arith.index_cast %select_n3A_626 : i32 to index
      %swap3A_628 = arith.constant 112 : index
      %swap3A_629 = tpu.vector_load %arg10[%swap3A_627, %swap3A_628] {strides = array<i32>} : memref<16x128xf32, #tpu.memory_space<vmem>>, vector<1x16xf32>,
      %swap3A_630 = vector.shape_cast %swap3A_629 : vector<1x16xf32> to vector<16xf32>
      %swap3A_631 = vector.shape_cast %mul3A_610 : vector<16xf32> to vector<1x16xf32>
      tpu.vector_store %arg10[%swap3A_627, %swap3A_628], %swap3A_631 {strides = array<i32>} : memref<16x128xf32, #tpu.memory_space<vmem>>, vector<1x16xf32>,
      %add3A_632 = arith.constant 4 : i32
      %add3A_633 = arith.addi %add3A_395, %add3A_632 : i32
      %lt3A_634 = arith.constant 128 : i32
      %lt3A_635 = arith.cmpi slt, %add3A_633, %lt3A_634 : i32
      %convert_element_type3A_636 = arith.extui %lt3A_635 : i1 to i32
      %cond3A_637 = arith.constant 0 : i32
      %cond3A_638 = arith.cmpi ne, %convert_element_type3A_636, %cond3A_637 : i32
      scf.if %cond3A_638 {
        %add3A_1190 = arith.constant 4 : i32
        %add3A_1191 = arith.addi %add3A_395, %add3A_1190 : i32
        %jit3A_1192 = arith.constant 32 : i32
        %div3A_1193 = arith.divsi %add3A_1191, %jit3A_1192 : i32
        %sign3A_1194 = arith.constant 0 : i32
        %sign3A_1195 = arith.cmpi sgt, %add3A_1191, %sign3A_1194 : i32
        %sign3A_1196 = arith.extui %sign3A_1195 : i1 to i32
        %sign3A_1197 = arith.constant 0 : i32
        %sign3A_1198 = arith.cmpi slt, %add3A_1191, %sign3A_1197 : i32
        %sign3A_1199 = arith.extui %sign3A_1198 : i1 to i32
        %sign3A_1200 = arith.subi %sign3A_1196, %sign3A_1199 : i32
        %sign3A_1201 = arith.constant 0 : i32
        %sign3A_1202 = arith.cmpi sgt, %jit3A_1192, %sign3A_1201 : i32
        %sign3A_1203 = arith.extui %sign3A_1202 : i1 to i32
        %sign3A_1204 = arith.constant 0 : i32
        %sign3A_1205 = arith.cmpi slt, %jit3A_1192, %sign3A_1204 : i32
        %sign3A_1206 = arith.extui %sign3A_1205 : i1 to i32
        %sign3A_1207 = arith.subi %sign3A_1203, %sign3A_1206 : i32
        %ne3A_1208 = arith.cmpi ne, %sign3A_1200, %sign3A_1207 : i32
        %rem3A_1209 = arith.remsi %add3A_1191, %jit3A_1192 : i32
        %ne3A_1210 = arith.constant 0 : i32
        %ne3A_1211 = arith.cmpi ne, %rem3A_1209, %ne3A_1210 : i32
        %and3A_1212 = arith.andi %ne3A_1208, %ne3A_1211 : i1
        %sub3A_1213 = arith.constant 1 : i32
        %sub3A_1214 = arith.subi %div3A_1193, %sub3A_1213 : i32
        %select_n3A_1215 = arith.select %and3A_1212, %sub3A_1214, %div3A_1193 : i32
        %jit3A_1216 = arith.constant 2 : i32
        %eq3A_1217 = arith.constant 0 : i32
        %eq3A_1218 = arith.cmpi eq, %jit3A_1216, %eq3A_1217 : i32
        %jit3A_1219 = arith.constant 1 : i32
        %select_n3A_1220 = arith.select %eq3A_1218, %jit3A_1219, %jit3A_1216 : i32
        %rem3A_1221 = arith.remsi %select_n3A_1215, %select_n3A_1220 : i32
        %ne3A_1222 = arith.constant 0 : i32
        %ne3A_1223 = arith.cmpi ne, %rem3A_1221, %ne3A_1222 : i32
        %lt3A_1224 = arith.constant 0 : i32
        %lt3A_1225 = arith.cmpi slt, %rem3A_1221, %lt3A_1224 : i32
        %lt3A_1226 = arith.constant 0 : i32
        %lt3A_1227 = arith.cmpi slt, %select_n3A_1220, %lt3A_1226 : i32
        %ne3A_1228 = arith.xori %lt3A_1225, %lt3A_1227 : i1
        %and3A_1229 = arith.andi %ne3A_1228, %ne3A_1223 : i1
        %add3A_1230 = arith.addi %rem3A_1221, %select_n3A_1220 : i32
        %select_n3A_1231 = arith.select %and3A_1229, %add3A_1230, %rem3A_1221 : i32
        %jit3A_1232 = arith.constant 32 : i32
        %eq3A_1233 = arith.constant 0 : i32
        %eq3A_1234 = arith.cmpi eq, %jit3A_1232, %eq3A_1233 : i32
        %jit3A_1235 = arith.constant 1 : i32
        %select_n3A_1236 = arith.select %eq3A_1234, %jit3A_1235, %jit3A_1232 : i32
        %rem3A_1237 = arith.remsi %add3A_1191, %select_n3A_1236 : i32
        %ne3A_1238 = arith.constant 0 : i32
        %ne3A_1239 = arith.cmpi ne, %rem3A_1237, %ne3A_1238 : i32
        %lt3A_1240 = arith.constant 0 : i32
        %lt3A_1241 = arith.cmpi slt, %rem3A_1237, %lt3A_1240 : i32
        %lt3A_1242 = arith.constant 0 : i32
        %lt3A_1243 = arith.cmpi slt, %select_n3A_1236, %lt3A_1242 : i32
        %ne3A_1244 = arith.xori %lt3A_1241, %lt3A_1243 : i1
        %and3A_1245 = arith.andi %ne3A_1244, %ne3A_1239 : i1
        %add3A_1246 = arith.addi %rem3A_1237, %select_n3A_1236 : i32
        %select_n3A_1247 = arith.select %and3A_1245, %add3A_1246, %rem3A_1237 : i32
        %dma_start3A_1248 = arith.constant 0 : i32
        %dma_start3A_1249 = arith.constant 0 : i32
        %dma_start3A_1250 = tpu.memref_slice %arg7[%dma_start3A_1248, %dma_start3A_1249] : memref<200x128xf32, #tpu.memory_space<vmem>> -> memref<128x128xf32, #tpu.memory_space<vmem>>
        %dma_start3A_1251 = arith.constant 0 : i32
        %dma_start3A_1252 = tpu.memref_slice %arg5[%select_n3A_1231, %select_n3A_1247, %dma_start3A_1251] : memref<2x32x200xi32, #tpu.memory_space<vmem>> -> memref<1x1x128xi32, #tpu.memory_space<vmem>>
        %dma_start3A_1253 = tpu.memref_squeeze %dma_start3A_1252 : memref<1x1x128xi32, #tpu.memory_space<vmem>> -> memref<128xi32, #tpu.memory_space<vmem>>
        %dma_start3A_1254 = arith.constant 0 : i32
        %dma_start3A_1255 = arith.constant 0 : i32
        %dma_start3A_1256 = tpu.memref_slice %arg3[%dma_start3A_1254, %dma_start3A_1255] : memref<1000000x128xf32, #tpu.memory_space<hbm>> -> memref<1000000x128xf32, #tpu.memory_space<hbm>>
        tpu.enqueue_indirect_dma source(%dma_start3A_1256 : memref<1000000x128xf32, #tpu.memory_space<hbm>>) target(%dma_start3A_1250 : memref<128x128xf32, #tpu.memory_space<vmem>>) offsets(%dma_start3A_1253 : memref<128xi32, #tpu.memory_space<vmem>>) semaphore(%arg12 : memref<!tpu.dma_semaphore, #tpu.memory_space<semaphore_mem>>)
        %dma_start3A_1257 = arith.constant 128 : i32
        %dma_start3A_1258 = arith.constant 0 : i32
        %dma_start3A_1259 = tpu.memref_slice %arg7[%dma_start3A_1257, %dma_start3A_1258] : memref<200x128xf32, #tpu.memory_space<vmem>> -> memref<72x128xf32, #tpu.memory_space<vmem>>
        %dma_start3A_1260 = arith.constant 128 : i32
        %dma_start3A_1261 = tpu.memref_slice %arg5[%select_n3A_1231, %select_n3A_1247, %dma_start3A_1260] : memref<2x32x200xi32, #tpu.memory_space<vmem>> -> memref<1x1x72xi32, #tpu.memory_space<vmem>>
        %dma_start3A_1262 = tpu.memref_squeeze %dma_start3A_1261 : memref<1x1x72xi32, #tpu.memory_space<vmem>> -> memref<72xi32, #tpu.memory_space<vmem>>
        %dma_start3A_1263 = arith.constant 0 : i32
        %dma_start3A_1264 = arith.constant 0 : i32
        %dma_start3A_1265 = tpu.memref_slice %arg3[%dma_start3A_1263, %dma_start3A_1264] : memref<1000000x128xf32, #tpu.memory_space<hbm>> -> memref<1000000x128xf32, #tpu.memory_space<hbm>>
        tpu.enqueue_indirect_dma source(%dma_start3A_1265 : memref<1000000x128xf32, #tpu.memory_space<hbm>>) target(%dma_start3A_1259 : memref<72x128xf32, #tpu.memory_space<vmem>>) offsets(%dma_start3A_1262 : memref<72xi32, #tpu.memory_space<vmem>>) semaphore(%arg12 : memref<!tpu.dma_semaphore, #tpu.memory_space<semaphore_mem>>)
      } else {
      }
      %mul3A_639 = arith.constant 4 : i32
      %mul3A_640 = arith.muli %mul3A_639, %scan3A_110 : i32
      %add3A_641 = arith.constant 2 : i32
      %add3A_642 = arith.addi %mul3A_640, %add3A_641 : i32
      %dma_wait3A_643 = arith.constant 0 : i32
      %dma_wait3A_644 = arith.constant 0 : i32
      %dma_wait3A_645 = arith.constant 0 : i32
      %dma_wait3A_646 = arith.constant 0 : i32
      %dma_wait3A_647 = tpu.memref_slice %arg8[%dma_wait3A_645, %dma_wait3A_646] : memref<200x128xf32, #tpu.memory_space<vmem>> -> memref<128x128xf32, #tpu.memory_space<vmem>>
      %dma_wait3A_648 = arith.constant 0 : i32
      %dma_wait3A_649 = tpu.memref_slice %arg5[%dma_wait3A_643, %dma_wait3A_644, %dma_wait3A_648] : memref<2x32x200xi32, #tpu.memory_space<vmem>> -> memref<1x1x128xi32, #tpu.memory_space<vmem>>
      %dma_wait3A_650 = tpu.memref_squeeze %dma_wait3A_649 : memref<1x1x128xi32, #tpu.memory_space<vmem>> -> memref<128xi32, #tpu.memory_space<vmem>>
      %dma_wait3A_651 = arith.constant 0 : i32
      %dma_wait3A_652 = arith.constant 0 : i32
      %dma_wait3A_653 = tpu.memref_slice %arg3[%dma_wait3A_651, %dma_wait3A_652] : memref<1000000x128xf32, #tpu.memory_space<hbm>> -> memref<1000000x128xf32, #tpu.memory_space<hbm>>
      tpu.wait_indirect_dma semaphore(%arg13 : memref<!tpu.dma_semaphore, #tpu.memory_space<semaphore_mem>>) src(%dma_wait3A_653 : memref<1000000x128xf32, #tpu.memory_space<hbm>>) dst(%dma_wait3A_647 : memref<128x128xf32, #tpu.memory_space<vmem>>)
      %dma_wait3A_654 = arith.constant 0 : i32
      %dma_wait3A_655 = arith.constant 0 : i32
      %dma_wait3A_656 = arith.constant 128 : i32
      %dma_wait3A_657 = arith.constant 0 : i32
      %dma_wait3A_658 = tpu.memref_slice %arg8[%dma_wait3A_656, %dma_wait3A_657] : memref<200x128xf32, #tpu.memory_space<vmem>> -> memref<72x128xf32, #tpu.memory_space<vmem>>
      %dma_wait3A_659 = arith.constant 128 : i32
      %dma_wait3A_660 = tpu.memref_slice %arg5[%dma_wait3A_654, %dma_wait3A_655, %dma_wait3A_659] : memref<2x32x200xi32, #tpu.memory_space<vmem>> -> memref<1x1x72xi32, #tpu.memory_space<vmem>>
      %dma_wait3A_661 = tpu.memref_squeeze %dma_wait3A_660 : memref<1x1x72xi32, #tpu.memory_space<vmem>> -> memref<72xi32, #tpu.memory_space<vmem>>
      %dma_wait3A_662 = arith.constant 0 : i32
      %dma_wait3A_663 = arith.constant 0 : i32
      %dma_wait3A_664 = tpu.memref_slice %arg3[%dma_wait3A_662, %dma_wait3A_663] : memref<1000000x128xf32, #tpu.memory_space<hbm>> -> memref<1000000x128xf32, #tpu.memory_space<hbm>>
      tpu.wait_indirect_dma semaphore(%arg13 : memref<!tpu.dma_semaphore, #tpu.memory_space<semaphore_mem>>) src(%dma_wait3A_664 : memref<1000000x128xf32, #tpu.memory_space<hbm>>) dst(%dma_wait3A_658 : memref<72x128xf32, #tpu.memory_space<vmem>>)
      %broadcast_in_dim3A_665 = arith.constant 0.000000e+00 : f32
      %broadcast_in_dim3A_666 = vector.broadcast %broadcast_in_dim3A_665 : f32 to vector<16xf32>
      %broadcast_in_dim3A_667 = arith.constant 0.000000e+00 : f32
      %broadcast_in_dim3A_668 = vector.broadcast %broadcast_in_dim3A_667 : f32 to vector<16xf32>
      %broadcast_in_dim3A_669 = arith.constant 0.000000e+00 : f32
      %broadcast_in_dim3A_670 = vector.broadcast %broadcast_in_dim3A_669 : f32 to vector<16xf32>
      %broadcast_in_dim3A_671 = arith.constant 0.000000e+00 : f32
      %broadcast_in_dim3A_672 = vector.broadcast %broadcast_in_dim3A_671 : f32 to vector<16xf32>
      %broadcast_in_dim3A_673 = arith.constant 0.000000e+00 : f32
      %broadcast_in_dim3A_674 = vector.broadcast %broadcast_in_dim3A_673 : f32 to vector<16xf32>
      %broadcast_in_dim3A_675 = arith.constant 0.000000e+00 : f32
      %broadcast_in_dim3A_676 = vector.broadcast %broadcast_in_dim3A_675 : f32 to vector<16xf32>
      %broadcast_in_dim3A_677 = arith.constant 0.000000e+00 : f32
      %broadcast_in_dim3A_678 = vector.broadcast %broadcast_in_dim3A_677 : f32 to vector<16xf32>
      %broadcast_in_dim3A_679 = arith.constant 0.000000e+00 : f32
      %broadcast_in_dim3A_680 = vector.broadcast %broadcast_in_dim3A_679 : f32 to vector<16xf32>
      %scan3A_681 = arith.constant 0 : i32
      %scan3A_682 = arith.constant 50 : i32
      %scan3A_683 = arith.addi %scan3A_681, %scan3A_682 : i32
      %scan3A_684 = arith.constant 1 : i32
      %scan3A_685:8 = scf.for %scan3A_1190 = %scan3A_681 to %scan3A_683 step %scan3A_684 iter_args(%scan3A_1191 = %broadcast_in_dim3A_666, %scan3A_1192 = %broadcast_in_dim3A_668, %scan3A_1193 = %broadcast_in_dim3A_670, %scan3A_1194 = %broadcast_in_dim3A_672, %scan3A_1195 = %broadcast_in_dim3A_674, %scan3A_1196 = %broadcast_in_dim3A_676, %scan3A_1197 = %broadcast_in_dim3A_678, %scan3A_1198 = %broadcast_in_dim3A_680) -> (vector<16xf32>, vector<16xf32>, vector<16xf32>, vector<16xf32>, vector<16xf32>, vector<16xf32>, vector<16xf32>, vector<16xf32>)  : i32 {
        %mul3A_1199 = arith.constant 4 : i32
        %mul3A_1200 = arith.muli %mul3A_1199, %scan3A_1190 : i32
        %add3A_1201 = arith.constant 0 : i32
        %add3A_1202 = arith.addi %mul3A_1200, %add3A_1201 : i32
        %get3A = arith.index_cast %add3A_1202 : i32 to index
        %get3A_1203 = arith.constant 0 : index
        %get3A_1204 = tpu.vector_load %arg8[%get3A, %get3A_1203] {strides = array<i32>} : memref<200x128xf32, #tpu.memory_space<vmem>>, vector<1x16xf32>,
        %get3A_1205 = vector.shape_cast %get3A_1204 : vector<1x16xf32> to vector<16xf32>
        %add3A_1206 = arith.addf %scan3A_1191, %get3A_1205 : vector<16xf32>
        %get3A_1207 = arith.index_cast %add3A_1202 : i32 to index
        %get3A_1208 = arith.constant 16 : index
        %get3A_1209 = tpu.vector_load %arg8[%get3A_1207, %get3A_1208] {strides = array<i32>} : memref<200x128xf32, #tpu.memory_space<vmem>>, vector<1x16xf32>,
        %get3A_1210 = vector.shape_cast %get3A_1209 : vector<1x16xf32> to vector<16xf32>
        %add3A_1211 = arith.addf %scan3A_1192, %get3A_1210 : vector<16xf32>
        %get3A_1212 = arith.index_cast %add3A_1202 : i32 to index
        %get3A_1213 = arith.constant 32 : index
        %get3A_1214 = tpu.vector_load %arg8[%get3A_1212, %get3A_1213] {strides = array<i32>} : memref<200x128xf32, #tpu.memory_space<vmem>>, vector<1x16xf32>,
        %get3A_1215 = vector.shape_cast %get3A_1214 : vector<1x16xf32> to vector<16xf32>
        %add3A_1216 = arith.addf %scan3A_1193, %get3A_1215 : vector<16xf32>
        %get3A_1217 = arith.index_cast %add3A_1202 : i32 to index
        %get3A_1218 = arith.constant 48 : index
        %get3A_1219 = tpu.vector_load %arg8[%get3A_1217, %get3A_1218] {strides = array<i32>} : memref<200x128xf32, #tpu.memory_space<vmem>>, vector<1x16xf32>,
        %get3A_1220 = vector.shape_cast %get3A_1219 : vector<1x16xf32> to vector<16xf32>
        %add3A_1221 = arith.addf %scan3A_1194, %get3A_1220 : vector<16xf32>
        %get3A_1222 = arith.index_cast %add3A_1202 : i32 to index
        %get3A_1223 = arith.constant 64 : index
        %get3A_1224 = tpu.vector_load %arg8[%get3A_1222, %get3A_1223] {strides = array<i32>} : memref<200x128xf32, #tpu.memory_space<vmem>>, vector<1x16xf32>,
        %get3A_1225 = vector.shape_cast %get3A_1224 : vector<1x16xf32> to vector<16xf32>
        %add3A_1226 = arith.addf %scan3A_1195, %get3A_1225 : vector<16xf32>
        %get3A_1227 = arith.index_cast %add3A_1202 : i32 to index
        %get3A_1228 = arith.constant 80 : index
        %get3A_1229 = tpu.vector_load %arg8[%get3A_1227, %get3A_1228] {strides = array<i32>} : memref<200x128xf32, #tpu.memory_space<vmem>>, vector<1x16xf32>,
        %get3A_1230 = vector.shape_cast %get3A_1229 : vector<1x16xf32> to vector<16xf32>
        %add3A_1231 = arith.addf %scan3A_1196, %get3A_1230 : vector<16xf32>
        %get3A_1232 = arith.index_cast %add3A_1202 : i32 to index
        %get3A_1233 = arith.constant 96 : index
        %get3A_1234 = tpu.vector_load %arg8[%get3A_1232, %get3A_1233] {strides = array<i32>} : memref<200x128xf32, #tpu.memory_space<vmem>>, vector<1x16xf32>,
        %get3A_1235 = vector.shape_cast %get3A_1234 : vector<1x16xf32> to vector<16xf32>
        %add3A_1236 = arith.addf %scan3A_1197, %get3A_1235 : vector<16xf32>
        %get3A_1237 = arith.index_cast %add3A_1202 : i32 to index
        %get3A_1238 = arith.constant 112 : index
        %get3A_1239 = tpu.vector_load %arg8[%get3A_1237, %get3A_1238] {strides = array<i32>} : memref<200x128xf32, #tpu.memory_space<vmem>>, vector<1x16xf32>,
        %get3A_1240 = vector.shape_cast %get3A_1239 : vector<1x16xf32> to vector<16xf32>
        %add3A_1241 = arith.addf %scan3A_1198, %get3A_1240 : vector<16xf32>
        %mul3A_1242 = arith.constant 4 : i32
        %mul3A_1243 = arith.muli %mul3A_1242, %scan3A_1190 : i32
        %add3A_1244 = arith.constant 1 : i32
        %add3A_1245 = arith.addi %mul3A_1243, %add3A_1244 : i32
        %get3A_1246 = arith.index_cast %add3A_1245 : i32 to index
        %get3A_1247 = arith.constant 0 : index
        %get3A_1248 = tpu.vector_load %arg8[%get3A_1246, %get3A_1247] {strides = array<i32>} : memref<200x128xf32, #tpu.memory_space<vmem>>, vector<1x16xf32>,
        %get3A_1249 = vector.shape_cast %get3A_1248 : vector<1x16xf32> to vector<16xf32>
        %add3A_1250 = arith.addf %add3A_1206, %get3A_1249 : vector<16xf32>
        %get3A_1251 = arith.index_cast %add3A_1245 : i32 to index
        %get3A_1252 = arith.constant 16 : index
        %get3A_1253 = tpu.vector_load %arg8[%get3A_1251, %get3A_1252] {strides = array<i32>} : memref<200x128xf32, #tpu.memory_space<vmem>>, vector<1x16xf32>,
        %get3A_1254 = vector.shape_cast %get3A_1253 : vector<1x16xf32> to vector<16xf32>
        %add3A_1255 = arith.addf %add3A_1211, %get3A_1254 : vector<16xf32>
        %get3A_1256 = arith.index_cast %add3A_1245 : i32 to index
        %get3A_1257 = arith.constant 32 : index
        %get3A_1258 = tpu.vector_load %arg8[%get3A_1256, %get3A_1257] {strides = array<i32>} : memref<200x128xf32, #tpu.memory_space<vmem>>, vector<1x16xf32>,
        %get3A_1259 = vector.shape_cast %get3A_1258 : vector<1x16xf32> to vector<16xf32>
        %add3A_1260 = arith.addf %add3A_1216, %get3A_1259 : vector<16xf32>
        %get3A_1261 = arith.index_cast %add3A_1245 : i32 to index
        %get3A_1262 = arith.constant 48 : index
        %get3A_1263 = tpu.vector_load %arg8[%get3A_1261, %get3A_1262] {strides = array<i32>} : memref<200x128xf32, #tpu.memory_space<vmem>>, vector<1x16xf32>,
        %get3A_1264 = vector.shape_cast %get3A_1263 : vector<1x16xf32> to vector<16xf32>
        %add3A_1265 = arith.addf %add3A_1221, %get3A_1264 : vector<16xf32>
        %get3A_1266 = arith.index_cast %add3A_1245 : i32 to index
        %get3A_1267 = arith.constant 64 : index
        %get3A_1268 = tpu.vector_load %arg8[%get3A_1266, %get3A_1267] {strides = array<i32>} : memref<200x128xf32, #tpu.memory_space<vmem>>, vector<1x16xf32>,
        %get3A_1269 = vector.shape_cast %get3A_1268 : vector<1x16xf32> to vector<16xf32>
        %add3A_1270 = arith.addf %add3A_1226, %get3A_1269 : vector<16xf32>
        %get3A_1271 = arith.index_cast %add3A_1245 : i32 to index
        %get3A_1272 = arith.constant 80 : index
        %get3A_1273 = tpu.vector_load %arg8[%get3A_1271, %get3A_1272] {strides = array<i32>} : memref<200x128xf32, #tpu.memory_space<vmem>>, vector<1x16xf32>,
        %get3A_1274 = vector.shape_cast %get3A_1273 : vector<1x16xf32> to vector<16xf32>
        %add3A_1275 = arith.addf %add3A_1231, %get3A_1274 : vector<16xf32>
        %get3A_1276 = arith.index_cast %add3A_1245 : i32 to index
        %get3A_1277 = arith.constant 96 : index
        %get3A_1278 = tpu.vector_load %arg8[%get3A_1276, %get3A_1277] {strides = array<i32>} : memref<200x128xf32, #tpu.memory_space<vmem>>, vector<1x16xf32>,
        %get3A_1279 = vector.shape_cast %get3A_1278 : vector<1x16xf32> to vector<16xf32>
        %add3A_1280 = arith.addf %add3A_1236, %get3A_1279 : vector<16xf32>
        %get3A_1281 = arith.index_cast %add3A_1245 : i32 to index
        %get3A_1282 = arith.constant 112 : index
        %get3A_1283 = tpu.vector_load %arg8[%get3A_1281, %get3A_1282] {strides = array<i32>} : memref<200x128xf32, #tpu.memory_space<vmem>>, vector<1x16xf32>,
        %get3A_1284 = vector.shape_cast %get3A_1283 : vector<1x16xf32> to vector<16xf32>
        %add3A_1285 = arith.addf %add3A_1241, %get3A_1284 : vector<16xf32>
        %mul3A_1286 = arith.constant 4 : i32
        %mul3A_1287 = arith.muli %mul3A_1286, %scan3A_1190 : i32
        %add3A_1288 = arith.constant 2 : i32
        %add3A_1289 = arith.addi %mul3A_1287, %add3A_1288 : i32
        %get3A_1290 = arith.index_cast %add3A_1289 : i32 to index
        %get3A_1291 = arith.constant 0 : index
        %get3A_1292 = tpu.vector_load %arg8[%get3A_1290, %get3A_1291] {strides = array<i32>} : memref<200x128xf32, #tpu.memory_space<vmem>>, vector<1x16xf32>,
        %get3A_1293 = vector.shape_cast %get3A_1292 : vector<1x16xf32> to vector<16xf32>
        %add3A_1294 = arith.addf %add3A_1250, %get3A_1293 : vector<16xf32>
        %get3A_1295 = arith.index_cast %add3A_1289 : i32 to index
        %get3A_1296 = arith.constant 16 : index
        %get3A_1297 = tpu.vector_load %arg8[%get3A_1295, %get3A_1296] {strides = array<i32>} : memref<200x128xf32, #tpu.memory_space<vmem>>, vector<1x16xf32>,
        %get3A_1298 = vector.shape_cast %get3A_1297 : vector<1x16xf32> to vector<16xf32>
        %add3A_1299 = arith.addf %add3A_1255, %get3A_1298 : vector<16xf32>
        %get3A_1300 = arith.index_cast %add3A_1289 : i32 to index
        %get3A_1301 = arith.constant 32 : index
        %get3A_1302 = tpu.vector_load %arg8[%get3A_1300, %get3A_1301] {strides = array<i32>} : memref<200x128xf32, #tpu.memory_space<vmem>>, vector<1x16xf32>,
        %get3A_1303 = vector.shape_cast %get3A_1302 : vector<1x16xf32> to vector<16xf32>
        %add3A_1304 = arith.addf %add3A_1260, %get3A_1303 : vector<16xf32>
        %get3A_1305 = arith.index_cast %add3A_1289 : i32 to index
        %get3A_1306 = arith.constant 48 : index
        %get3A_1307 = tpu.vector_load %arg8[%get3A_1305, %get3A_1306] {strides = array<i32>} : memref<200x128xf32, #tpu.memory_space<vmem>>, vector<1x16xf32>,
        %get3A_1308 = vector.shape_cast %get3A_1307 : vector<1x16xf32> to vector<16xf32>
        %add3A_1309 = arith.addf %add3A_1265, %get3A_1308 : vector<16xf32>
        %get3A_1310 = arith.index_cast %add3A_1289 : i32 to index
        %get3A_1311 = arith.constant 64 : index
        %get3A_1312 = tpu.vector_load %arg8[%get3A_1310, %get3A_1311] {strides = array<i32>} : memref<200x128xf32, #tpu.memory_space<vmem>>, vector<1x16xf32>,
        %get3A_1313 = vector.shape_cast %get3A_1312 : vector<1x16xf32> to vector<16xf32>
        %add3A_1314 = arith.addf %add3A_1270, %get3A_1313 : vector<16xf32>
        %get3A_1315 = arith.index_cast %add3A_1289 : i32 to index
        %get3A_1316 = arith.constant 80 : index
        %get3A_1317 = tpu.vector_load %arg8[%get3A_1315, %get3A_1316] {strides = array<i32>} : memref<200x128xf32, #tpu.memory_space<vmem>>, vector<1x16xf32>,
        %get3A_1318 = vector.shape_cast %get3A_1317 : vector<1x16xf32> to vector<16xf32>
        %add3A_1319 = arith.addf %add3A_1275, %get3A_1318 : vector<16xf32>
        %get3A_1320 = arith.index_cast %add3A_1289 : i32 to index
        %get3A_1321 = arith.constant 96 : index
        %get3A_1322 = tpu.vector_load %arg8[%get3A_1320, %get3A_1321] {strides = array<i32>} : memref<200x128xf32, #tpu.memory_space<vmem>>, vector<1x16xf32>,
        %get3A_1323 = vector.shape_cast %get3A_1322 : vector<1x16xf32> to vector<16xf32>
        %add3A_1324 = arith.addf %add3A_1280, %get3A_1323 : vector<16xf32>
        %get3A_1325 = arith.index_cast %add3A_1289 : i32 to index
        %get3A_1326 = arith.constant 112 : index
        %get3A_1327 = tpu.vector_load %arg8[%get3A_1325, %get3A_1326] {strides = array<i32>} : memref<200x128xf32, #tpu.memory_space<vmem>>, vector<1x16xf32>,
        %get3A_1328 = vector.shape_cast %get3A_1327 : vector<1x16xf32> to vector<16xf32>
        %add3A_1329 = arith.addf %add3A_1285, %get3A_1328 : vector<16xf32>
        %mul3A_1330 = arith.constant 4 : i32
        %mul3A_1331 = arith.muli %mul3A_1330, %scan3A_1190 : i32
        %add3A_1332 = arith.constant 3 : i32
        %add3A_1333 = arith.addi %mul3A_1331, %add3A_1332 : i32
        %get3A_1334 = arith.index_cast %add3A_1333 : i32 to index
        %get3A_1335 = arith.constant 0 : index
        %get3A_1336 = tpu.vector_load %arg8[%get3A_1334, %get3A_1335] {strides = array<i32>} : memref<200x128xf32, #tpu.memory_space<vmem>>, vector<1x16xf32>,
        %get3A_1337 = vector.shape_cast %get3A_1336 : vector<1x16xf32> to vector<16xf32>
        %add3A_1338 = arith.addf %add3A_1294, %get3A_1337 : vector<16xf32>
        %get3A_1339 = arith.index_cast %add3A_1333 : i32 to index
        %get3A_1340 = arith.constant 16 : index
        %get3A_1341 = tpu.vector_load %arg8[%get3A_1339, %get3A_1340] {strides = array<i32>} : memref<200x128xf32, #tpu.memory_space<vmem>>, vector<1x16xf32>,
        %get3A_1342 = vector.shape_cast %get3A_1341 : vector<1x16xf32> to vector<16xf32>
        %add3A_1343 = arith.addf %add3A_1299, %get3A_1342 : vector<16xf32>
        %get3A_1344 = arith.index_cast %add3A_1333 : i32 to index
        %get3A_1345 = arith.constant 32 : index
        %get3A_1346 = tpu.vector_load %arg8[%get3A_1344, %get3A_1345] {strides = array<i32>} : memref<200x128xf32, #tpu.memory_space<vmem>>, vector<1x16xf32>,
        %get3A_1347 = vector.shape_cast %get3A_1346 : vector<1x16xf32> to vector<16xf32>
        %add3A_1348 = arith.addf %add3A_1304, %get3A_1347 : vector<16xf32>
        %get3A_1349 = arith.index_cast %add3A_1333 : i32 to index
        %get3A_1350 = arith.constant 48 : index
        %get3A_1351 = tpu.vector_load %arg8[%get3A_1349, %get3A_1350] {strides = array<i32>} : memref<200x128xf32, #tpu.memory_space<vmem>>, vector<1x16xf32>,
        %get3A_1352 = vector.shape_cast %get3A_1351 : vector<1x16xf32> to vector<16xf32>
        %add3A_1353 = arith.addf %add3A_1309, %get3A_1352 : vector<16xf32>
        %get3A_1354 = arith.index_cast %add3A_1333 : i32 to index
        %get3A_1355 = arith.constant 64 : index
        %get3A_1356 = tpu.vector_load %arg8[%get3A_1354, %get3A_1355] {strides = array<i32>} : memref<200x128xf32, #tpu.memory_space<vmem>>, vector<1x16xf32>,
        %get3A_1357 = vector.shape_cast %get3A_1356 : vector<1x16xf32> to vector<16xf32>
        %add3A_1358 = arith.addf %add3A_1314, %get3A_1357 : vector<16xf32>
        %get3A_1359 = arith.index_cast %add3A_1333 : i32 to index
        %get3A_1360 = arith.constant 80 : index
        %get3A_1361 = tpu.vector_load %arg8[%get3A_1359, %get3A_1360] {strides = array<i32>} : memref<200x128xf32, #tpu.memory_space<vmem>>, vector<1x16xf32>,
        %get3A_1362 = vector.shape_cast %get3A_1361 : vector<1x16xf32> to vector<16xf32>
        %add3A_1363 = arith.addf %add3A_1319, %get3A_1362 : vector<16xf32>
        %get3A_1364 = arith.index_cast %add3A_1333 : i32 to index
        %get3A_1365 = arith.constant 96 : index
        %get3A_1366 = tpu.vector_load %arg8[%get3A_1364, %get3A_1365] {strides = array<i32>} : memref<200x128xf32, #tpu.memory_space<vmem>>, vector<1x16xf32>,
        %get3A_1367 = vector.shape_cast %get3A_1366 : vector<1x16xf32> to vector<16xf32>
        %add3A_1368 = arith.addf %add3A_1324, %get3A_1367 : vector<16xf32>
        %get3A_1369 = arith.index_cast %add3A_1333 : i32 to index
        %get3A_1370 = arith.constant 112 : index
        %get3A_1371 = tpu.vector_load %arg8[%get3A_1369, %get3A_1370] {strides = array<i32>} : memref<200x128xf32, #tpu.memory_space<vmem>>, vector<1x16xf32>,
        %get3A_1372 = vector.shape_cast %get3A_1371 : vector<1x16xf32> to vector<16xf32>
        %add3A_1373 = arith.addf %add3A_1329, %get3A_1372 : vector<16xf32>
        scf.yield %add3A_1338, %add3A_1343, %add3A_1348, %add3A_1353, %add3A_1358, %add3A_1363, %add3A_1368, %add3A_1373 : vector<16xf32>, vector<16xf32>, vector<16xf32>, vector<16xf32>, vector<16xf32>, vector<16xf32>, vector<16xf32>, vector<16xf32>
      }
      %scan3A_686 = arith.constant 50 : i32
      %mul3A_687 = arith.constant 5.000000e-03 : f32
      %mul3A_688 = vector.broadcast %mul3A_687 : f32 to vector<16xf32>
      %mul3A_689 = arith.mulf %scan3A_685#0, %mul3A_688 : vector<16xf32>
      %jit3A_690 = arith.constant 16 : i32
      %eq3A_691 = arith.constant 0 : i32
      %eq3A_692 = arith.cmpi eq, %jit3A_690, %eq3A_691 : i32
      %jit3A_693 = arith.constant 1 : i32
      %select_n3A_694 = arith.select %eq3A_692, %jit3A_693, %jit3A_690 : i32
      %rem3A_695 = arith.remsi %add3A_642, %select_n3A_694 : i32
      %ne3A_696 = arith.constant 0 : i32
      %ne3A_697 = arith.cmpi ne, %rem3A_695, %ne3A_696 : i32
      %lt3A_698 = arith.constant 0 : i32
      %lt3A_699 = arith.cmpi slt, %rem3A_695, %lt3A_698 : i32
      %lt3A_700 = arith.constant 0 : i32
      %lt3A_701 = arith.cmpi slt, %select_n3A_694, %lt3A_700 : i32
      %ne3A_702 = arith.xori %lt3A_699, %lt3A_701 : i1
      %and3A_703 = arith.andi %ne3A_702, %ne3A_697 : i1
      %add3A_704 = arith.addi %rem3A_695, %select_n3A_694 : i32
      %select_n3A_705 = arith.select %and3A_703, %add3A_704, %rem3A_695 : i32
      %swap3A_706 = arith.index_cast %select_n3A_705 : i32 to index
      %swap3A_707 = arith.constant 0 : index
      %swap3A_708 = tpu.vector_load %arg10[%swap3A_706, %swap3A_707] {strides = array<i32>} : memref<16x128xf32, #tpu.memory_space<vmem>>, vector<1x16xf32>,
      %swap3A_709 = vector.shape_cast %swap3A_708 : vector<1x16xf32> to vector<16xf32>
      %swap3A_710 = vector.shape_cast %mul3A_689 : vector<16xf32> to vector<1x16xf32>
      tpu.vector_store %arg10[%swap3A_706, %swap3A_707], %swap3A_710 {strides = array<i32>} : memref<16x128xf32, #tpu.memory_space<vmem>>, vector<1x16xf32>,
      %mul3A_711 = arith.constant 5.000000e-03 : f32
      %mul3A_712 = vector.broadcast %mul3A_711 : f32 to vector<16xf32>
      %mul3A_713 = arith.mulf %scan3A_685#1, %mul3A_712 : vector<16xf32>
      %jit3A_714 = arith.constant 16 : i32
      %eq3A_715 = arith.constant 0 : i32
      %eq3A_716 = arith.cmpi eq, %jit3A_714, %eq3A_715 : i32
      %jit3A_717 = arith.constant 1 : i32
      %select_n3A_718 = arith.select %eq3A_716, %jit3A_717, %jit3A_714 : i32
      %rem3A_719 = arith.remsi %add3A_642, %select_n3A_718 : i32
      %ne3A_720 = arith.constant 0 : i32
      %ne3A_721 = arith.cmpi ne, %rem3A_719, %ne3A_720 : i32
      %lt3A_722 = arith.constant 0 : i32
      %lt3A_723 = arith.cmpi slt, %rem3A_719, %lt3A_722 : i32
      %lt3A_724 = arith.constant 0 : i32
      %lt3A_725 = arith.cmpi slt, %select_n3A_718, %lt3A_724 : i32
      %ne3A_726 = arith.xori %lt3A_723, %lt3A_725 : i1
      %and3A_727 = arith.andi %ne3A_726, %ne3A_721 : i1
      %add3A_728 = arith.addi %rem3A_719, %select_n3A_718 : i32
      %select_n3A_729 = arith.select %and3A_727, %add3A_728, %rem3A_719 : i32
      %swap3A_730 = arith.index_cast %select_n3A_729 : i32 to index
      %swap3A_731 = arith.constant 16 : index
      %swap3A_732 = tpu.vector_load %arg10[%swap3A_730, %swap3A_731] {strides = array<i32>} : memref<16x128xf32, #tpu.memory_space<vmem>>, vector<1x16xf32>,
      %swap3A_733 = vector.shape_cast %swap3A_732 : vector<1x16xf32> to vector<16xf32>
      %swap3A_734 = vector.shape_cast %mul3A_713 : vector<16xf32> to vector<1x16xf32>
      tpu.vector_store %arg10[%swap3A_730, %swap3A_731], %swap3A_734 {strides = array<i32>} : memref<16x128xf32, #tpu.memory_space<vmem>>, vector<1x16xf32>,
      %mul3A_735 = arith.constant 5.000000e-03 : f32
      %mul3A_736 = vector.broadcast %mul3A_735 : f32 to vector<16xf32>
      %mul3A_737 = arith.mulf %scan3A_685#2, %mul3A_736 : vector<16xf32>
      %jit3A_738 = arith.constant 16 : i32
      %eq3A_739 = arith.constant 0 : i32
      %eq3A_740 = arith.cmpi eq, %jit3A_738, %eq3A_739 : i32
      %jit3A_741 = arith.constant 1 : i32
      %select_n3A_742 = arith.select %eq3A_740, %jit3A_741, %jit3A_738 : i32
      %rem3A_743 = arith.remsi %add3A_642, %select_n3A_742 : i32
      %ne3A_744 = arith.constant 0 : i32
      %ne3A_745 = arith.cmpi ne, %rem3A_743, %ne3A_744 : i32
      %lt3A_746 = arith.constant 0 : i32
      %lt3A_747 = arith.cmpi slt, %rem3A_743, %lt3A_746 : i32
      %lt3A_748 = arith.constant 0 : i32
      %lt3A_749 = arith.cmpi slt, %select_n3A_742, %lt3A_748 : i32
      %ne3A_750 = arith.xori %lt3A_747, %lt3A_749 : i1
      %and3A_751 = arith.andi %ne3A_750, %ne3A_745 : i1
      %add3A_752 = arith.addi %rem3A_743, %select_n3A_742 : i32
      %select_n3A_753 = arith.select %and3A_751, %add3A_752, %rem3A_743 : i32
      %swap3A_754 = arith.index_cast %select_n3A_753 : i32 to index
      %swap3A_755 = arith.constant 32 : index
      %swap3A_756 = tpu.vector_load %arg10[%swap3A_754, %swap3A_755] {strides = array<i32>} : memref<16x128xf32, #tpu.memory_space<vmem>>, vector<1x16xf32>,
      %swap3A_757 = vector.shape_cast %swap3A_756 : vector<1x16xf32> to vector<16xf32>
      %swap3A_758 = vector.shape_cast %mul3A_737 : vector<16xf32> to vector<1x16xf32>
      tpu.vector_store %arg10[%swap3A_754, %swap3A_755], %swap3A_758 {strides = array<i32>} : memref<16x128xf32, #tpu.memory_space<vmem>>, vector<1x16xf32>,
      %mul3A_759 = arith.constant 5.000000e-03 : f32
      %mul3A_760 = vector.broadcast %mul3A_759 : f32 to vector<16xf32>
      %mul3A_761 = arith.mulf %scan3A_685#3, %mul3A_760 : vector<16xf32>
      %jit3A_762 = arith.constant 16 : i32
      %eq3A_763 = arith.constant 0 : i32
      %eq3A_764 = arith.cmpi eq, %jit3A_762, %eq3A_763 : i32
      %jit3A_765 = arith.constant 1 : i32
      %select_n3A_766 = arith.select %eq3A_764, %jit3A_765, %jit3A_762 : i32
      %rem3A_767 = arith.remsi %add3A_642, %select_n3A_766 : i32
      %ne3A_768 = arith.constant 0 : i32
      %ne3A_769 = arith.cmpi ne, %rem3A_767, %ne3A_768 : i32
      %lt3A_770 = arith.constant 0 : i32
      %lt3A_771 = arith.cmpi slt, %rem3A_767, %lt3A_770 : i32
      %lt3A_772 = arith.constant 0 : i32
      %lt3A_773 = arith.cmpi slt, %select_n3A_766, %lt3A_772 : i32
      %ne3A_774 = arith.xori %lt3A_771, %lt3A_773 : i1
      %and3A_775 = arith.andi %ne3A_774, %ne3A_769 : i1
      %add3A_776 = arith.addi %rem3A_767, %select_n3A_766 : i32
      %select_n3A_777 = arith.select %and3A_775, %add3A_776, %rem3A_767 : i32
      %swap3A_778 = arith.index_cast %select_n3A_777 : i32 to index
      %swap3A_779 = arith.constant 48 : index
      %swap3A_780 = tpu.vector_load %arg10[%swap3A_778, %swap3A_779] {strides = array<i32>} : memref<16x128xf32, #tpu.memory_space<vmem>>, vector<1x16xf32>,
      %swap3A_781 = vector.shape_cast %swap3A_780 : vector<1x16xf32> to vector<16xf32>
      %swap3A_782 = vector.shape_cast %mul3A_761 : vector<16xf32> to vector<1x16xf32>
      tpu.vector_store %arg10[%swap3A_778, %swap3A_779], %swap3A_782 {strides = array<i32>} : memref<16x128xf32, #tpu.memory_space<vmem>>, vector<1x16xf32>,
      %mul3A_783 = arith.constant 5.000000e-03 : f32
      %mul3A_784 = vector.broadcast %mul3A_783 : f32 to vector<16xf32>
      %mul3A_785 = arith.mulf %scan3A_685#4, %mul3A_784 : vector<16xf32>
      %jit3A_786 = arith.constant 16 : i32
      %eq3A_787 = arith.constant 0 : i32
      %eq3A_788 = arith.cmpi eq, %jit3A_786, %eq3A_787 : i32
      %jit3A_789 = arith.constant 1 : i32
      %select_n3A_790 = arith.select %eq3A_788, %jit3A_789, %jit3A_786 : i32
      %rem3A_791 = arith.remsi %add3A_642, %select_n3A_790 : i32
      %ne3A_792 = arith.constant 0 : i32
      %ne3A_793 = arith.cmpi ne, %rem3A_791, %ne3A_792 : i32
      %lt3A_794 = arith.constant 0 : i32
      %lt3A_795 = arith.cmpi slt, %rem3A_791, %lt3A_794 : i32
      %lt3A_796 = arith.constant 0 : i32
      %lt3A_797 = arith.cmpi slt, %select_n3A_790, %lt3A_796 : i32
      %ne3A_798 = arith.xori %lt3A_795, %lt3A_797 : i1
      %and3A_799 = arith.andi %ne3A_798, %ne3A_793 : i1
      %add3A_800 = arith.addi %rem3A_791, %select_n3A_790 : i32
      %select_n3A_801 = arith.select %and3A_799, %add3A_800, %rem3A_791 : i32
      %swap3A_802 = arith.index_cast %select_n3A_801 : i32 to index
      %swap3A_803 = arith.constant 64 : index
      %swap3A_804 = tpu.vector_load %arg10[%swap3A_802, %swap3A_803] {strides = array<i32>} : memref<16x128xf32, #tpu.memory_space<vmem>>, vector<1x16xf32>,
      %swap3A_805 = vector.shape_cast %swap3A_804 : vector<1x16xf32> to vector<16xf32>
      %swap3A_806 = vector.shape_cast %mul3A_785 : vector<16xf32> to vector<1x16xf32>
      tpu.vector_store %arg10[%swap3A_802, %swap3A_803], %swap3A_806 {strides = array<i32>} : memref<16x128xf32, #tpu.memory_space<vmem>>, vector<1x16xf32>,
      %mul3A_807 = arith.constant 5.000000e-03 : f32
      %mul3A_808 = vector.broadcast %mul3A_807 : f32 to vector<16xf32>
      %mul3A_809 = arith.mulf %scan3A_685#5, %mul3A_808 : vector<16xf32>
      %jit3A_810 = arith.constant 16 : i32
      %eq3A_811 = arith.constant 0 : i32
      %eq3A_812 = arith.cmpi eq, %jit3A_810, %eq3A_811 : i32
      %jit3A_813 = arith.constant 1 : i32
      %select_n3A_814 = arith.select %eq3A_812, %jit3A_813, %jit3A_810 : i32
      %rem3A_815 = arith.remsi %add3A_642, %select_n3A_814 : i32
      %ne3A_816 = arith.constant 0 : i32
      %ne3A_817 = arith.cmpi ne, %rem3A_815, %ne3A_816 : i32
      %lt3A_818 = arith.constant 0 : i32
      %lt3A_819 = arith.cmpi slt, %rem3A_815, %lt3A_818 : i32
      %lt3A_820 = arith.constant 0 : i32
      %lt3A_821 = arith.cmpi slt, %select_n3A_814, %lt3A_820 : i32
      %ne3A_822 = arith.xori %lt3A_819, %lt3A_821 : i1
      %and3A_823 = arith.andi %ne3A_822, %ne3A_817 : i1
      %add3A_824 = arith.addi %rem3A_815, %select_n3A_814 : i32
      %select_n3A_825 = arith.select %and3A_823, %add3A_824, %rem3A_815 : i32
      %swap3A_826 = arith.index_cast %select_n3A_825 : i32 to index
      %swap3A_827 = arith.constant 80 : index
      %swap3A_828 = tpu.vector_load %arg10[%swap3A_826, %swap3A_827] {strides = array<i32>} : memref<16x128xf32, #tpu.memory_space<vmem>>, vector<1x16xf32>,
      %swap3A_829 = vector.shape_cast %swap3A_828 : vector<1x16xf32> to vector<16xf32>
      %swap3A_830 = vector.shape_cast %mul3A_809 : vector<16xf32> to vector<1x16xf32>
      tpu.vector_store %arg10[%swap3A_826, %swap3A_827], %swap3A_830 {strides = array<i32>} : memref<16x128xf32, #tpu.memory_space<vmem>>, vector<1x16xf32>,
      %mul3A_831 = arith.constant 5.000000e-03 : f32
      %mul3A_832 = vector.broadcast %mul3A_831 : f32 to vector<16xf32>
      %mul3A_833 = arith.mulf %scan3A_685#6, %mul3A_832 : vector<16xf32>
      %jit3A_834 = arith.constant 16 : i32
      %eq3A_835 = arith.constant 0 : i32
      %eq3A_836 = arith.cmpi eq, %jit3A_834, %eq3A_835 : i32
      %jit3A_837 = arith.constant 1 : i32
      %select_n3A_838 = arith.select %eq3A_836, %jit3A_837, %jit3A_834 : i32
      %rem3A_839 = arith.remsi %add3A_642, %select_n3A_838 : i32
      %ne3A_840 = arith.constant 0 : i32
      %ne3A_841 = arith.cmpi ne, %rem3A_839, %ne3A_840 : i32
      %lt3A_842 = arith.constant 0 : i32
      %lt3A_843 = arith.cmpi slt, %rem3A_839, %lt3A_842 : i32
      %lt3A_844 = arith.constant 0 : i32
      %lt3A_845 = arith.cmpi slt, %select_n3A_838, %lt3A_844 : i32
      %ne3A_846 = arith.xori %lt3A_843, %lt3A_845 : i1
      %and3A_847 = arith.andi %ne3A_846, %ne3A_841 : i1
      %add3A_848 = arith.addi %rem3A_839, %select_n3A_838 : i32
      %select_n3A_849 = arith.select %and3A_847, %add3A_848, %rem3A_839 : i32
      %swap3A_850 = arith.index_cast %select_n3A_849 : i32 to index
      %swap3A_851 = arith.constant 96 : index
      %swap3A_852 = tpu.vector_load %arg10[%swap3A_850, %swap3A_851] {strides = array<i32>} : memref<16x128xf32, #tpu.memory_space<vmem>>, vector<1x16xf32>,
      %swap3A_853 = vector.shape_cast %swap3A_852 : vector<1x16xf32> to vector<16xf32>
      %swap3A_854 = vector.shape_cast %mul3A_833 : vector<16xf32> to vector<1x16xf32>
      tpu.vector_store %arg10[%swap3A_850, %swap3A_851], %swap3A_854 {strides = array<i32>} : memref<16x128xf32, #tpu.memory_space<vmem>>, vector<1x16xf32>,
      %mul3A_855 = arith.constant 5.000000e-03 : f32
      %mul3A_856 = vector.broadcast %mul3A_855 : f32 to vector<16xf32>
      %mul3A_857 = arith.mulf %scan3A_685#7, %mul3A_856 : vector<16xf32>
      %jit3A_858 = arith.constant 16 : i32
      %eq3A_859 = arith.constant 0 : i32
      %eq3A_860 = arith.cmpi eq, %jit3A_858, %eq3A_859 : i32
      %jit3A_861 = arith.constant 1 : i32
      %select_n3A_862 = arith.select %eq3A_860, %jit3A_861, %jit3A_858 : i32
      %rem3A_863 = arith.remsi %add3A_642, %select_n3A_862 : i32
      %ne3A_864 = arith.constant 0 : i32
      %ne3A_865 = arith.cmpi ne, %rem3A_863, %ne3A_864 : i32
      %lt3A_866 = arith.constant 0 : i32
      %lt3A_867 = arith.cmpi slt, %rem3A_863, %lt3A_866 : i32
      %lt3A_868 = arith.constant 0 : i32
      %lt3A_869 = arith.cmpi slt, %select_n3A_862, %lt3A_868 : i32
      %ne3A_870 = arith.xori %lt3A_867, %lt3A_869 : i1
      %and3A_871 = arith.andi %ne3A_870, %ne3A_865 : i1
      %add3A_872 = arith.addi %rem3A_863, %select_n3A_862 : i32
      %select_n3A_873 = arith.select %and3A_871, %add3A_872, %rem3A_863 : i32
      %swap3A_874 = arith.index_cast %select_n3A_873 : i32 to index
      %swap3A_875 = arith.constant 112 : index
      %swap3A_876 = tpu.vector_load %arg10[%swap3A_874, %swap3A_875] {strides = array<i32>} : memref<16x128xf32, #tpu.memory_space<vmem>>, vector<1x16xf32>,
      %swap3A_877 = vector.shape_cast %swap3A_876 : vector<1x16xf32> to vector<16xf32>
      %swap3A_878 = vector.shape_cast %mul3A_857 : vector<16xf32> to vector<1x16xf32>
      tpu.vector_store %arg10[%swap3A_874, %swap3A_875], %swap3A_878 {strides = array<i32>} : memref<16x128xf32, #tpu.memory_space<vmem>>, vector<1x16xf32>,
      %add3A_879 = arith.constant 4 : i32
      %add3A_880 = arith.addi %add3A_642, %add3A_879 : i32
      %lt3A_881 = arith.constant 128 : i32
      %lt3A_882 = arith.cmpi slt, %add3A_880, %lt3A_881 : i32
      %convert_element_type3A_883 = arith.extui %lt3A_882 : i1 to i32
      %cond3A_884 = arith.constant 0 : i32
      %cond3A_885 = arith.cmpi ne, %convert_element_type3A_883, %cond3A_884 : i32
      scf.if %cond3A_885 {
        %add3A_1190 = arith.constant 4 : i32
        %add3A_1191 = arith.addi %add3A_642, %add3A_1190 : i32
        %jit3A_1192 = arith.constant 32 : i32
        %div3A_1193 = arith.divsi %add3A_1191, %jit3A_1192 : i32
        %sign3A_1194 = arith.constant 0 : i32
        %sign3A_1195 = arith.cmpi sgt, %add3A_1191, %sign3A_1194 : i32
        %sign3A_1196 = arith.extui %sign3A_1195 : i1 to i32
        %sign3A_1197 = arith.constant 0 : i32
        %sign3A_1198 = arith.cmpi slt, %add3A_1191, %sign3A_1197 : i32
        %sign3A_1199 = arith.extui %sign3A_1198 : i1 to i32
        %sign3A_1200 = arith.subi %sign3A_1196, %sign3A_1199 : i32
        %sign3A_1201 = arith.constant 0 : i32
        %sign3A_1202 = arith.cmpi sgt, %jit3A_1192, %sign3A_1201 : i32
        %sign3A_1203 = arith.extui %sign3A_1202 : i1 to i32
        %sign3A_1204 = arith.constant 0 : i32
        %sign3A_1205 = arith.cmpi slt, %jit3A_1192, %sign3A_1204 : i32
        %sign3A_1206 = arith.extui %sign3A_1205 : i1 to i32
        %sign3A_1207 = arith.subi %sign3A_1203, %sign3A_1206 : i32
        %ne3A_1208 = arith.cmpi ne, %sign3A_1200, %sign3A_1207 : i32
        %rem3A_1209 = arith.remsi %add3A_1191, %jit3A_1192 : i32
        %ne3A_1210 = arith.constant 0 : i32
        %ne3A_1211 = arith.cmpi ne, %rem3A_1209, %ne3A_1210 : i32
        %and3A_1212 = arith.andi %ne3A_1208, %ne3A_1211 : i1
        %sub3A_1213 = arith.constant 1 : i32
        %sub3A_1214 = arith.subi %div3A_1193, %sub3A_1213 : i32
        %select_n3A_1215 = arith.select %and3A_1212, %sub3A_1214, %div3A_1193 : i32
        %jit3A_1216 = arith.constant 2 : i32
        %eq3A_1217 = arith.constant 0 : i32
        %eq3A_1218 = arith.cmpi eq, %jit3A_1216, %eq3A_1217 : i32
        %jit3A_1219 = arith.constant 1 : i32
        %select_n3A_1220 = arith.select %eq3A_1218, %jit3A_1219, %jit3A_1216 : i32
        %rem3A_1221 = arith.remsi %select_n3A_1215, %select_n3A_1220 : i32
        %ne3A_1222 = arith.constant 0 : i32
        %ne3A_1223 = arith.cmpi ne, %rem3A_1221, %ne3A_1222 : i32
        %lt3A_1224 = arith.constant 0 : i32
        %lt3A_1225 = arith.cmpi slt, %rem3A_1221, %lt3A_1224 : i32
        %lt3A_1226 = arith.constant 0 : i32
        %lt3A_1227 = arith.cmpi slt, %select_n3A_1220, %lt3A_1226 : i32
        %ne3A_1228 = arith.xori %lt3A_1225, %lt3A_1227 : i1
        %and3A_1229 = arith.andi %ne3A_1228, %ne3A_1223 : i1
        %add3A_1230 = arith.addi %rem3A_1221, %select_n3A_1220 : i32
        %select_n3A_1231 = arith.select %and3A_1229, %add3A_1230, %rem3A_1221 : i32
        %jit3A_1232 = arith.constant 32 : i32
        %eq3A_1233 = arith.constant 0 : i32
        %eq3A_1234 = arith.cmpi eq, %jit3A_1232, %eq3A_1233 : i32
        %jit3A_1235 = arith.constant 1 : i32
        %select_n3A_1236 = arith.select %eq3A_1234, %jit3A_1235, %jit3A_1232 : i32
        %rem3A_1237 = arith.remsi %add3A_1191, %select_n3A_1236 : i32
        %ne3A_1238 = arith.constant 0 : i32
        %ne3A_1239 = arith.cmpi ne, %rem3A_1237, %ne3A_1238 : i32
        %lt3A_1240 = arith.constant 0 : i32
        %lt3A_1241 = arith.cmpi slt, %rem3A_1237, %lt3A_1240 : i32
        %lt3A_1242 = arith.constant 0 : i32
        %lt3A_1243 = arith.cmpi slt, %select_n3A_1236, %lt3A_1242 : i32
        %ne3A_1244 = arith.xori %lt3A_1241, %lt3A_1243 : i1
        %and3A_1245 = arith.andi %ne3A_1244, %ne3A_1239 : i1
        %add3A_1246 = arith.addi %rem3A_1237, %select_n3A_1236 : i32
        %select_n3A_1247 = arith.select %and3A_1245, %add3A_1246, %rem3A_1237 : i32
        %dma_start3A_1248 = arith.constant 0 : i32
        %dma_start3A_1249 = arith.constant 0 : i32
        %dma_start3A_1250 = tpu.memref_slice %arg8[%dma_start3A_1248, %dma_start3A_1249] : memref<200x128xf32, #tpu.memory_space<vmem>> -> memref<128x128xf32, #tpu.memory_space<vmem>>
        %dma_start3A_1251 = arith.constant 0 : i32
        %dma_start3A_1252 = tpu.memref_slice %arg5[%select_n3A_1231, %select_n3A_1247, %dma_start3A_1251] : memref<2x32x200xi32, #tpu.memory_space<vmem>> -> memref<1x1x128xi32, #tpu.memory_space<vmem>>
        %dma_start3A_1253 = tpu.memref_squeeze %dma_start3A_1252 : memref<1x1x128xi32, #tpu.memory_space<vmem>> -> memref<128xi32, #tpu.memory_space<vmem>>
        %dma_start3A_1254 = arith.constant 0 : i32
        %dma_start3A_1255 = arith.constant 0 : i32
        %dma_start3A_1256 = tpu.memref_slice %arg3[%dma_start3A_1254, %dma_start3A_1255] : memref<1000000x128xf32, #tpu.memory_space<hbm>> -> memref<1000000x128xf32, #tpu.memory_space<hbm>>
        tpu.enqueue_indirect_dma source(%dma_start3A_1256 : memref<1000000x128xf32, #tpu.memory_space<hbm>>) target(%dma_start3A_1250 : memref<128x128xf32, #tpu.memory_space<vmem>>) offsets(%dma_start3A_1253 : memref<128xi32, #tpu.memory_space<vmem>>) semaphore(%arg13 : memref<!tpu.dma_semaphore, #tpu.memory_space<semaphore_mem>>)
        %dma_start3A_1257 = arith.constant 128 : i32
        %dma_start3A_1258 = arith.constant 0 : i32
        %dma_start3A_1259 = tpu.memref_slice %arg8[%dma_start3A_1257, %dma_start3A_1258] : memref<200x128xf32, #tpu.memory_space<vmem>> -> memref<72x128xf32, #tpu.memory_space<vmem>>
        %dma_start3A_1260 = arith.constant 128 : i32
        %dma_start3A_1261 = tpu.memref_slice %arg5[%select_n3A_1231, %select_n3A_1247, %dma_start3A_1260] : memref<2x32x200xi32, #tpu.memory_space<vmem>> -> memref<1x1x72xi32, #tpu.memory_space<vmem>>
        %dma_start3A_1262 = tpu.memref_squeeze %dma_start3A_1261 : memref<1x1x72xi32, #tpu.memory_space<vmem>> -> memref<72xi32, #tpu.memory_space<vmem>>
        %dma_start3A_1263 = arith.constant 0 : i32
        %dma_start3A_1264 = arith.constant 0 : i32
        %dma_start3A_1265 = tpu.memref_slice %arg3[%dma_start3A_1263, %dma_start3A_1264] : memref<1000000x128xf32, #tpu.memory_space<hbm>> -> memref<1000000x128xf32, #tpu.memory_space<hbm>>
        tpu.enqueue_indirect_dma source(%dma_start3A_1265 : memref<1000000x128xf32, #tpu.memory_space<hbm>>) target(%dma_start3A_1259 : memref<72x128xf32, #tpu.memory_space<vmem>>) offsets(%dma_start3A_1262 : memref<72xi32, #tpu.memory_space<vmem>>) semaphore(%arg13 : memref<!tpu.dma_semaphore, #tpu.memory_space<semaphore_mem>>)
      } else {
      }
      %mul3A_886 = arith.constant 4 : i32
      %mul3A_887 = arith.muli %mul3A_886, %scan3A_110 : i32
      %add3A_888 = arith.constant 3 : i32
      %add3A_889 = arith.addi %mul3A_887, %add3A_888 : i32
      %dma_wait3A_890 = arith.constant 0 : i32
      %dma_wait3A_891 = arith.constant 0 : i32
      %dma_wait3A_892 = arith.constant 0 : i32
      %dma_wait3A_893 = arith.constant 0 : i32
      %dma_wait3A_894 = tpu.memref_slice %arg9[%dma_wait3A_892, %dma_wait3A_893] : memref<200x128xf32, #tpu.memory_space<vmem>> -> memref<128x128xf32, #tpu.memory_space<vmem>>
      %dma_wait3A_895 = arith.constant 0 : i32
      %dma_wait3A_896 = tpu.memref_slice %arg5[%dma_wait3A_890, %dma_wait3A_891, %dma_wait3A_895] : memref<2x32x200xi32, #tpu.memory_space<vmem>> -> memref<1x1x128xi32, #tpu.memory_space<vmem>>
      %dma_wait3A_897 = tpu.memref_squeeze %dma_wait3A_896 : memref<1x1x128xi32, #tpu.memory_space<vmem>> -> memref<128xi32, #tpu.memory_space<vmem>>
      %dma_wait3A_898 = arith.constant 0 : i32
      %dma_wait3A_899 = arith.constant 0 : i32
      %dma_wait3A_900 = tpu.memref_slice %arg3[%dma_wait3A_898, %dma_wait3A_899] : memref<1000000x128xf32, #tpu.memory_space<hbm>> -> memref<1000000x128xf32, #tpu.memory_space<hbm>>
      tpu.wait_indirect_dma semaphore(%arg14 : memref<!tpu.dma_semaphore, #tpu.memory_space<semaphore_mem>>) src(%dma_wait3A_900 : memref<1000000x128xf32, #tpu.memory_space<hbm>>) dst(%dma_wait3A_894 : memref<128x128xf32, #tpu.memory_space<vmem>>)
      %dma_wait3A_901 = arith.constant 0 : i32
      %dma_wait3A_902 = arith.constant 0 : i32
      %dma_wait3A_903 = arith.constant 128 : i32
      %dma_wait3A_904 = arith.constant 0 : i32
      %dma_wait3A_905 = tpu.memref_slice %arg9[%dma_wait3A_903, %dma_wait3A_904] : memref<200x128xf32, #tpu.memory_space<vmem>> -> memref<72x128xf32, #tpu.memory_space<vmem>>
      %dma_wait3A_906 = arith.constant 128 : i32
      %dma_wait3A_907 = tpu.memref_slice %arg5[%dma_wait3A_901, %dma_wait3A_902, %dma_wait3A_906] : memref<2x32x200xi32, #tpu.memory_space<vmem>> -> memref<1x1x72xi32, #tpu.memory_space<vmem>>
      %dma_wait3A_908 = tpu.memref_squeeze %dma_wait3A_907 : memref<1x1x72xi32, #tpu.memory_space<vmem>> -> memref<72xi32, #tpu.memory_space<vmem>>
      %dma_wait3A_909 = arith.constant 0 : i32
      %dma_wait3A_910 = arith.constant 0 : i32
      %dma_wait3A_911 = tpu.memref_slice %arg3[%dma_wait3A_909, %dma_wait3A_910] : memref<1000000x128xf32, #tpu.memory_space<hbm>> -> memref<1000000x128xf32, #tpu.memory_space<hbm>>
      tpu.wait_indirect_dma semaphore(%arg14 : memref<!tpu.dma_semaphore, #tpu.memory_space<semaphore_mem>>) src(%dma_wait3A_911 : memref<1000000x128xf32, #tpu.memory_space<hbm>>) dst(%dma_wait3A_905 : memref<72x128xf32, #tpu.memory_space<vmem>>)
      %broadcast_in_dim3A_912 = arith.constant 0.000000e+00 : f32
      %broadcast_in_dim3A_913 = vector.broadcast %broadcast_in_dim3A_912 : f32 to vector<16xf32>
      %broadcast_in_dim3A_914 = arith.constant 0.000000e+00 : f32
      %broadcast_in_dim3A_915 = vector.broadcast %broadcast_in_dim3A_914 : f32 to vector<16xf32>
      %broadcast_in_dim3A_916 = arith.constant 0.000000e+00 : f32
      %broadcast_in_dim3A_917 = vector.broadcast %broadcast_in_dim3A_916 : f32 to vector<16xf32>
      %broadcast_in_dim3A_918 = arith.constant 0.000000e+00 : f32
      %broadcast_in_dim3A_919 = vector.broadcast %broadcast_in_dim3A_918 : f32 to vector<16xf32>
      %broadcast_in_dim3A_920 = arith.constant 0.000000e+00 : f32
      %broadcast_in_dim3A_921 = vector.broadcast %broadcast_in_dim3A_920 : f32 to vector<16xf32>
      %broadcast_in_dim3A_922 = arith.constant 0.000000e+00 : f32
      %broadcast_in_dim3A_923 = vector.broadcast %broadcast_in_dim3A_922 : f32 to vector<16xf32>
      %broadcast_in_dim3A_924 = arith.constant 0.000000e+00 : f32
      %broadcast_in_dim3A_925 = vector.broadcast %broadcast_in_dim3A_924 : f32 to vector<16xf32>
      %broadcast_in_dim3A_926 = arith.constant 0.000000e+00 : f32
      %broadcast_in_dim3A_927 = vector.broadcast %broadcast_in_dim3A_926 : f32 to vector<16xf32>
      %scan3A_928 = arith.constant 0 : i32
      %scan3A_929 = arith.constant 50 : i32
      %scan3A_930 = arith.addi %scan3A_928, %scan3A_929 : i32
      %scan3A_931 = arith.constant 1 : i32
      %scan3A_932:8 = scf.for %scan3A_1190 = %scan3A_928 to %scan3A_930 step %scan3A_931 iter_args(%scan3A_1191 = %broadcast_in_dim3A_913, %scan3A_1192 = %broadcast_in_dim3A_915, %scan3A_1193 = %broadcast_in_dim3A_917, %scan3A_1194 = %broadcast_in_dim3A_919, %scan3A_1195 = %broadcast_in_dim3A_921, %scan3A_1196 = %broadcast_in_dim3A_923, %scan3A_1197 = %broadcast_in_dim3A_925, %scan3A_1198 = %broadcast_in_dim3A_927) -> (vector<16xf32>, vector<16xf32>, vector<16xf32>, vector<16xf32>, vector<16xf32>, vector<16xf32>, vector<16xf32>, vector<16xf32>)  : i32 {
        %mul3A_1199 = arith.constant 4 : i32
        %mul3A_1200 = arith.muli %mul3A_1199, %scan3A_1190 : i32
        %add3A_1201 = arith.constant 0 : i32
        %add3A_1202 = arith.addi %mul3A_1200, %add3A_1201 : i32
        %get3A = arith.index_cast %add3A_1202 : i32 to index
        %get3A_1203 = arith.constant 0 : index
        %get3A_1204 = tpu.vector_load %arg9[%get3A, %get3A_1203] {strides = array<i32>} : memref<200x128xf32, #tpu.memory_space<vmem>>, vector<1x16xf32>,
        %get3A_1205 = vector.shape_cast %get3A_1204 : vector<1x16xf32> to vector<16xf32>
        %add3A_1206 = arith.addf %scan3A_1191, %get3A_1205 : vector<16xf32>
        %get3A_1207 = arith.index_cast %add3A_1202 : i32 to index
        %get3A_1208 = arith.constant 16 : index
        %get3A_1209 = tpu.vector_load %arg9[%get3A_1207, %get3A_1208] {strides = array<i32>} : memref<200x128xf32, #tpu.memory_space<vmem>>, vector<1x16xf32>,
        %get3A_1210 = vector.shape_cast %get3A_1209 : vector<1x16xf32> to vector<16xf32>
        %add3A_1211 = arith.addf %scan3A_1192, %get3A_1210 : vector<16xf32>
        %get3A_1212 = arith.index_cast %add3A_1202 : i32 to index
        %get3A_1213 = arith.constant 32 : index
        %get3A_1214 = tpu.vector_load %arg9[%get3A_1212, %get3A_1213] {strides = array<i32>} : memref<200x128xf32, #tpu.memory_space<vmem>>, vector<1x16xf32>,
        %get3A_1215 = vector.shape_cast %get3A_1214 : vector<1x16xf32> to vector<16xf32>
        %add3A_1216 = arith.addf %scan3A_1193, %get3A_1215 : vector<16xf32>
        %get3A_1217 = arith.index_cast %add3A_1202 : i32 to index
        %get3A_1218 = arith.constant 48 : index
        %get3A_1219 = tpu.vector_load %arg9[%get3A_1217, %get3A_1218] {strides = array<i32>} : memref<200x128xf32, #tpu.memory_space<vmem>>, vector<1x16xf32>,
        %get3A_1220 = vector.shape_cast %get3A_1219 : vector<1x16xf32> to vector<16xf32>
        %add3A_1221 = arith.addf %scan3A_1194, %get3A_1220 : vector<16xf32>
        %get3A_1222 = arith.index_cast %add3A_1202 : i32 to index
        %get3A_1223 = arith.constant 64 : index
        %get3A_1224 = tpu.vector_load %arg9[%get3A_1222, %get3A_1223] {strides = array<i32>} : memref<200x128xf32, #tpu.memory_space<vmem>>, vector<1x16xf32>,
        %get3A_1225 = vector.shape_cast %get3A_1224 : vector<1x16xf32> to vector<16xf32>
        %add3A_1226 = arith.addf %scan3A_1195, %get3A_1225 : vector<16xf32>
        %get3A_1227 = arith.index_cast %add3A_1202 : i32 to index
        %get3A_1228 = arith.constant 80 : index
        %get3A_1229 = tpu.vector_load %arg9[%get3A_1227, %get3A_1228] {strides = array<i32>} : memref<200x128xf32, #tpu.memory_space<vmem>>, vector<1x16xf32>,
        %get3A_1230 = vector.shape_cast %get3A_1229 : vector<1x16xf32> to vector<16xf32>
        %add3A_1231 = arith.addf %scan3A_1196, %get3A_1230 : vector<16xf32>
        %get3A_1232 = arith.index_cast %add3A_1202 : i32 to index
        %get3A_1233 = arith.constant 96 : index
        %get3A_1234 = tpu.vector_load %arg9[%get3A_1232, %get3A_1233] {strides = array<i32>} : memref<200x128xf32, #tpu.memory_space<vmem>>, vector<1x16xf32>,
        %get3A_1235 = vector.shape_cast %get3A_1234 : vector<1x16xf32> to vector<16xf32>
        %add3A_1236 = arith.addf %scan3A_1197, %get3A_1235 : vector<16xf32>
        %get3A_1237 = arith.index_cast %add3A_1202 : i32 to index
        %get3A_1238 = arith.constant 112 : index
        %get3A_1239 = tpu.vector_load %arg9[%get3A_1237, %get3A_1238] {strides = array<i32>} : memref<200x128xf32, #tpu.memory_space<vmem>>, vector<1x16xf32>,
        %get3A_1240 = vector.shape_cast %get3A_1239 : vector<1x16xf32> to vector<16xf32>
        %add3A_1241 = arith.addf %scan3A_1198, %get3A_1240 : vector<16xf32>
        %mul3A_1242 = arith.constant 4 : i32
        %mul3A_1243 = arith.muli %mul3A_1242, %scan3A_1190 : i32
        %add3A_1244 = arith.constant 1 : i32
        %add3A_1245 = arith.addi %mul3A_1243, %add3A_1244 : i32
        %get3A_1246 = arith.index_cast %add3A_1245 : i32 to index
        %get3A_1247 = arith.constant 0 : index
        %get3A_1248 = tpu.vector_load %arg9[%get3A_1246, %get3A_1247] {strides = array<i32>} : memref<200x128xf32, #tpu.memory_space<vmem>>, vector<1x16xf32>,
        %get3A_1249 = vector.shape_cast %get3A_1248 : vector<1x16xf32> to vector<16xf32>
        %add3A_1250 = arith.addf %add3A_1206, %get3A_1249 : vector<16xf32>
        %get3A_1251 = arith.index_cast %add3A_1245 : i32 to index
        %get3A_1252 = arith.constant 16 : index
        %get3A_1253 = tpu.vector_load %arg9[%get3A_1251, %get3A_1252] {strides = array<i32>} : memref<200x128xf32, #tpu.memory_space<vmem>>, vector<1x16xf32>,
        %get3A_1254 = vector.shape_cast %get3A_1253 : vector<1x16xf32> to vector<16xf32>
        %add3A_1255 = arith.addf %add3A_1211, %get3A_1254 : vector<16xf32>
        %get3A_1256 = arith.index_cast %add3A_1245 : i32 to index
        %get3A_1257 = arith.constant 32 : index
        %get3A_1258 = tpu.vector_load %arg9[%get3A_1256, %get3A_1257] {strides = array<i32>} : memref<200x128xf32, #tpu.memory_space<vmem>>, vector<1x16xf32>,
        %get3A_1259 = vector.shape_cast %get3A_1258 : vector<1x16xf32> to vector<16xf32>
        %add3A_1260 = arith.addf %add3A_1216, %get3A_1259 : vector<16xf32>
        %get3A_1261 = arith.index_cast %add3A_1245 : i32 to index
        %get3A_1262 = arith.constant 48 : index
        %get3A_1263 = tpu.vector_load %arg9[%get3A_1261, %get3A_1262] {strides = array<i32>} : memref<200x128xf32, #tpu.memory_space<vmem>>, vector<1x16xf32>,
        %get3A_1264 = vector.shape_cast %get3A_1263 : vector<1x16xf32> to vector<16xf32>
        %add3A_1265 = arith.addf %add3A_1221, %get3A_1264 : vector<16xf32>
        %get3A_1266 = arith.index_cast %add3A_1245 : i32 to index
        %get3A_1267 = arith.constant 64 : index
        %get3A_1268 = tpu.vector_load %arg9[%get3A_1266, %get3A_1267] {strides = array<i32>} : memref<200x128xf32, #tpu.memory_space<vmem>>, vector<1x16xf32>,
        %get3A_1269 = vector.shape_cast %get3A_1268 : vector<1x16xf32> to vector<16xf32>
        %add3A_1270 = arith.addf %add3A_1226, %get3A_1269 : vector<16xf32>
        %get3A_1271 = arith.index_cast %add3A_1245 : i32 to index
        %get3A_1272 = arith.constant 80 : index
        %get3A_1273 = tpu.vector_load %arg9[%get3A_1271, %get3A_1272] {strides = array<i32>} : memref<200x128xf32, #tpu.memory_space<vmem>>, vector<1x16xf32>,
        %get3A_1274 = vector.shape_cast %get3A_1273 : vector<1x16xf32> to vector<16xf32>
        %add3A_1275 = arith.addf %add3A_1231, %get3A_1274 : vector<16xf32>
        %get3A_1276 = arith.index_cast %add3A_1245 : i32 to index
        %get3A_1277 = arith.constant 96 : index
        %get3A_1278 = tpu.vector_load %arg9[%get3A_1276, %get3A_1277] {strides = array<i32>} : memref<200x128xf32, #tpu.memory_space<vmem>>, vector<1x16xf32>,
        %get3A_1279 = vector.shape_cast %get3A_1278 : vector<1x16xf32> to vector<16xf32>
        %add3A_1280 = arith.addf %add3A_1236, %get3A_1279 : vector<16xf32>
        %get3A_1281 = arith.index_cast %add3A_1245 : i32 to index
        %get3A_1282 = arith.constant 112 : index
        %get3A_1283 = tpu.vector_load %arg9[%get3A_1281, %get3A_1282] {strides = array<i32>} : memref<200x128xf32, #tpu.memory_space<vmem>>, vector<1x16xf32>,
        %get3A_1284 = vector.shape_cast %get3A_1283 : vector<1x16xf32> to vector<16xf32>
        %add3A_1285 = arith.addf %add3A_1241, %get3A_1284 : vector<16xf32>
        %mul3A_1286 = arith.constant 4 : i32
        %mul3A_1287 = arith.muli %mul3A_1286, %scan3A_1190 : i32
        %add3A_1288 = arith.constant 2 : i32
        %add3A_1289 = arith.addi %mul3A_1287, %add3A_1288 : i32
        %get3A_1290 = arith.index_cast %add3A_1289 : i32 to index
        %get3A_1291 = arith.constant 0 : index
        %get3A_1292 = tpu.vector_load %arg9[%get3A_1290, %get3A_1291] {strides = array<i32>} : memref<200x128xf32, #tpu.memory_space<vmem>>, vector<1x16xf32>,
        %get3A_1293 = vector.shape_cast %get3A_1292 : vector<1x16xf32> to vector<16xf32>
        %add3A_1294 = arith.addf %add3A_1250, %get3A_1293 : vector<16xf32>
        %get3A_1295 = arith.index_cast %add3A_1289 : i32 to index
        %get3A_1296 = arith.constant 16 : index
        %get3A_1297 = tpu.vector_load %arg9[%get3A_1295, %get3A_1296] {strides = array<i32>} : memref<200x128xf32, #tpu.memory_space<vmem>>, vector<1x16xf32>,
        %get3A_1298 = vector.shape_cast %get3A_1297 : vector<1x16xf32> to vector<16xf32>
        %add3A_1299 = arith.addf %add3A_1255, %get3A_1298 : vector<16xf32>
        %get3A_1300 = arith.index_cast %add3A_1289 : i32 to index
        %get3A_1301 = arith.constant 32 : index
        %get3A_1302 = tpu.vector_load %arg9[%get3A_1300, %get3A_1301] {strides = array<i32>} : memref<200x128xf32, #tpu.memory_space<vmem>>, vector<1x16xf32>,
        %get3A_1303 = vector.shape_cast %get3A_1302 : vector<1x16xf32> to vector<16xf32>
        %add3A_1304 = arith.addf %add3A_1260, %get3A_1303 : vector<16xf32>
        %get3A_1305 = arith.index_cast %add3A_1289 : i32 to index
        %get3A_1306 = arith.constant 48 : index
        %get3A_1307 = tpu.vector_load %arg9[%get3A_1305, %get3A_1306] {strides = array<i32>} : memref<200x128xf32, #tpu.memory_space<vmem>>, vector<1x16xf32>,
        %get3A_1308 = vector.shape_cast %get3A_1307 : vector<1x16xf32> to vector<16xf32>
        %add3A_1309 = arith.addf %add3A_1265, %get3A_1308 : vector<16xf32>
        %get3A_1310 = arith.index_cast %add3A_1289 : i32 to index
        %get3A_1311 = arith.constant 64 : index
        %get3A_1312 = tpu.vector_load %arg9[%get3A_1310, %get3A_1311] {strides = array<i32>} : memref<200x128xf32, #tpu.memory_space<vmem>>, vector<1x16xf32>,
        %get3A_1313 = vector.shape_cast %get3A_1312 : vector<1x16xf32> to vector<16xf32>
        %add3A_1314 = arith.addf %add3A_1270, %get3A_1313 : vector<16xf32>
        %get3A_1315 = arith.index_cast %add3A_1289 : i32 to index
        %get3A_1316 = arith.constant 80 : index
        %get3A_1317 = tpu.vector_load %arg9[%get3A_1315, %get3A_1316] {strides = array<i32>} : memref<200x128xf32, #tpu.memory_space<vmem>>, vector<1x16xf32>,
        %get3A_1318 = vector.shape_cast %get3A_1317 : vector<1x16xf32> to vector<16xf32>
        %add3A_1319 = arith.addf %add3A_1275, %get3A_1318 : vector<16xf32>
        %get3A_1320 = arith.index_cast %add3A_1289 : i32 to index
        %get3A_1321 = arith.constant 96 : index
        %get3A_1322 = tpu.vector_load %arg9[%get3A_1320, %get3A_1321] {strides = array<i32>} : memref<200x128xf32, #tpu.memory_space<vmem>>, vector<1x16xf32>,
        %get3A_1323 = vector.shape_cast %get3A_1322 : vector<1x16xf32> to vector<16xf32>
        %add3A_1324 = arith.addf %add3A_1280, %get3A_1323 : vector<16xf32>
        %get3A_1325 = arith.index_cast %add3A_1289 : i32 to index
        %get3A_1326 = arith.constant 112 : index
        %get3A_1327 = tpu.vector_load %arg9[%get3A_1325, %get3A_1326] {strides = array<i32>} : memref<200x128xf32, #tpu.memory_space<vmem>>, vector<1x16xf32>,
        %get3A_1328 = vector.shape_cast %get3A_1327 : vector<1x16xf32> to vector<16xf32>
        %add3A_1329 = arith.addf %add3A_1285, %get3A_1328 : vector<16xf32>
        %mul3A_1330 = arith.constant 4 : i32
        %mul3A_1331 = arith.muli %mul3A_1330, %scan3A_1190 : i32
        %add3A_1332 = arith.constant 3 : i32
        %add3A_1333 = arith.addi %mul3A_1331, %add3A_1332 : i32
        %get3A_1334 = arith.index_cast %add3A_1333 : i32 to index
        %get3A_1335 = arith.constant 0 : index
        %get3A_1336 = tpu.vector_load %arg9[%get3A_1334, %get3A_1335] {strides = array<i32>} : memref<200x128xf32, #tpu.memory_space<vmem>>, vector<1x16xf32>,
        %get3A_1337 = vector.shape_cast %get3A_1336 : vector<1x16xf32> to vector<16xf32>
        %add3A_1338 = arith.addf %add3A_1294, %get3A_1337 : vector<16xf32>
        %get3A_1339 = arith.index_cast %add3A_1333 : i32 to index
        %get3A_1340 = arith.constant 16 : index
        %get3A_1341 = tpu.vector_load %arg9[%get3A_1339, %get3A_1340] {strides = array<i32>} : memref<200x128xf32, #tpu.memory_space<vmem>>, vector<1x16xf32>,
        %get3A_1342 = vector.shape_cast %get3A_1341 : vector<1x16xf32> to vector<16xf32>
        %add3A_1343 = arith.addf %add3A_1299, %get3A_1342 : vector<16xf32>
        %get3A_1344 = arith.index_cast %add3A_1333 : i32 to index
        %get3A_1345 = arith.constant 32 : index
        %get3A_1346 = tpu.vector_load %arg9[%get3A_1344, %get3A_1345] {strides = array<i32>} : memref<200x128xf32, #tpu.memory_space<vmem>>, vector<1x16xf32>,
        %get3A_1347 = vector.shape_cast %get3A_1346 : vector<1x16xf32> to vector<16xf32>
        %add3A_1348 = arith.addf %add3A_1304, %get3A_1347 : vector<16xf32>
        %get3A_1349 = arith.index_cast %add3A_1333 : i32 to index
        %get3A_1350 = arith.constant 48 : index
        %get3A_1351 = tpu.vector_load %arg9[%get3A_1349, %get3A_1350] {strides = array<i32>} : memref<200x128xf32, #tpu.memory_space<vmem>>, vector<1x16xf32>,
        %get3A_1352 = vector.shape_cast %get3A_1351 : vector<1x16xf32> to vector<16xf32>
        %add3A_1353 = arith.addf %add3A_1309, %get3A_1352 : vector<16xf32>
        %get3A_1354 = arith.index_cast %add3A_1333 : i32 to index
        %get3A_1355 = arith.constant 64 : index
        %get3A_1356 = tpu.vector_load %arg9[%get3A_1354, %get3A_1355] {strides = array<i32>} : memref<200x128xf32, #tpu.memory_space<vmem>>, vector<1x16xf32>,
        %get3A_1357 = vector.shape_cast %get3A_1356 : vector<1x16xf32> to vector<16xf32>
        %add3A_1358 = arith.addf %add3A_1314, %get3A_1357 : vector<16xf32>
        %get3A_1359 = arith.index_cast %add3A_1333 : i32 to index
        %get3A_1360 = arith.constant 80 : index
        %get3A_1361 = tpu.vector_load %arg9[%get3A_1359, %get3A_1360] {strides = array<i32>} : memref<200x128xf32, #tpu.memory_space<vmem>>, vector<1x16xf32>,
        %get3A_1362 = vector.shape_cast %get3A_1361 : vector<1x16xf32> to vector<16xf32>
        %add3A_1363 = arith.addf %add3A_1319, %get3A_1362 : vector<16xf32>
        %get3A_1364 = arith.index_cast %add3A_1333 : i32 to index
        %get3A_1365 = arith.constant 96 : index
        %get3A_1366 = tpu.vector_load %arg9[%get3A_1364, %get3A_1365] {strides = array<i32>} : memref<200x128xf32, #tpu.memory_space<vmem>>, vector<1x16xf32>,
        %get3A_1367 = vector.shape_cast %get3A_1366 : vector<1x16xf32> to vector<16xf32>
        %add3A_1368 = arith.addf %add3A_1324, %get3A_1367 : vector<16xf32>
        %get3A_1369 = arith.index_cast %add3A_1333 : i32 to index
        %get3A_1370 = arith.constant 112 : index
        %get3A_1371 = tpu.vector_load %arg9[%get3A_1369, %get3A_1370] {strides = array<i32>} : memref<200x128xf32, #tpu.memory_space<vmem>>, vector<1x16xf32>,
        %get3A_1372 = vector.shape_cast %get3A_1371 : vector<1x16xf32> to vector<16xf32>
        %add3A_1373 = arith.addf %add3A_1329, %get3A_1372 : vector<16xf32>
        scf.yield %add3A_1338, %add3A_1343, %add3A_1348, %add3A_1353, %add3A_1358, %add3A_1363, %add3A_1368, %add3A_1373 : vector<16xf32>, vector<16xf32>, vector<16xf32>, vector<16xf32>, vector<16xf32>, vector<16xf32>, vector<16xf32>, vector<16xf32>
      }
      %scan3A_933 = arith.constant 50 : i32
      %mul3A_934 = arith.constant 5.000000e-03 : f32
      %mul3A_935 = vector.broadcast %mul3A_934 : f32 to vector<16xf32>
      %mul3A_936 = arith.mulf %scan3A_932#0, %mul3A_935 : vector<16xf32>
      %jit3A_937 = arith.constant 16 : i32
      %eq3A_938 = arith.constant 0 : i32
      %eq3A_939 = arith.cmpi eq, %jit3A_937, %eq3A_938 : i32
      %jit3A_940 = arith.constant 1 : i32
      %select_n3A_941 = arith.select %eq3A_939, %jit3A_940, %jit3A_937 : i32
      %rem3A_942 = arith.remsi %add3A_889, %select_n3A_941 : i32
      %ne3A_943 = arith.constant 0 : i32
      %ne3A_944 = arith.cmpi ne, %rem3A_942, %ne3A_943 : i32
      %lt3A_945 = arith.constant 0 : i32
      %lt3A_946 = arith.cmpi slt, %rem3A_942, %lt3A_945 : i32
      %lt3A_947 = arith.constant 0 : i32
      %lt3A_948 = arith.cmpi slt, %select_n3A_941, %lt3A_947 : i32
      %ne3A_949 = arith.xori %lt3A_946, %lt3A_948 : i1
      %and3A_950 = arith.andi %ne3A_949, %ne3A_944 : i1
      %add3A_951 = arith.addi %rem3A_942, %select_n3A_941 : i32
      %select_n3A_952 = arith.select %and3A_950, %add3A_951, %rem3A_942 : i32
      %swap3A_953 = arith.index_cast %select_n3A_952 : i32 to index
      %swap3A_954 = arith.constant 0 : index
      %swap3A_955 = tpu.vector_load %arg10[%swap3A_953, %swap3A_954] {strides = array<i32>} : memref<16x128xf32, #tpu.memory_space<vmem>>, vector<1x16xf32>,
      %swap3A_956 = vector.shape_cast %swap3A_955 : vector<1x16xf32> to vector<16xf32>
      %swap3A_957 = vector.shape_cast %mul3A_936 : vector<16xf32> to vector<1x16xf32>
      tpu.vector_store %arg10[%swap3A_953, %swap3A_954], %swap3A_957 {strides = array<i32>} : memref<16x128xf32, #tpu.memory_space<vmem>>, vector<1x16xf32>,
      %mul3A_958 = arith.constant 5.000000e-03 : f32
      %mul3A_959 = vector.broadcast %mul3A_958 : f32 to vector<16xf32>
      %mul3A_960 = arith.mulf %scan3A_932#1, %mul3A_959 : vector<16xf32>
      %jit3A_961 = arith.constant 16 : i32
      %eq3A_962 = arith.constant 0 : i32
      %eq3A_963 = arith.cmpi eq, %jit3A_961, %eq3A_962 : i32
      %jit3A_964 = arith.constant 1 : i32
      %select_n3A_965 = arith.select %eq3A_963, %jit3A_964, %jit3A_961 : i32
      %rem3A_966 = arith.remsi %add3A_889, %select_n3A_965 : i32
      %ne3A_967 = arith.constant 0 : i32
      %ne3A_968 = arith.cmpi ne, %rem3A_966, %ne3A_967 : i32
      %lt3A_969 = arith.constant 0 : i32
      %lt3A_970 = arith.cmpi slt, %rem3A_966, %lt3A_969 : i32
      %lt3A_971 = arith.constant 0 : i32
      %lt3A_972 = arith.cmpi slt, %select_n3A_965, %lt3A_971 : i32
      %ne3A_973 = arith.xori %lt3A_970, %lt3A_972 : i1
      %and3A_974 = arith.andi %ne3A_973, %ne3A_968 : i1
      %add3A_975 = arith.addi %rem3A_966, %select_n3A_965 : i32
      %select_n3A_976 = arith.select %and3A_974, %add3A_975, %rem3A_966 : i32
      %swap3A_977 = arith.index_cast %select_n3A_976 : i32 to index
      %swap3A_978 = arith.constant 16 : index
      %swap3A_979 = tpu.vector_load %arg10[%swap3A_977, %swap3A_978] {strides = array<i32>} : memref<16x128xf32, #tpu.memory_space<vmem>>, vector<1x16xf32>,
      %swap3A_980 = vector.shape_cast %swap3A_979 : vector<1x16xf32> to vector<16xf32>
      %swap3A_981 = vector.shape_cast %mul3A_960 : vector<16xf32> to vector<1x16xf32>
      tpu.vector_store %arg10[%swap3A_977, %swap3A_978], %swap3A_981 {strides = array<i32>} : memref<16x128xf32, #tpu.memory_space<vmem>>, vector<1x16xf32>,
      %mul3A_982 = arith.constant 5.000000e-03 : f32
      %mul3A_983 = vector.broadcast %mul3A_982 : f32 to vector<16xf32>
      %mul3A_984 = arith.mulf %scan3A_932#2, %mul3A_983 : vector<16xf32>
      %jit3A_985 = arith.constant 16 : i32
      %eq3A_986 = arith.constant 0 : i32
      %eq3A_987 = arith.cmpi eq, %jit3A_985, %eq3A_986 : i32
      %jit3A_988 = arith.constant 1 : i32
      %select_n3A_989 = arith.select %eq3A_987, %jit3A_988, %jit3A_985 : i32
      %rem3A_990 = arith.remsi %add3A_889, %select_n3A_989 : i32
      %ne3A_991 = arith.constant 0 : i32
      %ne3A_992 = arith.cmpi ne, %rem3A_990, %ne3A_991 : i32
      %lt3A_993 = arith.constant 0 : i32
      %lt3A_994 = arith.cmpi slt, %rem3A_990, %lt3A_993 : i32
      %lt3A_995 = arith.constant 0 : i32
      %lt3A_996 = arith.cmpi slt, %select_n3A_989, %lt3A_995 : i32
      %ne3A_997 = arith.xori %lt3A_994, %lt3A_996 : i1
      %and3A_998 = arith.andi %ne3A_997, %ne3A_992 : i1
      %add3A_999 = arith.addi %rem3A_990, %select_n3A_989 : i32
      %select_n3A_1000 = arith.select %and3A_998, %add3A_999, %rem3A_990 : i32
      %swap3A_1001 = arith.index_cast %select_n3A_1000 : i32 to index
      %swap3A_1002 = arith.constant 32 : index
      %swap3A_1003 = tpu.vector_load %arg10[%swap3A_1001, %swap3A_1002] {strides = array<i32>} : memref<16x128xf32, #tpu.memory_space<vmem>>, vector<1x16xf32>,
      %swap3A_1004 = vector.shape_cast %swap3A_1003 : vector<1x16xf32> to vector<16xf32>
      %swap3A_1005 = vector.shape_cast %mul3A_984 : vector<16xf32> to vector<1x16xf32>
      tpu.vector_store %arg10[%swap3A_1001, %swap3A_1002], %swap3A_1005 {strides = array<i32>} : memref<16x128xf32, #tpu.memory_space<vmem>>, vector<1x16xf32>,
      %mul3A_1006 = arith.constant 5.000000e-03 : f32
      %mul3A_1007 = vector.broadcast %mul3A_1006 : f32 to vector<16xf32>
      %mul3A_1008 = arith.mulf %scan3A_932#3, %mul3A_1007 : vector<16xf32>
      %jit3A_1009 = arith.constant 16 : i32
      %eq3A_1010 = arith.constant 0 : i32
      %eq3A_1011 = arith.cmpi eq, %jit3A_1009, %eq3A_1010 : i32
      %jit3A_1012 = arith.constant 1 : i32
      %select_n3A_1013 = arith.select %eq3A_1011, %jit3A_1012, %jit3A_1009 : i32
      %rem3A_1014 = arith.remsi %add3A_889, %select_n3A_1013 : i32
      %ne3A_1015 = arith.constant 0 : i32
      %ne3A_1016 = arith.cmpi ne, %rem3A_1014, %ne3A_1015 : i32
      %lt3A_1017 = arith.constant 0 : i32
      %lt3A_1018 = arith.cmpi slt, %rem3A_1014, %lt3A_1017 : i32
      %lt3A_1019 = arith.constant 0 : i32
      %lt3A_1020 = arith.cmpi slt, %select_n3A_1013, %lt3A_1019 : i32
      %ne3A_1021 = arith.xori %lt3A_1018, %lt3A_1020 : i1
      %and3A_1022 = arith.andi %ne3A_1021, %ne3A_1016 : i1
      %add3A_1023 = arith.addi %rem3A_1014, %select_n3A_1013 : i32
      %select_n3A_1024 = arith.select %and3A_1022, %add3A_1023, %rem3A_1014 : i32
      %swap3A_1025 = arith.index_cast %select_n3A_1024 : i32 to index
      %swap3A_1026 = arith.constant 48 : index
      %swap3A_1027 = tpu.vector_load %arg10[%swap3A_1025, %swap3A_1026] {strides = array<i32>} : memref<16x128xf32, #tpu.memory_space<vmem>>, vector<1x16xf32>,
      %swap3A_1028 = vector.shape_cast %swap3A_1027 : vector<1x16xf32> to vector<16xf32>
      %swap3A_1029 = vector.shape_cast %mul3A_1008 : vector<16xf32> to vector<1x16xf32>
      tpu.vector_store %arg10[%swap3A_1025, %swap3A_1026], %swap3A_1029 {strides = array<i32>} : memref<16x128xf32, #tpu.memory_space<vmem>>, vector<1x16xf32>,
      %mul3A_1030 = arith.constant 5.000000e-03 : f32
      %mul3A_1031 = vector.broadcast %mul3A_1030 : f32 to vector<16xf32>
      %mul3A_1032 = arith.mulf %scan3A_932#4, %mul3A_1031 : vector<16xf32>
      %jit3A_1033 = arith.constant 16 : i32
      %eq3A_1034 = arith.constant 0 : i32
      %eq3A_1035 = arith.cmpi eq, %jit3A_1033, %eq3A_1034 : i32
      %jit3A_1036 = arith.constant 1 : i32
      %select_n3A_1037 = arith.select %eq3A_1035, %jit3A_1036, %jit3A_1033 : i32
      %rem3A_1038 = arith.remsi %add3A_889, %select_n3A_1037 : i32
      %ne3A_1039 = arith.constant 0 : i32
      %ne3A_1040 = arith.cmpi ne, %rem3A_1038, %ne3A_1039 : i32
      %lt3A_1041 = arith.constant 0 : i32
      %lt3A_1042 = arith.cmpi slt, %rem3A_1038, %lt3A_1041 : i32
      %lt3A_1043 = arith.constant 0 : i32
      %lt3A_1044 = arith.cmpi slt, %select_n3A_1037, %lt3A_1043 : i32
      %ne3A_1045 = arith.xori %lt3A_1042, %lt3A_1044 : i1
      %and3A_1046 = arith.andi %ne3A_1045, %ne3A_1040 : i1
      %add3A_1047 = arith.addi %rem3A_1038, %select_n3A_1037 : i32
      %select_n3A_1048 = arith.select %and3A_1046, %add3A_1047, %rem3A_1038 : i32
      %swap3A_1049 = arith.index_cast %select_n3A_1048 : i32 to index
      %swap3A_1050 = arith.constant 64 : index
      %swap3A_1051 = tpu.vector_load %arg10[%swap3A_1049, %swap3A_1050] {strides = array<i32>} : memref<16x128xf32, #tpu.memory_space<vmem>>, vector<1x16xf32>,
      %swap3A_1052 = vector.shape_cast %swap3A_1051 : vector<1x16xf32> to vector<16xf32>
      %swap3A_1053 = vector.shape_cast %mul3A_1032 : vector<16xf32> to vector<1x16xf32>
      tpu.vector_store %arg10[%swap3A_1049, %swap3A_1050], %swap3A_1053 {strides = array<i32>} : memref<16x128xf32, #tpu.memory_space<vmem>>, vector<1x16xf32>,
      %mul3A_1054 = arith.constant 5.000000e-03 : f32
      %mul3A_1055 = vector.broadcast %mul3A_1054 : f32 to vector<16xf32>
      %mul3A_1056 = arith.mulf %scan3A_932#5, %mul3A_1055 : vector<16xf32>
      %jit3A_1057 = arith.constant 16 : i32
      %eq3A_1058 = arith.constant 0 : i32
      %eq3A_1059 = arith.cmpi eq, %jit3A_1057, %eq3A_1058 : i32
      %jit3A_1060 = arith.constant 1 : i32
      %select_n3A_1061 = arith.select %eq3A_1059, %jit3A_1060, %jit3A_1057 : i32
      %rem3A_1062 = arith.remsi %add3A_889, %select_n3A_1061 : i32
      %ne3A_1063 = arith.constant 0 : i32
      %ne3A_1064 = arith.cmpi ne, %rem3A_1062, %ne3A_1063 : i32
      %lt3A_1065 = arith.constant 0 : i32
      %lt3A_1066 = arith.cmpi slt, %rem3A_1062, %lt3A_1065 : i32
      %lt3A_1067 = arith.constant 0 : i32
      %lt3A_1068 = arith.cmpi slt, %select_n3A_1061, %lt3A_1067 : i32
      %ne3A_1069 = arith.xori %lt3A_1066, %lt3A_1068 : i1
      %and3A_1070 = arith.andi %ne3A_1069, %ne3A_1064 : i1
      %add3A_1071 = arith.addi %rem3A_1062, %select_n3A_1061 : i32
      %select_n3A_1072 = arith.select %and3A_1070, %add3A_1071, %rem3A_1062 : i32
      %swap3A_1073 = arith.index_cast %select_n3A_1072 : i32 to index
      %swap3A_1074 = arith.constant 80 : index
      %swap3A_1075 = tpu.vector_load %arg10[%swap3A_1073, %swap3A_1074] {strides = array<i32>} : memref<16x128xf32, #tpu.memory_space<vmem>>, vector<1x16xf32>,
      %swap3A_1076 = vector.shape_cast %swap3A_1075 : vector<1x16xf32> to vector<16xf32>
      %swap3A_1077 = vector.shape_cast %mul3A_1056 : vector<16xf32> to vector<1x16xf32>
      tpu.vector_store %arg10[%swap3A_1073, %swap3A_1074], %swap3A_1077 {strides = array<i32>} : memref<16x128xf32, #tpu.memory_space<vmem>>, vector<1x16xf32>,
      %mul3A_1078 = arith.constant 5.000000e-03 : f32
      %mul3A_1079 = vector.broadcast %mul3A_1078 : f32 to vector<16xf32>
      %mul3A_1080 = arith.mulf %scan3A_932#6, %mul3A_1079 : vector<16xf32>
      %jit3A_1081 = arith.constant 16 : i32
      %eq3A_1082 = arith.constant 0 : i32
      %eq3A_1083 = arith.cmpi eq, %jit3A_1081, %eq3A_1082 : i32
      %jit3A_1084 = arith.constant 1 : i32
      %select_n3A_1085 = arith.select %eq3A_1083, %jit3A_1084, %jit3A_1081 : i32
      %rem3A_1086 = arith.remsi %add3A_889, %select_n3A_1085 : i32
      %ne3A_1087 = arith.constant 0 : i32
      %ne3A_1088 = arith.cmpi ne, %rem3A_1086, %ne3A_1087 : i32
      %lt3A_1089 = arith.constant 0 : i32
      %lt3A_1090 = arith.cmpi slt, %rem3A_1086, %lt3A_1089 : i32
      %lt3A_1091 = arith.constant 0 : i32
      %lt3A_1092 = arith.cmpi slt, %select_n3A_1085, %lt3A_1091 : i32
      %ne3A_1093 = arith.xori %lt3A_1090, %lt3A_1092 : i1
      %and3A_1094 = arith.andi %ne3A_1093, %ne3A_1088 : i1
      %add3A_1095 = arith.addi %rem3A_1086, %select_n3A_1085 : i32
      %select_n3A_1096 = arith.select %and3A_1094, %add3A_1095, %rem3A_1086 : i32
      %swap3A_1097 = arith.index_cast %select_n3A_1096 : i32 to index
      %swap3A_1098 = arith.constant 96 : index
      %swap3A_1099 = tpu.vector_load %arg10[%swap3A_1097, %swap3A_1098] {strides = array<i32>} : memref<16x128xf32, #tpu.memory_space<vmem>>, vector<1x16xf32>,
      %swap3A_1100 = vector.shape_cast %swap3A_1099 : vector<1x16xf32> to vector<16xf32>
      %swap3A_1101 = vector.shape_cast %mul3A_1080 : vector<16xf32> to vector<1x16xf32>
      tpu.vector_store %arg10[%swap3A_1097, %swap3A_1098], %swap3A_1101 {strides = array<i32>} : memref<16x128xf32, #tpu.memory_space<vmem>>, vector<1x16xf32>,
      %mul3A_1102 = arith.constant 5.000000e-03 : f32
      %mul3A_1103 = vector.broadcast %mul3A_1102 : f32 to vector<16xf32>
      %mul3A_1104 = arith.mulf %scan3A_932#7, %mul3A_1103 : vector<16xf32>
      %jit3A_1105 = arith.constant 16 : i32
      %eq3A_1106 = arith.constant 0 : i32
      %eq3A_1107 = arith.cmpi eq, %jit3A_1105, %eq3A_1106 : i32
      %jit3A_1108 = arith.constant 1 : i32
      %select_n3A_1109 = arith.select %eq3A_1107, %jit3A_1108, %jit3A_1105 : i32
      %rem3A_1110 = arith.remsi %add3A_889, %select_n3A_1109 : i32
      %ne3A_1111 = arith.constant 0 : i32
      %ne3A_1112 = arith.cmpi ne, %rem3A_1110, %ne3A_1111 : i32
      %lt3A_1113 = arith.constant 0 : i32
      %lt3A_1114 = arith.cmpi slt, %rem3A_1110, %lt3A_1113 : i32
      %lt3A_1115 = arith.constant 0 : i32
      %lt3A_1116 = arith.cmpi slt, %select_n3A_1109, %lt3A_1115 : i32
      %ne3A_1117 = arith.xori %lt3A_1114, %lt3A_1116 : i1
      %and3A_1118 = arith.andi %ne3A_1117, %ne3A_1112 : i1
      %add3A_1119 = arith.addi %rem3A_1110, %select_n3A_1109 : i32
      %select_n3A_1120 = arith.select %and3A_1118, %add3A_1119, %rem3A_1110 : i32
      %swap3A_1121 = arith.index_cast %select_n3A_1120 : i32 to index
      %swap3A_1122 = arith.constant 112 : index
      %swap3A_1123 = tpu.vector_load %arg10[%swap3A_1121, %swap3A_1122] {strides = array<i32>} : memref<16x128xf32, #tpu.memory_space<vmem>>, vector<1x16xf32>,
      %swap3A_1124 = vector.shape_cast %swap3A_1123 : vector<1x16xf32> to vector<16xf32>
      %swap3A_1125 = vector.shape_cast %mul3A_1104 : vector<16xf32> to vector<1x16xf32>
      tpu.vector_store %arg10[%swap3A_1121, %swap3A_1122], %swap3A_1125 {strides = array<i32>} : memref<16x128xf32, #tpu.memory_space<vmem>>, vector<1x16xf32>,
      %add3A_1126 = arith.constant 4 : i32
      %add3A_1127 = arith.addi %add3A_889, %add3A_1126 : i32
      %lt3A_1128 = arith.constant 128 : i32
      %lt3A_1129 = arith.cmpi slt, %add3A_1127, %lt3A_1128 : i32
      %convert_element_type3A_1130 = arith.extui %lt3A_1129 : i1 to i32
      %cond3A_1131 = arith.constant 0 : i32
      %cond3A_1132 = arith.cmpi ne, %convert_element_type3A_1130, %cond3A_1131 : i32
      scf.if %cond3A_1132 {
        %add3A_1190 = arith.constant 4 : i32
        %add3A_1191 = arith.addi %add3A_889, %add3A_1190 : i32
        %jit3A_1192 = arith.constant 32 : i32
        %div3A_1193 = arith.divsi %add3A_1191, %jit3A_1192 : i32
        %sign3A_1194 = arith.constant 0 : i32
        %sign3A_1195 = arith.cmpi sgt, %add3A_1191, %sign3A_1194 : i32
        %sign3A_1196 = arith.extui %sign3A_1195 : i1 to i32
        %sign3A_1197 = arith.constant 0 : i32
        %sign3A_1198 = arith.cmpi slt, %add3A_1191, %sign3A_1197 : i32
        %sign3A_1199 = arith.extui %sign3A_1198 : i1 to i32
        %sign3A_1200 = arith.subi %sign3A_1196, %sign3A_1199 : i32
        %sign3A_1201 = arith.constant 0 : i32
        %sign3A_1202 = arith.cmpi sgt, %jit3A_1192, %sign3A_1201 : i32
        %sign3A_1203 = arith.extui %sign3A_1202 : i1 to i32
        %sign3A_1204 = arith.constant 0 : i32
        %sign3A_1205 = arith.cmpi slt, %jit3A_1192, %sign3A_1204 : i32
        %sign3A_1206 = arith.extui %sign3A_1205 : i1 to i32
        %sign3A_1207 = arith.subi %sign3A_1203, %sign3A_1206 : i32
        %ne3A_1208 = arith.cmpi ne, %sign3A_1200, %sign3A_1207 : i32
        %rem3A_1209 = arith.remsi %add3A_1191, %jit3A_1192 : i32
        %ne3A_1210 = arith.constant 0 : i32
        %ne3A_1211 = arith.cmpi ne, %rem3A_1209, %ne3A_1210 : i32
        %and3A_1212 = arith.andi %ne3A_1208, %ne3A_1211 : i1
        %sub3A_1213 = arith.constant 1 : i32
        %sub3A_1214 = arith.subi %div3A_1193, %sub3A_1213 : i32
        %select_n3A_1215 = arith.select %and3A_1212, %sub3A_1214, %div3A_1193 : i32
        %jit3A_1216 = arith.constant 2 : i32
        %eq3A_1217 = arith.constant 0 : i32
        %eq3A_1218 = arith.cmpi eq, %jit3A_1216, %eq3A_1217 : i32
        %jit3A_1219 = arith.constant 1 : i32
        %select_n3A_1220 = arith.select %eq3A_1218, %jit3A_1219, %jit3A_1216 : i32
        %rem3A_1221 = arith.remsi %select_n3A_1215, %select_n3A_1220 : i32
        %ne3A_1222 = arith.constant 0 : i32
        %ne3A_1223 = arith.cmpi ne, %rem3A_1221, %ne3A_1222 : i32
        %lt3A_1224 = arith.constant 0 : i32
        %lt3A_1225 = arith.cmpi slt, %rem3A_1221, %lt3A_1224 : i32
        %lt3A_1226 = arith.constant 0 : i32
        %lt3A_1227 = arith.cmpi slt, %select_n3A_1220, %lt3A_1226 : i32
        %ne3A_1228 = arith.xori %lt3A_1225, %lt3A_1227 : i1
        %and3A_1229 = arith.andi %ne3A_1228, %ne3A_1223 : i1
        %add3A_1230 = arith.addi %rem3A_1221, %select_n3A_1220 : i32
        %select_n3A_1231 = arith.select %and3A_1229, %add3A_1230, %rem3A_1221 : i32
        %jit3A_1232 = arith.constant 32 : i32
        %eq3A_1233 = arith.constant 0 : i32
        %eq3A_1234 = arith.cmpi eq, %jit3A_1232, %eq3A_1233 : i32
        %jit3A_1235 = arith.constant 1 : i32
        %select_n3A_1236 = arith.select %eq3A_1234, %jit3A_1235, %jit3A_1232 : i32
        %rem3A_1237 = arith.remsi %add3A_1191, %select_n3A_1236 : i32
        %ne3A_1238 = arith.constant 0 : i32
        %ne3A_1239 = arith.cmpi ne, %rem3A_1237, %ne3A_1238 : i32
        %lt3A_1240 = arith.constant 0 : i32
        %lt3A_1241 = arith.cmpi slt, %rem3A_1237, %lt3A_1240 : i32
        %lt3A_1242 = arith.constant 0 : i32
        %lt3A_1243 = arith.cmpi slt, %select_n3A_1236, %lt3A_1242 : i32
        %ne3A_1244 = arith.xori %lt3A_1241, %lt3A_1243 : i1
        %and3A_1245 = arith.andi %ne3A_1244, %ne3A_1239 : i1
        %add3A_1246 = arith.addi %rem3A_1237, %select_n3A_1236 : i32
        %select_n3A_1247 = arith.select %and3A_1245, %add3A_1246, %rem3A_1237 : i32
        %dma_start3A_1248 = arith.constant 0 : i32
        %dma_start3A_1249 = arith.constant 0 : i32
        %dma_start3A_1250 = tpu.memref_slice %arg9[%dma_start3A_1248, %dma_start3A_1249] : memref<200x128xf32, #tpu.memory_space<vmem>> -> memref<128x128xf32, #tpu.memory_space<vmem>>
        %dma_start3A_1251 = arith.constant 0 : i32
        %dma_start3A_1252 = tpu.memref_slice %arg5[%select_n3A_1231, %select_n3A_1247, %dma_start3A_1251] : memref<2x32x200xi32, #tpu.memory_space<vmem>> -> memref<1x1x128xi32, #tpu.memory_space<vmem>>
        %dma_start3A_1253 = tpu.memref_squeeze %dma_start3A_1252 : memref<1x1x128xi32, #tpu.memory_space<vmem>> -> memref<128xi32, #tpu.memory_space<vmem>>
        %dma_start3A_1254 = arith.constant 0 : i32
        %dma_start3A_1255 = arith.constant 0 : i32
        %dma_start3A_1256 = tpu.memref_slice %arg3[%dma_start3A_1254, %dma_start3A_1255] : memref<1000000x128xf32, #tpu.memory_space<hbm>> -> memref<1000000x128xf32, #tpu.memory_space<hbm>>
        tpu.enqueue_indirect_dma source(%dma_start3A_1256 : memref<1000000x128xf32, #tpu.memory_space<hbm>>) target(%dma_start3A_1250 : memref<128x128xf32, #tpu.memory_space<vmem>>) offsets(%dma_start3A_1253 : memref<128xi32, #tpu.memory_space<vmem>>) semaphore(%arg14 : memref<!tpu.dma_semaphore, #tpu.memory_space<semaphore_mem>>)
        %dma_start3A_1257 = arith.constant 128 : i32
        %dma_start3A_1258 = arith.constant 0 : i32
        %dma_start3A_1259 = tpu.memref_slice %arg9[%dma_start3A_1257, %dma_start3A_1258] : memref<200x128xf32, #tpu.memory_space<vmem>> -> memref<72x128xf32, #tpu.memory_space<vmem>>
        %dma_start3A_1260 = arith.constant 128 : i32
        %dma_start3A_1261 = tpu.memref_slice %arg5[%select_n3A_1231, %select_n3A_1247, %dma_start3A_1260] : memref<2x32x200xi32, #tpu.memory_space<vmem>> -> memref<1x1x72xi32, #tpu.memory_space<vmem>>
        %dma_start3A_1262 = tpu.memref_squeeze %dma_start3A_1261 : memref<1x1x72xi32, #tpu.memory_space<vmem>> -> memref<72xi32, #tpu.memory_space<vmem>>
        %dma_start3A_1263 = arith.constant 0 : i32
        %dma_start3A_1264 = arith.constant 0 : i32
        %dma_start3A_1265 = tpu.memref_slice %arg3[%dma_start3A_1263, %dma_start3A_1264] : memref<1000000x128xf32, #tpu.memory_space<hbm>> -> memref<1000000x128xf32, #tpu.memory_space<hbm>>
        tpu.enqueue_indirect_dma source(%dma_start3A_1265 : memref<1000000x128xf32, #tpu.memory_space<hbm>>) target(%dma_start3A_1259 : memref<72x128xf32, #tpu.memory_space<vmem>>) offsets(%dma_start3A_1262 : memref<72xi32, #tpu.memory_space<vmem>>) semaphore(%arg14 : memref<!tpu.dma_semaphore, #tpu.memory_space<semaphore_mem>>)
      } else {
      }
      %and3A_1133 = arith.constant 3 : i32
      %and3A_1134 = arith.andi %scan3A_110, %and3A_1133 : i32
      %eq3A_1135 = arith.constant 3 : i32
      %eq3A_1136 = arith.cmpi eq, %and3A_1134, %eq3A_1135 : i32
      %convert_element_type3A_1137 = arith.extui %eq3A_1136 : i1 to i32
      %cond3A_1138 = arith.constant 0 : i32
      %cond3A_1139 = arith.cmpi ne, %convert_element_type3A_1137, %cond3A_1138 : i32
      scf.if %cond3A_1139 {
        %jit3A_1190 = arith.constant 4 : i32
        %div3A_1191 = arith.divsi %scan3A_110, %jit3A_1190 : i32
        %sign3A_1192 = arith.constant 0 : i32
        %sign3A_1193 = arith.cmpi sgt, %scan3A_110, %sign3A_1192 : i32
        %sign3A_1194 = arith.extui %sign3A_1193 : i1 to i32
        %sign3A_1195 = arith.constant 0 : i32
        %sign3A_1196 = arith.cmpi slt, %scan3A_110, %sign3A_1195 : i32
        %sign3A_1197 = arith.extui %sign3A_1196 : i1 to i32
        %sign3A_1198 = arith.subi %sign3A_1194, %sign3A_1197 : i32
        %sign3A_1199 = arith.constant 0 : i32
        %sign3A_1200 = arith.cmpi sgt, %jit3A_1190, %sign3A_1199 : i32
        %sign3A_1201 = arith.extui %sign3A_1200 : i1 to i32
        %sign3A_1202 = arith.constant 0 : i32
        %sign3A_1203 = arith.cmpi slt, %jit3A_1190, %sign3A_1202 : i32
        %sign3A_1204 = arith.extui %sign3A_1203 : i1 to i32
        %sign3A_1205 = arith.subi %sign3A_1201, %sign3A_1204 : i32
        %ne3A_1206 = arith.cmpi ne, %sign3A_1198, %sign3A_1205 : i32
        %rem3A_1207 = arith.remsi %scan3A_110, %jit3A_1190 : i32
        %ne3A_1208 = arith.constant 0 : i32
        %ne3A_1209 = arith.cmpi ne, %rem3A_1207, %ne3A_1208 : i32
        %and3A_1210 = arith.andi %ne3A_1206, %ne3A_1209 : i1
        %sub3A_1211 = arith.constant 1 : i32
        %sub3A_1212 = arith.subi %div3A_1191, %sub3A_1211 : i32
        %select_n3A_1213 = arith.select %and3A_1210, %sub3A_1212, %div3A_1191 : i32
        %mul3A_1214 = arith.constant 16 : i32
        %mul3A_1215 = arith.muli %select_n3A_1213, %mul3A_1214 : i32
        %add3A_1216 = arith.addi %mul3A_2, %mul3A_1215 : i32
        "tpu.region"() ({
          %run_scoped3A_1217 = tpu.sem_alloc : memref<!tpu.dma_semaphore, #tpu.memory_space<semaphore_mem>>
          %dma_start3A_1218 = arith.constant 0 : i32
          %dma_start3A_1219 = tpu.memref_slice %arg4[%add3A_1216, %dma_start3A_1218] : memref<4096x128xf32, #tpu.memory_space<hbm>> -> memref<16x128xf32, #tpu.memory_space<hbm>>
          %dma_start3A_1220 = arith.constant 0 : i32
          %dma_start3A_1221 = tpu.memref_slice %arg4[%add3A_1216, %dma_start3A_1220] : memref<4096x128xf32, #tpu.memory_space<hbm>> -> memref<16x128xf32, #tpu.memory_space<hbm>>
          tpu.enqueue_dma source(%arg10 : memref<16x128xf32, #tpu.memory_space<vmem>>) target(%dma_start3A_1221 : memref<16x128xf32, #tpu.memory_space<hbm>>) target_semaphore(%run_scoped3A_1217 : memref<!tpu.dma_semaphore, #tpu.memory_space<semaphore_mem>>)
          %dma_wait3A_1222 = arith.constant 0 : i32
          %dma_wait3A_1223 = tpu.memref_slice %arg4[%add3A_1216, %dma_wait3A_1222] : memref<4096x128xf32, #tpu.memory_space<hbm>> -> memref<16x128xf32, #tpu.memory_space<hbm>>
          %dma_wait3A_1224 = arith.constant 0 : i32
          %dma_wait3A_1225 = tpu.memref_slice %arg4[%add3A_1216, %dma_wait3A_1224] : memref<4096x128xf32, #tpu.memory_space<hbm>> -> memref<16x128xf32, #tpu.memory_space<hbm>>
          tpu.wait_dma2 semaphore(%run_scoped3A_1217 : memref<!tpu.dma_semaphore, #tpu.memory_space<semaphore_mem>>) src(%arg10 : memref<16x128xf32, #tpu.memory_space<vmem>>) dst(%dma_wait3A_1225 : memref<16x128xf32, #tpu.memory_space<hbm>>)
          tpu.yield
        }) : () -> ()
      } else {
      }
      %jit3A_1140 = arith.constant 8 : i32
      %eq3A_1141 = arith.constant 0 : i32
      %eq3A_1142 = arith.cmpi eq, %jit3A_1140, %eq3A_1141 : i32
      %jit3A_1143 = arith.constant 1 : i32
      %select_n3A_1144 = arith.select %eq3A_1142, %jit3A_1143, %jit3A_1140 : i32
      %rem3A_1145 = arith.remsi %scan3A_110, %select_n3A_1144 : i32
      %ne3A_1146 = arith.constant 0 : i32
      %ne3A_1147 = arith.cmpi ne, %rem3A_1145, %ne3A_1146 : i32
      %lt3A_1148 = arith.constant 0 : i32
      %lt3A_1149 = arith.cmpi slt, %rem3A_1145, %lt3A_1148 : i32
      %lt3A_1150 = arith.constant 0 : i32
      %lt3A_1151 = arith.cmpi slt, %select_n3A_1144, %lt3A_1150 : i32
      %ne3A_1152 = arith.xori %lt3A_1149, %lt3A_1151 : i1
      %and3A_1153 = arith.andi %ne3A_1152, %ne3A_1147 : i1
      %add3A_1154 = arith.addi %rem3A_1145, %select_n3A_1144 : i32
      %select_n3A_1155 = arith.select %and3A_1153, %add3A_1154, %rem3A_1145 : i32
      %eq3A_1156 = arith.constant 7 : i32
      %eq3A_1157 = arith.cmpi eq, %select_n3A_1155, %eq3A_1156 : i32
      %jit3A_1158 = arith.constant 8 : i32
      %div3A_1159 = arith.divsi %scan3A_110, %jit3A_1158 : i32
      %sign3A_1160 = arith.constant 0 : i32
      %sign3A_1161 = arith.cmpi sgt, %scan3A_110, %sign3A_1160 : i32
      %sign3A_1162 = arith.extui %sign3A_1161 : i1 to i32
      %sign3A_1163 = arith.constant 0 : i32
      %sign3A_1164 = arith.cmpi slt, %scan3A_110, %sign3A_1163 : i32
      %sign3A_1165 = arith.extui %sign3A_1164 : i1 to i32
      %sign3A_1166 = arith.subi %sign3A_1162, %sign3A_1165 : i32
      %sign3A_1167 = arith.constant 0 : i32
      %sign3A_1168 = arith.cmpi sgt, %jit3A_1158, %sign3A_1167 : i32
      %sign3A_1169 = arith.extui %sign3A_1168 : i1 to i32
      %sign3A_1170 = arith.constant 0 : i32
      %sign3A_1171 = arith.cmpi slt, %jit3A_1158, %sign3A_1170 : i32
      %sign3A_1172 = arith.extui %sign3A_1171 : i1 to i32
      %sign3A_1173 = arith.subi %sign3A_1169, %sign3A_1172 : i32
      %ne3A_1174 = arith.cmpi ne, %sign3A_1166, %sign3A_1173 : i32
      %rem3A_1175 = arith.remsi %scan3A_110, %jit3A_1158 : i32
      %ne3A_1176 = arith.constant 0 : i32
      %ne3A_1177 = arith.cmpi ne, %rem3A_1175, %ne3A_1176 : i32
      %and3A_1178 = arith.andi %ne3A_1174, %ne3A_1177 : i1
      %sub3A_1179 = arith.constant 1 : i32
      %sub3A_1180 = arith.subi %div3A_1159, %sub3A_1179 : i32
      %select_n3A_1181 = arith.select %and3A_1178, %sub3A_1180, %div3A_1159 : i32
      %add3A_1182 = arith.constant 2 : i32
      %add3A_1183 = arith.addi %select_n3A_1181, %add3A_1182 : i32
      %le3A_1184 = arith.constant 3 : i32
      %le3A_1185 = arith.cmpi sle, %add3A_1183, %le3A_1184 : i32
      %and3A_1186 = arith.andi %eq3A_1157, %le3A_1185 : i1
      %convert_element_type3A_1187 = arith.extui %and3A_1186 : i1 to i32
      %cond3A_1188 = arith.constant 0 : i32
      %cond3A_1189 = arith.cmpi ne, %convert_element_type3A_1187, %cond3A_1188 : i32
      scf.if %cond3A_1189 {
        %jit3A_1190 = arith.constant 8 : i32
        %div3A_1191 = arith.divsi %scan3A_110, %jit3A_1190 : i32
        %sign3A_1192 = arith.constant 0 : i32
        %sign3A_1193 = arith.cmpi sgt, %scan3A_110, %sign3A_1192 : i32
        %sign3A_1194 = arith.extui %sign3A_1193 : i1 to i32
        %sign3A_1195 = arith.constant 0 : i32
        %sign3A_1196 = arith.cmpi slt, %scan3A_110, %sign3A_1195 : i32
        %sign3A_1197 = arith.extui %sign3A_1196 : i1 to i32
        %sign3A_1198 = arith.subi %sign3A_1194, %sign3A_1197 : i32
        %sign3A_1199 = arith.constant 0 : i32
        %sign3A_1200 = arith.cmpi sgt, %jit3A_1190, %sign3A_1199 : i32
        %sign3A_1201 = arith.extui %sign3A_1200 : i1 to i32
        %sign3A_1202 = arith.constant 0 : i32
        %sign3A_1203 = arith.cmpi slt, %jit3A_1190, %sign3A_1202 : i32
        %sign3A_1204 = arith.extui %sign3A_1203 : i1 to i32
        %sign3A_1205 = arith.subi %sign3A_1201, %sign3A_1204 : i32
        %ne3A_1206 = arith.cmpi ne, %sign3A_1198, %sign3A_1205 : i32
        %rem3A_1207 = arith.remsi %scan3A_110, %jit3A_1190 : i32
        %ne3A_1208 = arith.constant 0 : i32
        %ne3A_1209 = arith.cmpi ne, %rem3A_1207, %ne3A_1208 : i32
        %and3A_1210 = arith.andi %ne3A_1206, %ne3A_1209 : i1
        %sub3A_1211 = arith.constant 1 : i32
        %sub3A_1212 = arith.subi %div3A_1191, %sub3A_1211 : i32
        %select_n3A_1213 = arith.select %and3A_1210, %sub3A_1212, %div3A_1191 : i32
        %add3A_1214 = arith.constant 2 : i32
        %add3A_1215 = arith.addi %select_n3A_1213, %add3A_1214 : i32
        %mul3A_1216 = arith.constant 32 : i32
        %mul3A_1217 = arith.muli %add3A_1215, %mul3A_1216 : i32
        %add3A_1218 = arith.addi %mul3A_2, %mul3A_1217 : i32
        %jit3A_1219 = arith.constant 8 : i32
        %div3A_1220 = arith.divsi %scan3A_110, %jit3A_1219 : i32
        %sign3A_1221 = arith.constant 0 : i32
        %sign3A_1222 = arith.cmpi sgt, %scan3A_110, %sign3A_1221 : i32
        %sign3A_1223 = arith.extui %sign3A_1222 : i1 to i32
        %sign3A_1224 = arith.constant 0 : i32
        %sign3A_1225 = arith.cmpi slt, %scan3A_110, %sign3A_1224 : i32
        %sign3A_1226 = arith.extui %sign3A_1225 : i1 to i32
        %sign3A_1227 = arith.subi %sign3A_1223, %sign3A_1226 : i32
        %sign3A_1228 = arith.constant 0 : i32
        %sign3A_1229 = arith.cmpi sgt, %jit3A_1219, %sign3A_1228 : i32
        %sign3A_1230 = arith.extui %sign3A_1229 : i1 to i32
        %sign3A_1231 = arith.constant 0 : i32
        %sign3A_1232 = arith.cmpi slt, %jit3A_1219, %sign3A_1231 : i32
        %sign3A_1233 = arith.extui %sign3A_1232 : i1 to i32
        %sign3A_1234 = arith.subi %sign3A_1230, %sign3A_1233 : i32
        %ne3A_1235 = arith.cmpi ne, %sign3A_1227, %sign3A_1234 : i32
        %rem3A_1236 = arith.remsi %scan3A_110, %jit3A_1219 : i32
        %ne3A_1237 = arith.constant 0 : i32
        %ne3A_1238 = arith.cmpi ne, %rem3A_1236, %ne3A_1237 : i32
        %and3A_1239 = arith.andi %ne3A_1235, %ne3A_1238 : i1
        %sub3A_1240 = arith.constant 1 : i32
        %sub3A_1241 = arith.subi %div3A_1220, %sub3A_1240 : i32
        %select_n3A_1242 = arith.select %and3A_1239, %sub3A_1241, %div3A_1220 : i32
        %jit3A_1243 = arith.constant 2 : i32
        %eq3A_1244 = arith.constant 0 : i32
        %eq3A_1245 = arith.cmpi eq, %jit3A_1243, %eq3A_1244 : i32
        %jit3A_1246 = arith.constant 1 : i32
        %select_n3A_1247 = arith.select %eq3A_1245, %jit3A_1246, %jit3A_1243 : i32
        %rem3A_1248 = arith.remsi %select_n3A_1242, %select_n3A_1247 : i32
        %ne3A_1249 = arith.constant 0 : i32
        %ne3A_1250 = arith.cmpi ne, %rem3A_1248, %ne3A_1249 : i32
        %lt3A_1251 = arith.constant 0 : i32
        %lt3A_1252 = arith.cmpi slt, %rem3A_1248, %lt3A_1251 : i32
        %lt3A_1253 = arith.constant 0 : i32
        %lt3A_1254 = arith.cmpi slt, %select_n3A_1247, %lt3A_1253 : i32
        %ne3A_1255 = arith.xori %lt3A_1252, %lt3A_1254 : i1
        %and3A_1256 = arith.andi %ne3A_1255, %ne3A_1250 : i1
        %add3A_1257 = arith.addi %rem3A_1248, %select_n3A_1247 : i32
        %select_n3A_1258 = arith.select %and3A_1256, %add3A_1257, %rem3A_1248 : i32
        %dma_start3A_1259 = arith.constant 0 : i32
        %dma_start3A_1260 = arith.constant 0 : i32
        %dma_start3A_1261 = tpu.memref_slice %arg5[%select_n3A_1258, %dma_start3A_1259, %dma_start3A_1260] : memref<2x32x200xi32, #tpu.memory_space<vmem>> -> memref<1x32x200xi32, #tpu.memory_space<vmem>>
        %dma_start3A_1262 = tpu.memref_squeeze %dma_start3A_1261 : memref<1x32x200xi32, #tpu.memory_space<vmem>> -> memref<32x200xi32, #tpu.memory_space<vmem>>
        %dma_start3A_1263 = arith.constant 0 : i32
        %dma_start3A_1264 = tpu.memref_slice %arg2[%add3A_1218, %dma_start3A_1263] : memref<4096x200xi32, #tpu.memory_space<hbm>> -> memref<32x200xi32, #tpu.memory_space<hbm>>
        %dma_start3A_1265 = arith.constant 0 : i32
        %dma_start3A_1266 = arith.constant 0 : i32
        %dma_start3A_1267 = tpu.memref_slice %arg5[%select_n3A_1258, %dma_start3A_1265, %dma_start3A_1266] : memref<2x32x200xi32, #tpu.memory_space<vmem>> -> memref<1x32x200xi32, #tpu.memory_space<vmem>>
        %dma_start3A_1268 = tpu.memref_squeeze %dma_start3A_1267 : memref<1x32x200xi32, #tpu.memory_space<vmem>> -> memref<32x200xi32, #tpu.memory_space<vmem>>
        %dma_start3A_1269 = arith.constant 0 : i32
        %dma_start3A_1270 = tpu.memref_slice %arg2[%add3A_1218, %dma_start3A_1269] : memref<4096x200xi32, #tpu.memory_space<hbm>> -> memref<32x200xi32, #tpu.memory_space<hbm>>
        tpu.enqueue_dma source(%dma_start3A_1270 : memref<32x200xi32, #tpu.memory_space<hbm>>) target(%dma_start3A_1268 : memref<32x200xi32, #tpu.memory_space<vmem>>) target_semaphore(%arg15 : memref<!tpu.dma_semaphore, #tpu.memory_space<semaphore_mem>>)
      } else {
      }
    }
    %scan3A_109 = arith.constant 32 : i32
    return
  }
}

module attributes {stable_mosaic.version = 14 : i64} {
  func.func @_mlp_body(%arg0: i32, %arg1: memref<2048x128xf32, #tpu.memory_space<vmem>>, %arg2: memref<2048x64xf32, #tpu.memory_space<vmem>>, %arg3: memref<2048x32xf32, #tpu.memory_space<vmem>>, %arg4: memref<64x64xf32, #tpu.memory_space<vmem>>, %arg5: memref<1x64xf32, #tpu.memory_space<vmem>>, %arg6: memref<32x64xf32, #tpu.memory_space<vmem>>, %arg7: memref<1x64xf32, #tpu.memory_space<vmem>>, %arg8: memref<128x256xf32, #tpu.memory_space<vmem>>, %arg9: memref<64x256xf32, #tpu.memory_space<vmem>>, %arg10: memref<64x256xf32, #tpu.memory_space<vmem>>, %arg11: memref<1x256xf32, #tpu.memory_space<vmem>>, %arg12: memref<256x384xf32, #tpu.memory_space<vmem>>, %arg13: memref<1x384xf32, #tpu.memory_space<vmem>>, %arg14: memref<2048x384xf32, #tpu.memory_space<vmem>>) attributes {dimension_semantics = [#tpu.dimension_semantics<arbitrary>], iteration_bounds = array<i64: 2>, scalar_prefetch = 0 : i64, scratch_operands = 0 : i64, tpu.core_type = #tpu.core_type<tc>, window_params = [{transform_indices = @transform_0, window_bounds = array<i64: 2048, 128>}, {transform_indices = @transform_1, window_bounds = array<i64: 2048, 64>}, {transform_indices = @transform_2, window_bounds = array<i64: 2048, 32>}, {pipeline_mode = #tpu.pipeline_mode<synchronous>, transform_indices = @transform_3, window_bounds = array<i64: 64, 64>}, {pipeline_mode = #tpu.pipeline_mode<synchronous>, transform_indices = @transform_4, window_bounds = array<i64: 1, 64>}, {pipeline_mode = #tpu.pipeline_mode<synchronous>, transform_indices = @transform_5, window_bounds = array<i64: 32, 64>}, {pipeline_mode = #tpu.pipeline_mode<synchronous>, transform_indices = @transform_6, window_bounds = array<i64: 1, 64>}, {pipeline_mode = #tpu.pipeline_mode<synchronous>, transform_indices = @transform_7, window_bounds = array<i64: 128, 256>}, {pipeline_mode = #tpu.pipeline_mode<synchronous>, transform_indices = @transform_8, window_bounds = array<i64: 64, 256>}, {pipeline_mode = #tpu.pipeline_mode<synchronous>, transform_indices = @transform_9, window_bounds = array<i64: 64, 256>}, {pipeline_mode = #tpu.pipeline_mode<synchronous>, transform_indices = @transform_10, window_bounds = array<i64: 1, 256>}, {pipeline_mode = #tpu.pipeline_mode<synchronous>, transform_indices = @transform_11, window_bounds = array<i64: 256, 384>}, {pipeline_mode = #tpu.pipeline_mode<synchronous>, transform_indices = @transform_12, window_bounds = array<i64: 1, 384>}, {transform_indices = @transform_13, window_bounds = array<i64: 2048, 384>}]} {
    %get3A = arith.constant 0 : index
    %get3A_0 = arith.constant 0 : index
    %get3A_1 = vector.load %arg2[%get3A, %get3A_0] : memref<2048x64xf32, #tpu.memory_space<vmem>>, vector<2048x64xf32>
    %get3A_2 = arith.constant 0 : index
    %get3A_3 = arith.constant 0 : index
    %get3A_4 = vector.load %arg4[%get3A_2, %get3A_3] : memref<64x64xf32, #tpu.memory_space<vmem>>, vector<64x64xf32>
    %dot_general3A = arith.constant dense<0.000000e+00> : vector<2048x64xf32>
    %dot_general3A_5 = tpu.matmul %get3A_1, %get3A_4, %dot_general3A {dimension_numbers = #tpu.dot_dimension_numbers<[1], [0], [0], [1], [0, 0, 1, 1], [], []>, transpose_lhs_hint = false} : vector<2048x64xf32>, vector<64x64xf32>, vector<2048x64xf32> -> vector<2048x64xf32>
    %get3A_6 = arith.constant 0 : index
    %get3A_7 = arith.constant 0 : index
    %get3A_8 = vector.load %arg5[%get3A_6, %get3A_7] : memref<1x64xf32, #tpu.memory_space<vmem>>, vector<1x64xf32>
    %add3A = vector.broadcast %get3A_8 : vector<1x64xf32> to vector<2048x64xf32>
    %add3A_9 = arith.addf %dot_general3A_5, %add3A : vector<2048x64xf32>
    %max3A = arith.constant 0.000000e+00 : f32
    %max3A_10 = vector.broadcast %max3A : f32 to vector<2048x64xf32>
    %max3A_11 = arith.maximumf %add3A_9, %max3A_10 : vector<2048x64xf32>
    %get3A_12 = arith.constant 0 : index
    %get3A_13 = arith.constant 0 : index
    %get3A_14 = vector.load %arg3[%get3A_12, %get3A_13] : memref<2048x32xf32, #tpu.memory_space<vmem>>, vector<2048x32xf32>
    %get3A_15 = arith.constant 0 : index
    %get3A_16 = arith.constant 0 : index
    %get3A_17 = vector.load %arg6[%get3A_15, %get3A_16] : memref<32x64xf32, #tpu.memory_space<vmem>>, vector<32x64xf32>
    %dot_general3A_18 = arith.constant dense<0.000000e+00> : vector<2048x64xf32>
    %dot_general3A_19 = tpu.matmul %get3A_14, %get3A_17, %dot_general3A_18 {dimension_numbers = #tpu.dot_dimension_numbers<[1], [0], [0], [1], [0, 0, 1, 1], [], []>, transpose_lhs_hint = false} : vector<2048x32xf32>, vector<32x64xf32>, vector<2048x64xf32> -> vector<2048x64xf32>
    %get3A_20 = arith.constant 0 : index
    %get3A_21 = arith.constant 0 : index
    %get3A_22 = vector.load %arg7[%get3A_20, %get3A_21] : memref<1x64xf32, #tpu.memory_space<vmem>>, vector<1x64xf32>
    %add3A_23 = vector.broadcast %get3A_22 : vector<1x64xf32> to vector<2048x64xf32>
    %add3A_24 = arith.addf %dot_general3A_19, %add3A_23 : vector<2048x64xf32>
    %max3A_25 = arith.constant 0.000000e+00 : f32
    %max3A_26 = vector.broadcast %max3A_25 : f32 to vector<2048x64xf32>
    %max3A_27 = arith.maximumf %add3A_24, %max3A_26 : vector<2048x64xf32>
    %get3A_28 = arith.constant 0 : index
    %get3A_29 = arith.constant 0 : index
    %get3A_30 = vector.load %arg1[%get3A_28, %get3A_29] : memref<2048x128xf32, #tpu.memory_space<vmem>>, vector<2048x128xf32>
    %get3A_31 = arith.constant 0 : index
    %get3A_32 = arith.constant 0 : index
    %get3A_33 = vector.load %arg8[%get3A_31, %get3A_32] : memref<128x256xf32, #tpu.memory_space<vmem>>, vector<128x256xf32>
    %dot_general3A_34 = arith.constant dense<0.000000e+00> : vector<2048x256xf32>
    %dot_general3A_35 = tpu.matmul %get3A_30, %get3A_33, %dot_general3A_34 {dimension_numbers = #tpu.dot_dimension_numbers<[1], [0], [0], [1], [0, 0, 1, 1], [], []>, transpose_lhs_hint = false} : vector<2048x128xf32>, vector<128x256xf32>, vector<2048x256xf32> -> vector<2048x256xf32>
    %get3A_36 = arith.constant 0 : index
    %get3A_37 = arith.constant 0 : index
    %get3A_38 = vector.load %arg9[%get3A_36, %get3A_37] : memref<64x256xf32, #tpu.memory_space<vmem>>, vector<64x256xf32>
    %dot_general3A_39 = arith.constant dense<0.000000e+00> : vector<2048x256xf32>
    %dot_general3A_40 = tpu.matmul %max3A_11, %get3A_38, %dot_general3A_39 {dimension_numbers = #tpu.dot_dimension_numbers<[1], [0], [0], [1], [0, 0, 1, 1], [], []>, transpose_lhs_hint = false} : vector<2048x64xf32>, vector<64x256xf32>, vector<2048x256xf32> -> vector<2048x256xf32>
    %add3A_41 = arith.addf %dot_general3A_35, %dot_general3A_40 : vector<2048x256xf32>
    %get3A_42 = arith.constant 0 : index
    %get3A_43 = arith.constant 0 : index
    %get3A_44 = vector.load %arg10[%get3A_42, %get3A_43] : memref<64x256xf32, #tpu.memory_space<vmem>>, vector<64x256xf32>
    %dot_general3A_45 = arith.constant dense<0.000000e+00> : vector<2048x256xf32>
    %dot_general3A_46 = tpu.matmul %max3A_27, %get3A_44, %dot_general3A_45 {dimension_numbers = #tpu.dot_dimension_numbers<[1], [0], [0], [1], [0, 0, 1, 1], [], []>, transpose_lhs_hint = false} : vector<2048x64xf32>, vector<64x256xf32>, vector<2048x256xf32> -> vector<2048x256xf32>
    %add3A_47 = arith.addf %add3A_41, %dot_general3A_46 : vector<2048x256xf32>
    %get3A_48 = arith.constant 0 : index
    %get3A_49 = arith.constant 0 : index
    %get3A_50 = vector.load %arg11[%get3A_48, %get3A_49] : memref<1x256xf32, #tpu.memory_space<vmem>>, vector<1x256xf32>
    %add3A_51 = vector.broadcast %get3A_50 : vector<1x256xf32> to vector<2048x256xf32>
    %add3A_52 = arith.addf %add3A_47, %add3A_51 : vector<2048x256xf32>
    %max3A_53 = arith.constant 0.000000e+00 : f32
    %max3A_54 = vector.broadcast %max3A_53 : f32 to vector<2048x256xf32>
    %max3A_55 = arith.maximumf %add3A_52, %max3A_54 : vector<2048x256xf32>
    %get3A_56 = arith.constant 0 : index
    %get3A_57 = arith.constant 0 : index
    %get3A_58 = vector.load %arg12[%get3A_56, %get3A_57] : memref<256x384xf32, #tpu.memory_space<vmem>>, vector<256x384xf32>
    %dot_general3A_59 = arith.constant dense<0.000000e+00> : vector<2048x384xf32>
    %dot_general3A_60 = tpu.matmul %max3A_55, %get3A_58, %dot_general3A_59 {dimension_numbers = #tpu.dot_dimension_numbers<[1], [0], [0], [1], [0, 0, 1, 1], [], []>, transpose_lhs_hint = false} : vector<2048x256xf32>, vector<256x384xf32>, vector<2048x384xf32> -> vector<2048x384xf32>
    %get3A_61 = arith.constant 0 : index
    %get3A_62 = arith.constant 0 : index
    %get3A_63 = vector.load %arg13[%get3A_61, %get3A_62] : memref<1x384xf32, #tpu.memory_space<vmem>>, vector<1x384xf32>
    %add3A_64 = vector.broadcast %get3A_63 : vector<1x384xf32> to vector<2048x384xf32>
    %add3A_65 = arith.addf %dot_general3A_60, %add3A_64 : vector<2048x384xf32>
    %swap3A = arith.constant 0 : index
    %swap3A_66 = arith.constant 0 : index
    %swap3A_67 = vector.load %arg14[%swap3A, %swap3A_66] : memref<2048x384xf32, #tpu.memory_space<vmem>>, vector<2048x384xf32>
    tpu.vector_store %arg14[%swap3A, %swap3A_66], %add3A_65 {strides = array<i32>} : memref<2048x384xf32, #tpu.memory_space<vmem>>, vector<2048x384xf32>,
    return
  }
  func.func @transform_0(%arg0: i32) -> (i32, i32) {
    %c0_i32 = arith.constant 0 : i32
    %c0_i32_0 = arith.constant 0 : i32
    return %arg0, %c0_i32 : i32, i32
  }
  func.func @transform_1(%arg0: i32) -> (i32, i32) {
    %c0_i32 = arith.constant 0 : i32
    %c0_i32_0 = arith.constant 0 : i32
    return %arg0, %c0_i32 : i32, i32
  }
  func.func @transform_2(%arg0: i32) -> (i32, i32) {
    %c0_i32 = arith.constant 0 : i32
    %c0_i32_0 = arith.constant 0 : i32
    return %arg0, %c0_i32 : i32, i32
  }
  func.func @transform_3(%arg0: i32) -> (i32, i32) {
    %c0_i32 = arith.constant 0 : i32
    %c0_i32_0 = arith.constant 0 : i32
    %c0_i32_1 = arith.constant 0 : i32
    return %c0_i32, %c0_i32_0 : i32, i32
  }
  func.func @transform_4(%arg0: i32) -> (i32, i32) {
    %c0_i32 = arith.constant 0 : i32
    %c0_i32_0 = arith.constant 0 : i32
    %c0_i32_1 = arith.constant 0 : i32
    return %c0_i32, %c0_i32_0 : i32, i32
  }
  func.func @transform_5(%arg0: i32) -> (i32, i32) {
    %c0_i32 = arith.constant 0 : i32
    %c0_i32_0 = arith.constant 0 : i32
    %c0_i32_1 = arith.constant 0 : i32
    return %c0_i32, %c0_i32_0 : i32, i32
  }
  func.func @transform_6(%arg0: i32) -> (i32, i32) {
    %c0_i32 = arith.constant 0 : i32
    %c0_i32_0 = arith.constant 0 : i32
    %c0_i32_1 = arith.constant 0 : i32
    return %c0_i32, %c0_i32_0 : i32, i32
  }
  func.func @transform_7(%arg0: i32) -> (i32, i32) {
    %c0_i32 = arith.constant 0 : i32
    %c0_i32_0 = arith.constant 0 : i32
    %c0_i32_1 = arith.constant 0 : i32
    return %c0_i32, %c0_i32_0 : i32, i32
  }
  func.func @transform_8(%arg0: i32) -> (i32, i32) {
    %c0_i32 = arith.constant 0 : i32
    %c0_i32_0 = arith.constant 0 : i32
    %c0_i32_1 = arith.constant 0 : i32
    return %c0_i32, %c0_i32_0 : i32, i32
  }
  func.func @transform_9(%arg0: i32) -> (i32, i32) {
    %c0_i32 = arith.constant 0 : i32
    %c0_i32_0 = arith.constant 0 : i32
    %c0_i32_1 = arith.constant 0 : i32
    return %c0_i32, %c0_i32_0 : i32, i32
  }
  func.func @transform_10(%arg0: i32) -> (i32, i32) {
    %c0_i32 = arith.constant 0 : i32
    %c0_i32_0 = arith.constant 0 : i32
    %c0_i32_1 = arith.constant 0 : i32
    return %c0_i32, %c0_i32_0 : i32, i32
  }
  func.func @transform_11(%arg0: i32) -> (i32, i32) {
    %c0_i32 = arith.constant 0 : i32
    %c0_i32_0 = arith.constant 0 : i32
    %c0_i32_1 = arith.constant 0 : i32
    return %c0_i32, %c0_i32_0 : i32, i32
  }
  func.func @transform_12(%arg0: i32) -> (i32, i32) {
    %c0_i32 = arith.constant 0 : i32
    %c0_i32_0 = arith.constant 0 : i32
    %c0_i32_1 = arith.constant 0 : i32
    return %c0_i32, %c0_i32_0 : i32, i32
  }
  func.func @transform_13(%arg0: i32) -> (i32, i32) {
    %c0_i32 = arith.constant 0 : i32
    %c0_i32_0 = arith.constant 0 : i32
    return %arg0, %c0_i32 : i32, i32
  }
}

</mosaic_0001>

<sc_bundles>
// kernel: kernel.4.cloned.1.call-start
scs
__scs_entry_jumppad:
0x0: {  	(pc) =	sbr.rel $0x88, $3  }
0x1: {  	(tag) =	ssettag $0x0;
	lr =	simm.s32 $0x1  }
0x2: {  	[smem:$0x3F95] =	sst lr;
	_ =	strace $0xD0000000  }
0x3: {  	_ = 	snop  }
0x4: {  	_ = 	snop  }
0x5: {  	_ = 	snop  }
0x6: {  	_ = 	snop  }
0x7: {  	_ = 	snop  }
__scs_overlays_trampoline_lowered:
0x8: {  	[smem:$0x3FA4] =	sst s0  }
0x9: {  	[smem:$0x3FA5] =	sst s1  }
0xa: {  	[smem:$0x3FA6] =	sst s2  }
0xb: {  	[smem:$0x3FA7] =	sst s3  }
0xc: {  	[smem:$0x3FA8] =	sst s4  }
0xd: {  	[smem:$0x3FA9] =	sst s5  }
0xe: {  	[smem:$0x3FAA] =	sst s6  }
0xf: {  	[smem:$0x3FAB] =	sst s7  }
0x10: {  	[smem:$0x3FAC] =	sst s8  }
0x11: {  	[smem:$0x3FAD] =	sst s9;
	s0 =	simm.s32 @!p0 $0x0  }
0x12: {  	s1 =	sld [smem:$0x3F93];
	s0 =	simm.s32 @p0 $0x1  }
0x13: {  	[smem:$0x3FAE] =	sst s0;
	s0 =	simm.s32 @!p1 $0x0  }
0x14: {  	s2 =	sld [smem:$0x3F92];
	s0 =	simm.s32 @p1 $0x1  }
0x15: {  	[smem:$0x3FAF] =	sst s0;
	s0 =	simm.s32 @!p2 $0x0  }
0x16: {  	s3 =	sld [smem:$0x3FDB];
	s0 =	simm.s32 @p2 $0x1  }
0x17: {  	s4 =	simm.s32 $0x1BF5;
	[smem:$0x3FB1] =	sst s0  }
0x18: {  	s0 =	sld [smem:$0x3F94];
	_ =	swait.ge [sflag:s4], $0x0  }
0x19: {  	s7 =	sld [smem:$0x3F95]  }
0x1a: {  	s8 =	sadd.s32 $0xFFFFE003, lr  }
0x1b: {  	s9 =	sadd.s32 $0xFFFFFEF7, lr;
	s5 =	simm.s32 $0xFFFFFFFF;
	p2 =	slt.u32 s8, $0xFFFFF086  }
0x1c: {  	p1 =	slt.u32 s9, $0xF7A;
	s5 =	simm.s32 @!p2 $0x0  }
0x1d: {  	s5 =	simm.s32 @p1 $0x1;
	p0 =	seq.s32 s7, s2  }
0x1e: {  	s7 =	smul.u32 @!p0 $0xF7A, s2;
	p2 =	seq.s32 @!p0 s5, $0x0  }
0x1f: {  	s9 =	smul.u32 $0xF7A, s1;
	s8 =	simm.s32 @!p0 $0x1BF5;
	p2 =	por !p2, p0  }
0x20: {  	[sflag:s8] =	ssyncset.s32 @!p0 $0xFFFFF086;
	s6 =	sadd.s32 @!p0 s3, s7;
	s7 =	simm.s32 @!p0 $0x108  }
0x21: {  	s3 =	sadd.s32 s3, s9;
	s6 =	sadd.s32 @!p0 $0x88, s6;
	s7 =	simm.s32 @p2 $0x1082  }
0x22: {  	[simem:s7], [sflag:s8] =	dma.local @!p0 [hbm:s6], $0xF7A  }
0x23: {  	s9 =	sor.u32 $0xD0000000, s2;
	s6 =	simm.s32 $0x108;
	_ =	swait.ge @!p0 [sflag:s8], $0x0  }
0x24: {  	s3 =	sadd.s32 $0x88, s3;
	s6 =	simm.s32 @!p1 $0x1082;
	[sflag:s4] =	ssyncset.s32 $0xFFFFF086  }
0x25: {  	[simem:s6], [sflag:s4] =	dma.local [hbm:s3], $0xF7A  }
0x26: {  	[smem:$0x3F95] =	sst s1;
	(tag) =	ssettag s2;
	_ =	strace s9  }
0x27: {  	s1 =	sld [smem:$0x3FA5]  }
0x28: {  	s2 =	sld [smem:$0x3FA6]  }
0x29: {  	s4 =	sld [smem:$0x3FA8]  }
0x2a: {  	p0 =	seq.s32 s5, $0x0;
	s5 =	sld [smem:$0x3FA9]  }
0x2b: {  	s6 =	sld [smem:$0x3FAA]  }
0x2c: {  	s7 =	sld [smem:$0x3FAB]  }
0x2d: {  	s3 =	simm.s32 $0x108;
	s8 =	sld [smem:$0x3FAC]  }
0x2e: {  	s3 =	simm.s32 @!p0 $0x1082;
	s9 =	sld [smem:$0x3FAD]  }
0x2f: {  	lr =	sadd.s32 s0, s3;
	s0 =	sld [smem:$0x3FA4]  }
0x30: {  	s3 =	sld [smem:$0x3FA7]  }
0x31: {  	[smem:$0x3FB0] =	sst s10  }
0x32: {  	s10 =	sld [smem:$0x3FAE];
	_ =	sdelay $0x3  }
0x33: {  	p0 =	seq.s32 s10, $0x1;
	s10 =	sld [smem:$0x3FB0];
	_ =	sdelay $0x3  }
0x34: {  	[smem:$0x3FB0] =	sst s10  }
0x35: {  	s10 =	sld [smem:$0x3FAF];
	_ =	sdelay $0x3  }
0x36: {  	p1 =	seq.s32 s10, $0x1;
	s10 =	sld [smem:$0x3FB0];
	_ =	sdelay $0x3  }
0x37: {  	[smem:$0x3FB0] =	sst s10  }
0x38: {  	s10 =	sld [smem:$0x3FB1]  }
0x39: {  	_ = 	snop;
	(pc) =	sbr.ind lr, $3  }
0x3a: {  	_ = 	snop  }
0x3b: {  	_ = 	snop  }
0x3c: {  	p2 =	seq.s32 s10, $0x1;
	s10 =	sld [smem:$0x3FB0]  }
0x3d: {  	_ =	shalt  }
0x3e: {  	_ =	shalt  }
0x3f: {  	_ =	shalt  }
0x40: {  	_ =	shalt  }
0x41: {  	_ =	shalt  }
0x42: {  	_ =	shalt  }
0x43: {  	_ =	shalt  }
0x44: {  	_ =	shalt  }
0x45: {  	_ =	shalt  }
0x46: {  	_ =	shalt  }
0x47: {  	_ =	shalt  }
0x48: {  	_ =	shalt  }
0x49: {  	_ =	shalt  }
0x4a: {  	_ =	shalt  }
0x4b: {  	_ =	shalt  }
0x4c: {  	_ =	shalt  }
0x4d: {  	_ =	shalt  }
0x4e: {  	_ =	shalt  }
0x4f: {  	_ =	shalt  }
0x50: {  	_ =	shalt  }
0x51: {  	_ =	shalt  }
0x52: {  	_ =	shalt  }
0x53: {  	_ =	shalt  }
0x54: {  	_ =	shalt  }
0x55: {  	_ =	shalt  }
0x56: {  	_ =	shalt  }
0x57: {  	_ =	shalt  }
0x58: {  	_ =	shalt  }
0x59: {  	_ =	shalt  }
0x5a: {  	_ =	shalt  }
0x5b: {  	_ =	shalt  }
0x5c: {  	_ =	shalt  }
0x5d: {  	_ =	shalt  }
0x5e: {  	_ =	shalt  }
0x5f: {  	_ =	shalt  }
0x60: {  	_ =	shalt  }
0x61: {  	_ =	shalt  }
0x62: {  	_ =	shalt  }
0x63: {  	_ =	shalt  }
0x64: {  	_ =	shalt  }
0x65: {  	_ =	shalt  }
0x66: {  	_ =	shalt  }
0x67: {  	_ =	shalt  }
0x68: {  	_ =	shalt  }
0x69: {  	_ =	shalt  }
0x6a: {  	_ =	shalt  }
0x6b: {  	_ =	shalt  }
0x6c: {  	_ =	shalt  }
0x6d: {  	_ =	shalt  }
0x6e: {  	_ =	shalt  }
0x6f: {  	_ =	shalt  }
0x70: {  	_ =	shalt  }
0x71: {  	_ =	shalt  }
0x72: {  	_ =	shalt  }
0x73: {  	_ =	shalt  }
0x74: {  	_ =	shalt  }
0x75: {  	_ =	shalt  }
0x76: {  	_ =	shalt  }
0x77: {  	_ =	shalt  }
0x78: {  	_ =	shalt  }
0x79: {  	_ =	shalt  }
0x7a: {  	_ =	shalt  }
0x7b: {  	_ =	shalt  }
0x7c: {  	_ =	shalt  }
0x7d: {  	_ =	shalt  }
0x7e: {  	_ =	shalt  }
0x7f: {  	_ =	shalt  }
0x80: {  	_ =	shalt  }
0x81: {  	_ =	shalt  }
0x82: {  	_ =	shalt  }
0x83: {  	_ =	shalt  }
0x84: {  	_ =	shalt  }
0x85: {  	_ =	shalt  }
0x86: {  	_ =	shalt  }
0x87: {  	_ =	shalt  }
.Lfunc_end0:
.L_simem_size_0:
called_computation_lowered:
.L_overlay_start_0:
0x88: {  	s2 =	sld [smem:$0x3FD9]  }
0x89: {  	s3 =	sld [smem:$0x3FFE];
	_ =	sdelay $0x1  }
0x8a: {  	s1 =	srdreg.scid  }
0x8b: {  	s0 =	sand.u32 $0x1, s1  }
0x8c: {  	s17 =	sshll.u32 s0, $0xA;
	s2 =	sadd.s32 s3, s2  }
0x8d: {  	s2 =	sadd.s32 s2, s17  }
0x8e: {  	[smem:$0x3FBC] =	sst s2  }
0x8f: {  	_ = 	snop  }
0x90: {  	s2 =	sld [smem:$0x3FC6]  }
0x91: {  	s18 =	sld [smem:$0x3FD0];
	(tm) =	ssettm $0x1  }
0x92: {  	s4 =	sld [smem:$0x3FFB];
	_ =	sdelay $0x3  }
0x93: {  	_ =	strace s4  }
0x94: {  	s4 =	sld [smem:$0x3FFC];
	_ =	sdelay $0x3  }
0x95: {  	_ =	strace s4  }
0x96: {  	s4 =	sld [smem:$0x3FFD];
	_ =	sdelay $0x3  }
0x97: {  	_ =	strace s4  }
0x98: {  	_ =	strace $0x8FFFFFFF  }
0x99: {  	s19 =	sld [smem:$0x3FDB];
	_ =	sdelay $0x1  }
0x9a: {  	s5 =	simm.s32 $_scs_section_size  }
0x9b: {  	s6 =	simm.s32 $_size__tile_overlayer_lowered;
	s7 =	simm.s32 $_tile_overlayer_lowered  }
0x9c: {  	s22 =	simm.s32 $0x1BFF;
	s21 =	sshll.u32 s7, $0x1;
	s4 =	sadd.s32 s5, s19  }
0x9d: {  	s8 =	simm.s32 $0x0;
	s20 =	sshll.u32 s6, $0x1;
	s6 =	sadd.s32 s21, s4  }
0x9e: {  	[timem:s8], [sflag:s22] =	dma.local [hbm:s6], s20  }
0x9f: {  	_ =	swait.ge [sflag:s22], s20  }
0xa0: {  	s5 =	ssub.s32 $0x0, s20;
	[sflag:s22] =	ssyncset.done $0x0  }
0xa1: {  	[sflag:s22] =	ssyncadd.s32 s5;
	_ =	sdelay $0x1  }
0xa2: {  	s23 =	simm.s32 $0x1B8B  }
0xa3: {  	_ =	swait.ge [sflag:s23], $0x1  }
0xa4: {  	[sflag:s23] =	ssyncset.done $0x0  }
0xa5: {  	s25 =	simm.s32 $0x1B8E;
	s24 =	sld [smem:$0x3FFE];
	[sflag:s23] =	ssyncadd.s32 $0xFFFFFFFF  }
0xa6: {  	s26 =	simm.s32 $execute0_lowered;
	[smem:$0x3FD2] =	sst s25  }
0xa7: {  	s6 =	sshll.u32 s26, $0x1;
	_ =	strace $0x80000046;
	[dreg:$0x1] =	wrdreg $0xFFFFFFFF  }
0xa8: {  	s28 =	simm.s32 $_size_execute0_lowered;
	s4 =	sadd.s32 s4, s6;
	[dreg:$0x0] =	wrdreg $0x0  }
0xa9: {  	s6 =	sshll.u32 s28, $0x1;
	[dreg:$0x2] =	wrdreg s4  }
0xaa: {  	[dreg:$0x3] =	wrdreg s6  }
0xab: {  	[dreg:$0x4] =	wrdreg $0xC0  }
0xac: {  	_ =	task [dreg:s8], $0x5FFFF  }
0xad: {  	[dreg:$0x1] =	wrdreg $0xFFFFFFFF  }
0xae: {  	[dreg:$0x0] =	wrdreg $0x60  }
0xaf: {  	[dreg:$0x2] =	wrdreg s18  }
0xb0: {  	[dreg:$0x3] =	wrdreg s2  }
0xb1: {  	[dreg:$0x4] =	wrdreg s24  }
0xb2: {  	[dreg:$0x5] =	wrdreg $0x9  }
0xb3: {  	_ =	task.clear_ibuf [dreg:s8], $0x6FFFF;
	_ =	strace $0x90000046  }
0xb4: {  	s29 =	simm.s32 $0x9;
	_ =	strace $0x80000048  }
0xb5: {  	_ =	swait.ge [sflag:s29], $0x1  }
0xb6: {  	[sflag:s29] =	ssyncadd.s32 $0xFFFFFFFF  }
0xb7: {  	_ =	strace $0x90000048  }
0xb8: {  	_ =	sfence  }
0xb9: {  	s30 =	sld [smem:$0x0];
	_ =	sdelay $0x2  }
0xba: {  	s31 =	sshll.u32 s1, $0xD;
	s1 =	sshrl.u32 s1, $0x2  }
0xbb: {  	s3 =	sand.u32 $0x4000, s31;
	s1 =	sadd.s32 s1, s30  }
0xbc: {  	s0 =	sor.u32 s3, s0;
	s1 =	sshll.u32 s1, $0x11  }
0xbd: {  	s0 =	sor.u32 s1, s0  }
0xbe: {  	s0 =	sadd.s32 $0x8F2B, s0  }
0xbf: {  	[sflag:s0] =	ssyncadd.remote.s32 $0x1  }
0xc0: {  	_ =	sfence.sel $0xFFFF  }
0xc1: {  	[dreg:$0x0] =	wrdreg $0xFFFFFFFF;
	(pc) =	sbr.abs _section_cstart, $3  }
0xc2: {  	[dreg:$0x1] =	wrdreg $0xFFFFFFFF  }
0xc3: {  	_ =	task.clear_ibuf [dreg:s8], $0x2FFFF;
	_ =	strace $0x9FFFFFFF  }
0xc4: {  	(tm) =	ssettm $0x7FFFFFFF  }
0xc5: {  	_ =	shalt  }
tec
execute0_lowered:
.L_overlay_start_1:
0x0: {  	(tag) =	ssettag $0x1  }
0x1: {  	s0 =	rddreg [dreg:$0x0]  }
0x2: {  	s1 =	srdreg.scid;
	s2 =	rddreg [dreg:$0x1]  }
0x3: {  	s3 =	stileid.u32;
	s5 =	rddreg [dreg:$0x2];
	s10 =	simm.s32 $0x6  }
0x4: {  	s12 =	simm.s32 $0x80;
	s14 =	simm.s32 $0x48;
	s21 =	simm.s32 $0x10800  }
0x5: {  	s22 =	simm.s32 $0x500;
	s23 =	simm.s32 $0x14800;
	s24 =	simm.s32 $0x180  }
0x6: {  	s28 =	simm.s32 $0x1AC00;
	s29 =	simm.s32 $0x1;
	s30 =	simm.s32 $0x2  }
0x7: {  	s31 =	simm.s32 $0x3;
	s11 =	simm.s32 $0x0;
	s1 =	sand.u32 $0x1, s1  }
0x8: {  	s4 =	sshll.u32 s3, $0x8;
	s3 =	simm.s32 $0x0;
	s5 =	sadd.s32 $0x1C00, s5  }
0x9: {  	s6 =	sshll.u32 s1, $0x7;
	[smem:$0x7FF] =	sst s3;
	s1 =	ssub.s32 $0x2, s1  }
.Ltmp0:
0xa: {  	s7 =	sor.u32 s6, s4;
	s25 =	sshrl.u32 s1, $0x1;
	(pc) =	sbr.rel .LBB2_1-.Ltmp0, $4  }
0xb: {  	_ =	strace $0x80000047;
	s4 =	sshll.u32 s7, $0x5;
	s26 =	ssub.s32 s1, s25  }
0xc: {  	s7 =	sshll.u32 s7, $0x7;
	s25 =	simm.s32 $0x16C00;
	s1 =	simm.s32 $0x4  }
0xd: {  	s4 =	sadd.s32 s0, s4;
	s8 =	smax.u32 s26, $0x1;
	s26 =	simm.s32 $0x580  }
0xe: {  	s0 =	simm.s32 $0x1D000;
	s6 =	sadd.s32 $0x400, s4;
	s9 =	sadd.s32 $0x800, s4  }
.LBB2_13:
0xf: {  	s11 =	sadd.s32 $0x1, s11  }
0x10: {  	p0 =	sne.s32 s11, s8  }
.Ltmp1:
0x11: {  	_ = 	snop;
	(pc) =	sbr.rel @!p0 .LBB2_14-.Ltmp1, $1  }
0x12: {  	_ =	sdelay $0x3  }
.LBB2_1:
0x13: {  	[tilespmem:s3], [sflag:$0x6] =	stream.linear.gather [hbm4b:s4+s3], $0x2000, $0x38;
	[tilespmem:$0x1D800] =	vst v63  }
0x14: {  	_ =	swait.ge [sflag:s10], $0x2000  }
0x15: {  	[sflag:s10] =	ssyncset.done $0x0  }
0x16: {  	s13 =	simm.s32 $0x2000;
	[sflag:s10] =	ssyncadd.s32 $0xFFFFE000  }
0x17: {  	[tilespmem:s13], [sflag:$0x5] =	stream.linear.gather [hbm4b:s6+s3], $0x2000, $0x38;
	[tilespmem:$0x1D800] =	vst v63  }
0x18: {  	s15 =	simm.s32 $0x4000  }
0x19: {  	[tilespmem:s15], [sflag:$0x1] =	stream.indirect.gather [hbm4b:s2+s12], $0x80, s3, s12, $0xb8;
	[tilespmem:$0x1D800] =	vst v63  }
0x1a: {  	s16 =	simm.s32 $0x400;
	s15 =	simm.s32 $0x8000  }
0x1b: {  	[tilespmem:s15], [sflag:$0x1] =	stream.indirect.gather [hbm4b:s2+s14], $0x80, s16, s14, $0xb8;
	[tilespmem:$0x1D800] =	vst v63  }
0x1c: {  	s17 =	simm.s32 $0xA400  }
0x1d: {  	[tilespmem:s17], [sflag:$0x2] =	stream.indirect.gather [hbm4b:s2+s12], $0x80, s12, s12, $0xb8;
	[tilespmem:$0x1D800] =	vst v63  }
0x1e: {  	s18 =	simm.s32 $0x480;
	s19 =	simm.s32 $0xE400  }
0x1f: {  	[tilespmem:s19], [sflag:$0x2] =	stream.indirect.gather [hbm4b:s2+s14], $0x80, s18, s14, $0xb8;
	[tilespmem:$0x1D800] =	vst v63  }
0x20: {  	s20 =	simm.s32 $0x100  }
0x21: {  	[tilespmem:s21], [sflag:$0x3] =	stream.indirect.gather [hbm4b:s2+s12], $0x80, s20, s12, $0xb8;
	[tilespmem:$0x1D800] =	vst v63  }
0x22: {  	_ = 	snop  }
0x23: {  	[tilespmem:s23], [sflag:$0x3] =	stream.indirect.gather [hbm4b:s2+s14], $0x80, s22, s14, $0xb8;
	[tilespmem:$0x1D800] =	vst v63  }
.Ltmp2:
0x24: {  	_ = 	snop;
	(pc) =	sbr.rel .LBB2_2-.Ltmp2, $4  }
0x25: {  	_ = 	snop  }
0x26: {  	[tilespmem:s25], [sflag:$0x4] =	stream.indirect.gather [hbm4b:s2+s12], $0x80, s24, s12, $0xb8;
	[tilespmem:$0x1D800] =	vst v63  }
0x27: {  	s13 =	simm.s32 $0x0  }
0x28: {  	[tilespmem:s28], [sflag:$0x4] =	stream.indirect.gather [hbm4b:s2+s14], $0x80, s26, s14, $0xb8;
	[tilespmem:$0x1D800] =	vst v63  }
.LBB2_12:
0x29: {  	s16 =	sand.u32 $0x17, s13  }
0x2a: {  	p0 =	sne.s32 s16, $0x7  }
0x2b: {  	s13 =	sadd.s32 $0x1, s13;
	s16 =	sshll.u32 @!p0 s15, $0xD;
	s15 =	sshll.u32 @!p0 s15, $0xA  }
0x2c: {  	s17 =	simm.s32 @!p0 $0x0;
	s16 =	sand.u32 @!p0 $0x3FFFE000, s16;
	s15 =	sadd.s32 @!p0 s9, s15  }
0x2d: {  	[tilespmem:s16], [sflag:$0x5] =	stream.linear.gather @!p0 [hbm4b:s15+s17], $0x2000, $0x38;
	[tilespmem:$0x1D800] =	vst v63  }
0x2e: {  	p0 =	sne.s32 s13, $0x20  }
.Ltmp3:
0x2f: {  	_ = 	snop;
	(pc) =	sbr.rel @!p0 .LBB2_13-.Ltmp3, $1  }
0x30: {  	_ =	sdelay $0x3  }
.LBB2_2:
0x31: {  	s15 =	sand.u32 $0x7, s13;
	p0 =	sgt.u32 s13, $0x17  }
0x32: {  	p1 =	sne.s32 @!p0 s15, $0x7  }
0x33: {  	p0 =	por p1, p0  }
0x34: {  	s15 =	simm.s32 @!p0 $0x5  }
0x35: {  	_ =	swait.ge @!p0 [sflag:s15], $0x2000  }
0x36: {  	[sflag:s15] =	ssyncset.done @!p0 $0x0  }
0x37: {  	[sflag:s15] =	ssyncadd.s32 @!p0 $0xFFFFE000  }
0x38: {  	_ =	swait.ge [sflag:s29], $0x4000  }
0x39: {  	[sflag:s29] =	ssyncset.done $0x0  }
0x3a: {  	[sflag:s29] =	ssyncadd.s32 $0xFFFFC000  }
0x3b: {  	_ =	swait.ge [sflag:s29], $0x2400  }
0x3c: {  	[sflag:s29] =	ssyncset.done $0x0  }
0x3d: {  	s16 =	simm.s32 $0x0;
	[sflag:s29] =	ssyncadd.s32 $0xFFFFDC00  }
0x3e: {  	v3 =	vld [tilespmem:s16+$0x4180]  }
0x3f: {  	v4 =	vld [tilespmem:s16+$0x4190]  }
0x40: {  	v5 =	vld [tilespmem:s16+$0x41A0]  }
0x41: {  	v6 =	vld [tilespmem:s16+$0x41B0]  }
0x42: {  	v0 =	vld [tilespmem:s16+$0x41C0]  }
0x43: {  	v1 =	vld [tilespmem:s16+$0x41D0]  }
0x44: {  	v13 =	vld [tilespmem:s16+$0x4100]  }
0x45: {  	v15 =	vld [tilespmem:s16+$0x4110]  }
0x46: {  	v12 =	vld [tilespmem:s16+$0x4120]  }
0x47: {  	v14 =	vld [tilespmem:s16+$0x4130]  }
0x48: {  	v2 =	vld [tilespmem:s16+$0x4140]  }
0x49: {  	v9 =	vld [tilespmem:s16+$0x4080]  }
0x4a: {  	v10 =	vld [tilespmem:s16+$0x4090]  }
0x4b: {  	v11 =	vld [tilespmem:s16+$0x4000]  }
0x4c: {  	v17 =	vld [tilespmem:s16+$0x4010]  }
0x4d: {  	v18 =	vld [tilespmem:s16+$0x4020]  }
0x4e: {  	v19 =	vld [tilespmem:s16+$0x4030]  }
0x4f: {  	v20 =	vld [tilespmem:s16+$0x40A0]  }
0x50: {  	v24 =	vld [tilespmem:s16+$0x40B0]  }
0x51: {  	v8 =	vimm.f32 $0.0e+00;
	v7 =	vld [tilespmem:s16+$0x4150]  }
0x52: {  	v16 =	vld [tilespmem:s16+$0x40C0];
	v11 =	vadd.f32 v11, v8;
	v22 =	vadd.f32 v17, v8  }
0x53: {  	v17 =	vld [tilespmem:s16+$0x40D0];
	v23 =	vadd.f32 v18, v8;
	v25 =	vadd.f32 v19, v8  }
0x54: {  	v18 =	vld [tilespmem:s16+$0x4040];
	v21 =	vadd.f32 v9, v11;
	v22 =	vadd.f32 v10, v22  }
0x55: {  	v19 =	vld [tilespmem:s16+$0x4050];
	v23 =	vadd.f32 v20, v23;
	v24 =	vadd.f32 v24, v25  }
0x56: {  	s17 =	simm.s32 $0x800;
	s15 =	sshrl.u32 s13, $0x3;
	v20 =	vld [tilespmem:s16+$0x4060];
	v11 =	vimm.f32 $0.0e+00;
	v10 =	vimm.f32 $0.0e+00;
	v9 =	vimm.f32 $0.0e+00  }
.LBB2_3:
0x57: {  	p0 =	sne.s32 s17, $0x18800;
	v25 =	vld [tilespmem:s16+$0x4070];
	v13 =	vadd.f32 v13, v21;
	v15 =	vadd.f32 v15, v22  }
0x58: {  	v21 =	vld [tilespmem:s16+$0x40E0];
	v12 =	vadd.f32 v12, v23;
	v14 =	vadd.f32 v14, v24  }
0x59: {  	v22 =	vld [tilespmem:s16+$0x40F0];
	v23 =	vadd.f32 v3, v13;
	v24 =	vadd.f32 v4, v15  }
0x5a: {  	v13 =	vld [tilespmem:s16+$0x4160];
	v26 =	vadd.f32 v5, v12;
	v27 =	vadd.f32 v6, v14  }
0x5b: {  	v3 =	vadd.f32 v18, v8;
	v4 =	vadd.f32 v19, v11;
	v6 =	vld [tilespmem:s16+$0x4170]  }
0x5c: {  	v5 =	vadd.f32 v20, v10;
	v8 =	vadd.f32 v25, v9;
	v9 =	vld [tilespmem:s16+$0x41E0]  }
0x5d: {  	v10 =	vadd.f32 v16, v3;
	v11 =	vadd.f32 v17, v4;
	v12 =	vld [tilespmem:s16+$0x41F0];
	s16 =	sshra.s32 s17, $0x2  }
0x5e: {  	v14 =	vadd.f32 v21, v5;
	v3 =	vld [tilespmem:s16+$0x4180];
	v8 =	vadd.f32 v22, v8  }
0x5f: {  	v2 =	vadd.f32 v2, v10;
	v7 =	vadd.f32 v7, v11;
	v4 =	vld [tilespmem:s16+$0x4190]  }
0x60: {  	v10 =	vadd.f32 v13, v14;
	v5 =	vld [tilespmem:s16+$0x41A0];
	v13 =	vadd.f32 v6, v8  }
0x61: {  	v8 =	vadd.f32 v0, v2;
	v11 =	vadd.f32 v1, v7;
	v6 =	vld [tilespmem:s16+$0x41B0]  }
0x62: {  	v10 =	vadd.f32 v9, v10;
	v0 =	vld [tilespmem:s16+$0x41C0];
	v9 =	vadd.f32 v12, v13  }
0x63: {  	v1 =	vld [tilespmem:s16+$0x41D0]  }
0x64: {  	v13 =	vld [tilespmem:s16+$0x4100]  }
0x65: {  	v15 =	vld [tilespmem:s16+$0x4110]  }
0x66: {  	v12 =	vld [tilespmem:s16+$0x4120]  }
0x67: {  	v14 =	vld [tilespmem:s16+$0x4130]  }
0x68: {  	v2 =	vld [tilespmem:s16+$0x4140]  }
0x69: {  	v7 =	vld [tilespmem:s16+$0x4150]  }
0x6a: {  	v20 =	vld [tilespmem:s16+$0x4080]  }
0x6b: {  	v22 =	vld [tilespmem:s16+$0x4090]  }
0x6c: {  	v17 =	vld [tilespmem:s16+$0x4000]  }
0x6d: {  	v18 =	vld [tilespmem:s16+$0x4010]  }
0x6e: {  	v19 =	vld [tilespmem:s16+$0x4020]  }
0x6f: {  	v21 =	vld [tilespmem:s16+$0x4030]  }
0x70: {  	v25 =	vld [tilespmem:s16+$0x40A0]  }
0x71: {  	v28 =	vld [tilespmem:s16+$0x40B0]  }
.Ltmp4:
0x72: {  	v16 =	vld [tilespmem:s16+$0x40C0];
	(pc) =	sbr.rel @p0 .LBB2_3-.Ltmp4, $4  }
0x73: {  	v23 =	vadd.f32 v17, v23;
	v24 =	vadd.f32 v18, v24;
	v17 =	vld [tilespmem:s16+$0x40D0]  }
0x74: {  	v26 =	vadd.f32 v19, v26;
	v27 =	vadd.f32 v21, v27;
	v18 =	vld [tilespmem:s16+$0x4040]  }
0x75: {  	v21 =	vadd.f32 v20, v23;
	v22 =	vadd.f32 v22, v24;
	v19 =	vld [tilespmem:s16+$0x4050]  }
0x76: {  	s17 =	sadd.s32 $0x800, s17;
	v23 =	vadd.f32 v25, v26;
	v20 =	vld [tilespmem:s16+$0x4060];
	v24 =	vadd.f32 v28, v27  }
0x77: {  	v13 =	vadd.f32 v13, v21;
	v15 =	vadd.f32 v15, v22  }
0x78: {  	v21 =	vld [tilespmem:s16+$0x4070];
	v12 =	vadd.f32 v12, v23;
	v14 =	vadd.f32 v14, v24  }
0x79: {  	v22 =	vld [tilespmem:s16+$0x40E0];
	v3 =	vadd.f32 v3, v13;
	v4 =	vadd.f32 v4, v15  }
0x7a: {  	v13 =	vld [tilespmem:s16+$0x40F0];
	v8 =	vadd.f32 v18, v8;
	v5 =	vadd.f32 v5, v12  }
0x7b: {  	v12 =	vld [tilespmem:s16+$0x4160];
	v6 =	vadd.f32 v6, v14;
	v11 =	vadd.f32 v19, v11  }
0x7c: {  	v14 =	vld [tilespmem:s16+$0x4170];
	v10 =	vadd.f32 v20, v10;
	v8 =	vadd.f32 v16, v8  }
0x7d: {  	v15 =	vld [tilespmem:s16+$0x41E0];
	v9 =	vadd.f32 v21, v9;
	v11 =	vadd.f32 v17, v11  }
0x7e: {  	s20 =	sshll.u32 s13, $0x9;
	v16 =	vld [tilespmem:s16+$0x41F0];
	v4 =	vmul.f32 $4.999999890e-03, v4;
	v10 =	vadd.f32 v22, v10;
	v2 =	vadd.f32 v2, v8  }
0x7f: {  	v3 =	vmul.f32 $4.999999890e-03, v3;
	s16 =	sand.u32 $0x600, s20;
	v8 =	vadd.f32 v13, v9;
	v7 =	vadd.f32 v7, v11  }
0x80: {  	[tilespmem:s16+$0x1D010] =	vst v4;
	v4 =	vmul.f32 $4.999999890e-03, v6;
	v9 =	vadd.f32 v12, v10;
	v0 =	vadd.f32 v0, v2  }
0x81: {  	[tilespmem:s16+$0x1D000] =	vst v3;
	v2 =	vmul.f32 $4.999999890e-03, v5;
	v3 =	vadd.f32 v14, v8;
	v1 =	vadd.f32 v1, v7  }
0x82: {  	[tilespmem:s16+$0x1D030] =	vst v4;
	v5 =	vadd.f32 v15, v9;
	v0 =	vmul.f32 $4.999999890e-03, v0  }
0x83: {  	s17 =	sshll.u32 s13, $0x2;
	p0 =	seq.s32 s13, $0x1F;
	[tilespmem:s16+$0x1D020] =	vst v2;
	v2 =	vadd.f32 v16, v3;
	v1 =	vmul.f32 $4.999999890e-03, v1  }
0x84: {  	s18 =	sadd.s32 @!p0 $0x4, s17;
	[tilespmem:s16+$0x1D040] =	vst v0;
	v0 =	vmul.f32 $4.999999890e-03, v5  }
0x85: {  	s19 =	sshll.u32 @!p0 s18, $0x8;
	s18 =	sshll.u32 @!p0 s18, $0x7;
	[tilespmem:s16+$0x1D050] =	vst v1;
	v1 =	vmul.f32 $4.999999890e-03, v2  }
0x86: {  	s19 =	sand.u32 @!p0 $0x3800, s19;
	s18 =	sand.u32 @!p0 $0x200, s18;
	[tilespmem:s16+$0x1D060] =	vst v0  }
0x87: {  	s18 =	sor.u32 @!p0 s18, s19;
	s19 =	simm.s32 @!p0 $0x80;
	s20 =	simm.s32 @!p0 $0x4000;
	[tilespmem:s16+$0x1D070] =	vst v1  }
0x88: {  	[tilespmem:s20], [sflag:$0x1] =	stream.indirect.gather @!p0 [hbm4b:s2+s19], $0x80, s18, s19, $0xb8;
	[tilespmem:$0x1D800] =	vst v63  }
0x89: {  	s18 =	sor.u32 @!p0 $0x400, s18;
	s19 =	simm.s32 @!p0 $0x48;
	s20 =	simm.s32 @!p0 $0x8000  }
0x8a: {  	[tilespmem:s20], [sflag:$0x1] =	stream.indirect.gather @!p0 [hbm4b:s2+s19], $0x80, s18, s19, $0xb8;
	[tilespmem:$0x1D800] =	vst v63  }
0x8b: {  	_ =	swait.ge [sflag:s30], $0x4000  }
0x8c: {  	[sflag:s30] =	ssyncset.done $0x0  }
0x8d: {  	[sflag:s30] =	ssyncadd.s32 $0xFFFFC000  }
0x8e: {  	_ =	swait.ge [sflag:s30], $0x2400  }
0x8f: {  	[sflag:s30] =	ssyncset.done $0x0  }
0x90: {  	s18 =	simm.s32 $0x0;
	[sflag:s30] =	ssyncadd.s32 $0xFFFFDC00  }
0x91: {  	v3 =	vld [tilespmem:s18+$0xA580]  }
0x92: {  	v4 =	vld [tilespmem:s18+$0xA590]  }
0x93: {  	v5 =	vld [tilespmem:s18+$0xA5A0]  }
0x94: {  	v6 =	vld [tilespmem:s18+$0xA5B0]  }
0x95: {  	v0 =	vld [tilespmem:s18+$0xA5C0]  }
0x96: {  	v1 =	vld [tilespmem:s18+$0xA5D0]  }
0x97: {  	v13 =	vld [tilespmem:s18+$0xA500]  }
0x98: {  	v15 =	vld [tilespmem:s18+$0xA510]  }
0x99: {  	v12 =	vld [tilespmem:s18+$0xA520]  }
0x9a: {  	v14 =	vld [tilespmem:s18+$0xA530]  }
0x9b: {  	v2 =	vld [tilespmem:s18+$0xA540]  }
0x9c: {  	v9 =	vld [tilespmem:s18+$0xA480]  }
0x9d: {  	v10 =	vld [tilespmem:s18+$0xA490]  }
0x9e: {  	v11 =	vld [tilespmem:s18+$0xA400]  }
0x9f: {  	v17 =	vld [tilespmem:s18+$0xA410]  }
0xa0: {  	v18 =	vld [tilespmem:s18+$0xA420]  }
0xa1: {  	v19 =	vld [tilespmem:s18+$0xA430]  }
0xa2: {  	v20 =	vld [tilespmem:s18+$0xA4A0]  }
0xa3: {  	v24 =	vld [tilespmem:s18+$0xA4B0]  }
0xa4: {  	v8 =	vimm.f32 $0.0e+00;
	v7 =	vld [tilespmem:s18+$0xA550]  }
0xa5: {  	v16 =	vld [tilespmem:s18+$0xA4C0];
	v11 =	vadd.f32 v11, v8;
	v22 =	vadd.f32 v17, v8  }
0xa6: {  	v17 =	vld [tilespmem:s18+$0xA4D0];
	v23 =	vadd.f32 v18, v8;
	v25 =	vadd.f32 v19, v8  }
0xa7: {  	v18 =	vld [tilespmem:s18+$0xA440];
	v21 =	vadd.f32 v9, v11;
	v22 =	vadd.f32 v10, v22  }
0xa8: {  	v19 =	vld [tilespmem:s18+$0xA450];
	v23 =	vadd.f32 v20, v23;
	v24 =	vadd.f32 v24, v25  }
0xa9: {  	s19 =	simm.s32 $0x800;
	v20 =	vld [tilespmem:s18+$0xA460];
	v11 =	vimm.f32 $0.0e+00;
	v10 =	vimm.f32 $0.0e+00;
	v9 =	vimm.f32 $0.0e+00  }
.LBB2_5:
0xaa: {  	p1 =	sne.s32 s19, $0x18800;
	v25 =	vld [tilespmem:s18+$0xA470];
	v13 =	vadd.f32 v13, v21;
	v15 =	vadd.f32 v15, v22  }
0xab: {  	v21 =	vld [tilespmem:s18+$0xA4E0];
	v12 =	vadd.f32 v12, v23;
	v14 =	vadd.f32 v14, v24  }
0xac: {  	v22 =	vld [tilespmem:s18+$0xA4F0];
	v23 =	vadd.f32 v3, v13;
	v24 =	vadd.f32 v4, v15  }
0xad: {  	v13 =	vld [tilespmem:s18+$0xA560];
	v26 =	vadd.f32 v5, v12;
	v27 =	vadd.f32 v6, v14  }
0xae: {  	v3 =	vadd.f32 v18, v8;
	v4 =	vadd.f32 v19, v11;
	v6 =	vld [tilespmem:s18+$0xA570]  }
0xaf: {  	v5 =	vadd.f32 v20, v10;
	v8 =	vadd.f32 v25, v9;
	v9 =	vld [tilespmem:s18+$0xA5E0]  }
0xb0: {  	v10 =	vadd.f32 v16, v3;
	v11 =	vadd.f32 v17, v4;
	v12 =	vld [tilespmem:s18+$0xA5F0];
	s18 =	sshra.s32 s19, $0x2  }
0xb1: {  	v14 =	vadd.f32 v21, v5;
	v3 =	vld [tilespmem:s18+$0xA580];
	v8 =	vadd.f32 v22, v8  }
0xb2: {  	v2 =	vadd.f32 v2, v10;
	v7 =	vadd.f32 v7, v11;
	v4 =	vld [tilespmem:s18+$0xA590]  }
0xb3: {  	v10 =	vadd.f32 v13, v14;
	v5 =	vld [tilespmem:s18+$0xA5A0];
	v13 =	vadd.f32 v6, v8  }
0xb4: {  	v8 =	vadd.f32 v0, v2;
	v11 =	vadd.f32 v1, v7;
	v6 =	vld [tilespmem:s18+$0xA5B0]  }
0xb5: {  	v10 =	vadd.f32 v9, v10;
	v0 =	vld [tilespmem:s18+$0xA5C0];
	v9 =	vadd.f32 v12, v13  }
0xb6: {  	v1 =	vld [tilespmem:s18+$0xA5D0]  }
0xb7: {  	v13 =	vld [tilespmem:s18+$0xA500]  }
0xb8: {  	v15 =	vld [tilespmem:s18+$0xA510]  }
0xb9: {  	v12 =	vld [tilespmem:s18+$0xA520]  }
0xba: {  	v14 =	vld [tilespmem:s18+$0xA530]  }
0xbb: {  	v2 =	vld [tilespmem:s18+$0xA540]  }
0xbc: {  	v7 =	vld [tilespmem:s18+$0xA550]  }
0xbd: {  	v20 =	vld [tilespmem:s18+$0xA480]  }
0xbe: {  	v22 =	vld [tilespmem:s18+$0xA490]  }
0xbf: {  	v17 =	vld [tilespmem:s18+$0xA400]  }
0xc0: {  	v18 =	vld [tilespmem:s18+$0xA410]  }
0xc1: {  	v19 =	vld [tilespmem:s18+$0xA420]  }
0xc2: {  	v21 =	vld [tilespmem:s18+$0xA430]  }
0xc3: {  	v25 =	vld [tilespmem:s18+$0xA4A0]  }
0xc4: {  	v28 =	vld [tilespmem:s18+$0xA4B0]  }
.Ltmp5:
0xc5: {  	v16 =	vld [tilespmem:s18+$0xA4C0];
	(pc) =	sbr.rel @p1 .LBB2_5-.Ltmp5, $4  }
0xc6: {  	v23 =	vadd.f32 v17, v23;
	v24 =	vadd.f32 v18, v24;
	v17 =	vld [tilespmem:s18+$0xA4D0]  }
0xc7: {  	v26 =	vadd.f32 v19, v26;
	v27 =	vadd.f32 v21, v27;
	v18 =	vld [tilespmem:s18+$0xA440]  }
0xc8: {  	v21 =	vadd.f32 v20, v23;
	v22 =	vadd.f32 v22, v24;
	v19 =	vld [tilespmem:s18+$0xA450]  }
0xc9: {  	s19 =	sadd.s32 $0x800, s19;
	v23 =	vadd.f32 v25, v26;
	v20 =	vld [tilespmem:s18+$0xA460];
	v24 =	vadd.f32 v28, v27  }
0xca: {  	v13 =	vadd.f32 v13, v21;
	v15 =	vadd.f32 v15, v22  }
0xcb: {  	v21 =	vld [tilespmem:s18+$0xA470];
	v12 =	vadd.f32 v12, v23;
	v14 =	vadd.f32 v14, v24  }
0xcc: {  	v22 =	vld [tilespmem:s18+$0xA4E0];
	v3 =	vadd.f32 v3, v13;
	v4 =	vadd.f32 v4, v15  }
0xcd: {  	v13 =	vld [tilespmem:s18+$0xA4F0];
	v8 =	vadd.f32 v18, v8;
	v5 =	vadd.f32 v5, v12  }
0xce: {  	v12 =	vld [tilespmem:s18+$0xA560];
	v6 =	vadd.f32 v6, v14;
	v11 =	vadd.f32 v19, v11  }
0xcf: {  	v14 =	vld [tilespmem:s18+$0xA570];
	v10 =	vadd.f32 v20, v10;
	v8 =	vadd.f32 v16, v8  }
0xd0: {  	v15 =	vld [tilespmem:s18+$0xA5E0];
	v9 =	vadd.f32 v21, v9;
	v11 =	vadd.f32 v17, v11  }
0xd1: {  	v16 =	vld [tilespmem:s18+$0xA5F0];
	v4 =	vmul.f32 $4.999999890e-03, v4;
	v10 =	vadd.f32 v22, v10;
	v2 =	vadd.f32 v2, v8  }
0xd2: {  	v3 =	vmul.f32 $4.999999890e-03, v3;
	v8 =	vadd.f32 v13, v9;
	v7 =	vadd.f32 v7, v11  }
0xd3: {  	[tilespmem:s16+$0x1D090] =	vst v4;
	v4 =	vmul.f32 $4.999999890e-03, v6;
	v9 =	vadd.f32 v12, v10;
	v0 =	vadd.f32 v0, v2  }
0xd4: {  	[tilespmem:s16+$0x1D080] =	vst v3;
	v2 =	vmul.f32 $4.999999890e-03, v5;
	v3 =	vadd.f32 v14, v8;
	v1 =	vadd.f32 v1, v7  }
0xd5: {  	[tilespmem:s16+$0x1D0B0] =	vst v4;
	v5 =	vadd.f32 v15, v9;
	v0 =	vmul.f32 $4.999999890e-03, v0  }
0xd6: {  	[tilespmem:s16+$0x1D0A0] =	vst v2;
	v2 =	vadd.f32 v16, v3;
	v1 =	vmul.f32 $4.999999890e-03, v1  }
0xd7: {  	s18 =	sadd.s32 @!p0 $0x5, s17;
	[tilespmem:s16+$0x1D0C0] =	vst v0;
	v0 =	vmul.f32 $4.999999890e-03, v5  }
0xd8: {  	s19 =	sshll.u32 @!p0 s18, $0x8;
	s18 =	sshll.u32 @!p0 s18, $0x7;
	[tilespmem:s16+$0x1D0D0] =	vst v1;
	v1 =	vmul.f32 $4.999999890e-03, v2  }
0xd9: {  	s19 =	sand.u32 @!p0 $0x3800, s19;
	s18 =	sand.u32 @!p0 $0x280, s18;
	[tilespmem:s16+$0x1D0E0] =	vst v0  }
0xda: {  	s20 =	simm.s32 @!p0 $0xA400;
	s18 =	sor.u32 @!p0 s18, s19;
	s19 =	simm.s32 @!p0 $0x80;
	[tilespmem:s16+$0x1D0F0] =	vst v1  }
0xdb: {  	[tilespmem:s20], [sflag:$0x2] =	stream.indirect.gather @!p0 [hbm4b:s2+s19], $0x80, s18, s19, $0xb8;
	[tilespmem:$0x1D800] =	vst v63  }
0xdc: {  	s18 =	sor.u32 @!p0 $0x400, s18;
	s19 =	simm.s32 @!p0 $0x48;
	s20 =	simm.s32 @!p0 $0xE400  }
0xdd: {  	[tilespmem:s20], [sflag:$0x2] =	stream.indirect.gather @!p0 [hbm4b:s2+s19], $0x80, s18, s19, $0xb8;
	[tilespmem:$0x1D800] =	vst v63  }
0xde: {  	_ =	swait.ge [sflag:s31], $0x4000  }
0xdf: {  	[sflag:s31] =	ssyncset.done $0x0  }
0xe0: {  	[sflag:s31] =	ssyncadd.s32 $0xFFFFC000  }
0xe1: {  	_ =	swait.ge [sflag:s31], $0x2400  }
0xe2: {  	[sflag:s31] =	ssyncset.done $0x0  }
0xe3: {  	s18 =	simm.s32 $0x0;
	[sflag:s31] =	ssyncadd.s32 $0xFFFFDC00  }
0xe4: {  	v3 =	vld [tilespmem:s18+$0x10980]  }
0xe5: {  	v4 =	vld [tilespmem:s18+$0x10990]  }
0xe6: {  	v5 =	vld [tilespmem:s18+$0x109A0]  }
0xe7: {  	v6 =	vld [tilespmem:s18+$0x109B0]  }
0xe8: {  	v0 =	vld [tilespmem:s18+$0x109C0]  }
0xe9: {  	v1 =	vld [tilespmem:s18+$0x109D0]  }
0xea: {  	v13 =	vld [tilespmem:s18+$0x10900]  }
0xeb: {  	v15 =	vld [tilespmem:s18+$0x10910]  }
0xec: {  	v12 =	vld [tilespmem:s18+$0x10920]  }
0xed: {  	v14 =	vld [tilespmem:s18+$0x10930]  }
0xee: {  	v2 =	vld [tilespmem:s18+$0x10940]  }
0xef: {  	v9 =	vld [tilespmem:s18+$0x10880]  }
0xf0: {  	v10 =	vld [tilespmem:s18+$0x10890]  }
0xf1: {  	v11 =	vld [tilespmem:s18+$0x10800]  }
0xf2: {  	v17 =	vld [tilespmem:s18+$0x10810]  }
0xf3: {  	v18 =	vld [tilespmem:s18+$0x10820]  }
0xf4: {  	v19 =	vld [tilespmem:s18+$0x10830]  }
0xf5: {  	v20 =	vld [tilespmem:s18+$0x108A0]  }
0xf6: {  	v24 =	vld [tilespmem:s18+$0x108B0]  }
0xf7: {  	v8 =	vimm.f32 $0.0e+00;
	v7 =	vld [tilespmem:s18+$0x10950]  }
0xf8: {  	v16 =	vld [tilespmem:s18+$0x108C0];
	v11 =	vadd.f32 v11, v8;
	v22 =	vadd.f32 v17, v8  }
0xf9: {  	v17 =	vld [tilespmem:s18+$0x108D0];
	v23 =	vadd.f32 v18, v8;
	v25 =	vadd.f32 v19, v8  }
0xfa: {  	v18 =	vld [tilespmem:s18+$0x10840];
	v21 =	vadd.f32 v9, v11;
	v22 =	vadd.f32 v10, v22  }
0xfb: {  	v19 =	vld [tilespmem:s18+$0x10850];
	v23 =	vadd.f32 v20, v23;
	v24 =	vadd.f32 v24, v25  }
0xfc: {  	s19 =	simm.s32 $0x800;
	v20 =	vld [tilespmem:s18+$0x10860];
	v11 =	vimm.f32 $0.0e+00;
	v10 =	vimm.f32 $0.0e+00;
	v9 =	vimm.f32 $0.0e+00  }
.LBB2_7:
0xfd: {  	p1 =	sne.s32 s19, $0x18800;
	v25 =	vld [tilespmem:s18+$0x10870];
	v13 =	vadd.f32 v13, v21;
	v15 =	vadd.f32 v15, v22  }
0xfe: {  	v21 =	vld [tilespmem:s18+$0x108E0];
	v12 =	vadd.f32 v12, v23;
	v14 =	vadd.f32 v14, v24  }
0xff: {  	v22 =	vld [tilespmem:s18+$0x108F0];
	v23 =	vadd.f32 v3, v13;
	v24 =	vadd.f32 v4, v15  }
0x100: {  	v13 =	vld [tilespmem:s18+$0x10960];
	v26 =	vadd.f32 v5, v12;
	v27 =	vadd.f32 v6, v14  }
0x101: {  	v3 =	vadd.f32 v18, v8;
	v4 =	vadd.f32 v19, v11;
	v6 =	vld [tilespmem:s18+$0x10970]  }
0x102: {  	v5 =	vadd.f32 v20, v10;
	v8 =	vadd.f32 v25, v9;
	v9 =	vld [tilespmem:s18+$0x109E0]  }
0x103: {  	v10 =	vadd.f32 v16, v3;
	v11 =	vadd.f32 v17, v4;
	v12 =	vld [tilespmem:s18+$0x109F0];
	s18 =	sshra.s32 s19, $0x2  }
0x104: {  	v14 =	vadd.f32 v21, v5;
	v3 =	vld [tilespmem:s18+$0x10980];
	v8 =	vadd.f32 v22, v8  }
0x105: {  	v2 =	vadd.f32 v2, v10;
	v7 =	vadd.f32 v7, v11;
	v4 =	vld [tilespmem:s18+$0x10990]  }
0x106: {  	v10 =	vadd.f32 v13, v14;
	v5 =	vld [tilespmem:s18+$0x109A0];
	v13 =	vadd.f32 v6, v8  }
0x107: {  	v8 =	vadd.f32 v0, v2;
	v11 =	vadd.f32 v1, v7;
	v6 =	vld [tilespmem:s18+$0x109B0]  }
0x108: {  	v10 =	vadd.f32 v9, v10;
	v0 =	vld [tilespmem:s18+$0x109C0];
	v9 =	vadd.f32 v12, v13  }
0x109: {  	v1 =	vld [tilespmem:s18+$0x109D0]  }
0x10a: {  	v13 =	vld [tilespmem:s18+$0x10900]  }
0x10b: {  	v15 =	vld [tilespmem:s18+$0x10910]  }
0x10c: {  	v12 =	vld [tilespmem:s18+$0x10920]  }
0x10d: {  	v14 =	vld [tilespmem:s18+$0x10930]  }
0x10e: {  	v2 =	vld [tilespmem:s18+$0x10940]  }
0x10f: {  	v7 =	vld [tilespmem:s18+$0x10950]  }
0x110: {  	v20 =	vld [tilespmem:s18+$0x10880]  }
0x111: {  	v22 =	vld [tilespmem:s18+$0x10890]  }
0x112: {  	v17 =	vld [tilespmem:s18+$0x10800]  }
0x113: {  	v18 =	vld [tilespmem:s18+$0x10810]  }
0x114: {  	v19 =	vld [tilespmem:s18+$0x10820]  }
0x115: {  	v21 =	vld [tilespmem:s18+$0x10830]  }
0x116: {  	v25 =	vld [tilespmem:s18+$0x108A0]  }
0x117: {  	v28 =	vld [tilespmem:s18+$0x108B0]  }
.Ltmp6:
0x118: {  	v16 =	vld [tilespmem:s18+$0x108C0];
	(pc) =	sbr.rel @p1 .LBB2_7-.Ltmp6, $4  }
0x119: {  	v23 =	vadd.f32 v17, v23;
	v24 =	vadd.f32 v18, v24;
	v17 =	vld [tilespmem:s18+$0x108D0]  }
0x11a: {  	v26 =	vadd.f32 v19, v26;
	v27 =	vadd.f32 v21, v27;
	v18 =	vld [tilespmem:s18+$0x10840]  }
0x11b: {  	v21 =	vadd.f32 v20, v23;
	v22 =	vadd.f32 v22, v24;
	v19 =	vld [tilespmem:s18+$0x10850]  }
0x11c: {  	s19 =	sadd.s32 $0x800, s19;
	v23 =	vadd.f32 v25, v26;
	v20 =	vld [tilespmem:s18+$0x10860];
	v24 =	vadd.f32 v28, v27  }
0x11d: {  	v13 =	vadd.f32 v13, v21;
	v15 =	vadd.f32 v15, v22  }
0x11e: {  	v21 =	vld [tilespmem:s18+$0x10870];
	v12 =	vadd.f32 v12, v23;
	v14 =	vadd.f32 v14, v24  }
0x11f: {  	v22 =	vld [tilespmem:s18+$0x108E0];
	v3 =	vadd.f32 v3, v13;
	v4 =	vadd.f32 v4, v15  }
0x120: {  	v13 =	vld [tilespmem:s18+$0x108F0];
	v8 =	vadd.f32 v18, v8;
	v5 =	vadd.f32 v5, v12  }
0x121: {  	v12 =	vld [tilespmem:s18+$0x10960];
	v6 =	vadd.f32 v6, v14;
	v11 =	vadd.f32 v19, v11  }
0x122: {  	v14 =	vld [tilespmem:s18+$0x10970];
	v10 =	vadd.f32 v20, v10;
	v8 =	vadd.f32 v16, v8  }
0x123: {  	v15 =	vld [tilespmem:s18+$0x109E0];
	v9 =	vadd.f32 v21, v9;
	v11 =	vadd.f32 v17, v11  }
0x124: {  	v16 =	vld [tilespmem:s18+$0x109F0];
	v4 =	vmul.f32 $4.999999890e-03, v4;
	v10 =	vadd.f32 v22, v10;
	v2 =	vadd.f32 v2, v8  }
0x125: {  	v3 =	vmul.f32 $4.999999890e-03, v3;
	v8 =	vadd.f32 v13, v9;
	v7 =	vadd.f32 v7, v11  }
0x126: {  	[tilespmem:s16+$0x1D110] =	vst v4;
	v4 =	vmul.f32 $4.999999890e-03, v6;
	v9 =	vadd.f32 v12, v10;
	v0 =	vadd.f32 v0, v2  }
0x127: {  	[tilespmem:s16+$0x1D100] =	vst v3;
	v2 =	vmul.f32 $4.999999890e-03, v5;
	v3 =	vadd.f32 v14, v8;
	v1 =	vadd.f32 v1, v7  }
0x128: {  	[tilespmem:s16+$0x1D130] =	vst v4;
	v5 =	vadd.f32 v15, v9;
	v0 =	vmul.f32 $4.999999890e-03, v0  }
0x129: {  	[tilespmem:s16+$0x1D120] =	vst v2;
	v2 =	vadd.f32 v16, v3;
	v1 =	vmul.f32 $4.999999890e-03, v1  }
0x12a: {  	s18 =	sadd.s32 @!p0 $0x6, s17;
	[tilespmem:s16+$0x1D140] =	vst v0;
	v0 =	vmul.f32 $4.999999890e-03, v5  }
0x12b: {  	s19 =	sshll.u32 @!p0 s18, $0x8;
	s18 =	sshll.u32 @!p0 s18, $0x7;
	[tilespmem:s16+$0x1D150] =	vst v1;
	v1 =	vmul.f32 $4.999999890e-03, v2  }
0x12c: {  	s19 =	sand.u32 @!p0 $0x3800, s19;
	s18 =	sand.u32 @!p0 $0x300, s18;
	[tilespmem:s16+$0x1D160] =	vst v0  }
0x12d: {  	s20 =	simm.s32 @!p0 $0x10800;
	s18 =	sor.u32 @!p0 s18, s19;
	s19 =	simm.s32 @!p0 $0x80;
	[tilespmem:s16+$0x1D170] =	vst v1  }
0x12e: {  	[tilespmem:s20], [sflag:$0x3] =	stream.indirect.gather @!p0 [hbm4b:s2+s19], $0x80, s18, s19, $0xb8;
	[tilespmem:$0x1D800] =	vst v63  }
0x12f: {  	s18 =	sor.u32 @!p0 $0x400, s18;
	s19 =	simm.s32 @!p0 $0x48;
	s20 =	simm.s32 @!p0 $0x14800  }
0x130: {  	[tilespmem:s20], [sflag:$0x3] =	stream.indirect.gather @!p0 [hbm4b:s2+s19], $0x80, s18, s19, $0xb8;
	[tilespmem:$0x1D800] =	vst v63  }
0x131: {  	_ =	swait.ge [sflag:s1], $0x4000  }
0x132: {  	[sflag:s1] =	ssyncset.done $0x0  }
0x133: {  	[sflag:s1] =	ssyncadd.s32 $0xFFFFC000  }
0x134: {  	_ =	swait.ge [sflag:s1], $0x2400  }
0x135: {  	[sflag:s1] =	ssyncset.done $0x0  }
0x136: {  	s18 =	simm.s32 $0x0;
	[sflag:s1] =	ssyncadd.s32 $0xFFFFDC00  }
0x137: {  	v3 =	vld [tilespmem:s18+$0x16D80]  }
0x138: {  	v4 =	vld [tilespmem:s18+$0x16D90]  }
0x139: {  	v5 =	vld [tilespmem:s18+$0x16DA0]  }
0x13a: {  	v6 =	vld [tilespmem:s18+$0x16DB0]  }
0x13b: {  	v0 =	vld [tilespmem:s18+$0x16DC0]  }
0x13c: {  	v1 =	vld [tilespmem:s18+$0x16DD0]  }
0x13d: {  	v13 =	vld [tilespmem:s18+$0x16D00]  }
0x13e: {  	v15 =	vld [tilespmem:s18+$0x16D10]  }
0x13f: {  	v12 =	vld [tilespmem:s18+$0x16D20]  }
0x140: {  	v14 =	vld [tilespmem:s18+$0x16D30]  }
0x141: {  	v2 =	vld [tilespmem:s18+$0x16D40]  }
0x142: {  	v9 =	vld [tilespmem:s18+$0x16C80]  }
0x143: {  	v10 =	vld [tilespmem:s18+$0x16C90]  }
0x144: {  	v11 =	vld [tilespmem:s18+$0x16C00]  }
0x145: {  	v17 =	vld [tilespmem:s18+$0x16C10]  }
0x146: {  	v18 =	vld [tilespmem:s18+$0x16C20]  }
0x147: {  	v19 =	vld [tilespmem:s18+$0x16C30]  }
0x148: {  	v20 =	vld [tilespmem:s18+$0x16CA0]  }
0x149: {  	v24 =	vld [tilespmem:s18+$0x16CB0]  }
0x14a: {  	v8 =	vimm.f32 $0.0e+00;
	v7 =	vld [tilespmem:s18+$0x16D50]  }
0x14b: {  	v16 =	vld [tilespmem:s18+$0x16CC0];
	v11 =	vadd.f32 v11, v8;
	v22 =	vadd.f32 v17, v8  }
0x14c: {  	v17 =	vld [tilespmem:s18+$0x16CD0];
	v23 =	vadd.f32 v18, v8;
	v25 =	vadd.f32 v19, v8  }
0x14d: {  	v18 =	vld [tilespmem:s18+$0x16C40];
	v21 =	vadd.f32 v9, v11;
	v22 =	vadd.f32 v10, v22  }
0x14e: {  	v19 =	vld [tilespmem:s18+$0x16C50];
	v23 =	vadd.f32 v20, v23;
	v24 =	vadd.f32 v24, v25  }
0x14f: {  	s19 =	simm.s32 $0x800;
	v20 =	vld [tilespmem:s18+$0x16C60];
	v11 =	vimm.f32 $0.0e+00;
	v10 =	vimm.f32 $0.0e+00;
	v9 =	vimm.f32 $0.0e+00  }
.LBB2_9:
0x150: {  	p1 =	sne.s32 s19, $0x18800;
	v25 =	vld [tilespmem:s18+$0x16C70];
	v13 =	vadd.f32 v13, v21;
	v15 =	vadd.f32 v15, v22  }
0x151: {  	v21 =	vld [tilespmem:s18+$0x16CE0];
	v12 =	vadd.f32 v12, v23;
	v14 =	vadd.f32 v14, v24  }
0x152: {  	v22 =	vld [tilespmem:s18+$0x16CF0];
	v23 =	vadd.f32 v3, v13;
	v24 =	vadd.f32 v4, v15  }
0x153: {  	v13 =	vld [tilespmem:s18+$0x16D60];
	v26 =	vadd.f32 v5, v12;
	v27 =	vadd.f32 v6, v14  }
0x154: {  	v3 =	vadd.f32 v18, v8;
	v4 =	vadd.f32 v19, v11;
	v6 =	vld [tilespmem:s18+$0x16D70]  }
0x155: {  	v5 =	vadd.f32 v20, v10;
	v8 =	vadd.f32 v25, v9;
	v9 =	vld [tilespmem:s18+$0x16DE0]  }
0x156: {  	v10 =	vadd.f32 v16, v3;
	v11 =	vadd.f32 v17, v4;
	v12 =	vld [tilespmem:s18+$0x16DF0];
	s18 =	sshra.s32 s19, $0x2  }
0x157: {  	v14 =	vadd.f32 v21, v5;
	v3 =	vld [tilespmem:s18+$0x16D80];
	v8 =	vadd.f32 v22, v8  }
0x158: {  	v2 =	vadd.f32 v2, v10;
	v7 =	vadd.f32 v7, v11;
	v4 =	vld [tilespmem:s18+$0x16D90]  }
0x159: {  	v10 =	vadd.f32 v13, v14;
	v5 =	vld [tilespmem:s18+$0x16DA0];
	v13 =	vadd.f32 v6, v8  }
0x15a: {  	v8 =	vadd.f32 v0, v2;
	v11 =	vadd.f32 v1, v7;
	v6 =	vld [tilespmem:s18+$0x16DB0]  }
0x15b: {  	v10 =	vadd.f32 v9, v10;
	v0 =	vld [tilespmem:s18+$0x16DC0];
	v9 =	vadd.f32 v12, v13  }
0x15c: {  	v1 =	vld [tilespmem:s18+$0x16DD0]  }
0x15d: {  	v13 =	vld [tilespmem:s18+$0x16D00]  }
0x15e: {  	v15 =	vld [tilespmem:s18+$0x16D10]  }
0x15f: {  	v12 =	vld [tilespmem:s18+$0x16D20]  }
0x160: {  	v14 =	vld [tilespmem:s18+$0x16D30]  }
0x161: {  	v2 =	vld [tilespmem:s18+$0x16D40]  }
0x162: {  	v7 =	vld [tilespmem:s18+$0x16D50]  }
0x163: {  	v20 =	vld [tilespmem:s18+$0x16C80]  }
0x164: {  	v22 =	vld [tilespmem:s18+$0x16C90]  }
0x165: {  	v17 =	vld [tilespmem:s18+$0x16C00]  }
0x166: {  	v18 =	vld [tilespmem:s18+$0x16C10]  }
0x167: {  	v19 =	vld [tilespmem:s18+$0x16C20]  }
0x168: {  	v21 =	vld [tilespmem:s18+$0x16C30]  }
0x169: {  	v25 =	vld [tilespmem:s18+$0x16CA0]  }
0x16a: {  	v28 =	vld [tilespmem:s18+$0x16CB0]  }
.Ltmp7:
0x16b: {  	v16 =	vld [tilespmem:s18+$0x16CC0];
	(pc) =	sbr.rel @p1 .LBB2_9-.Ltmp7, $4  }
0x16c: {  	v23 =	vadd.f32 v17, v23;
	v24 =	vadd.f32 v18, v24;
	v17 =	vld [tilespmem:s18+$0x16CD0]  }
0x16d: {  	v26 =	vadd.f32 v19, v26;
	v27 =	vadd.f32 v21, v27;
	v18 =	vld [tilespmem:s18+$0x16C40]  }
0x16e: {  	v21 =	vadd.f32 v20, v23;
	v22 =	vadd.f32 v22, v24;
	v19 =	vld [tilespmem:s18+$0x16C50]  }
0x16f: {  	s19 =	sadd.s32 $0x800, s19;
	v23 =	vadd.f32 v25, v26;
	v20 =	vld [tilespmem:s18+$0x16C60];
	v24 =	vadd.f32 v28, v27  }
0x170: {  	v13 =	vadd.f32 v13, v21;
	v15 =	vadd.f32 v15, v22  }
0x171: {  	v48 =	vld [tilespmem:s18+$0x16C70];
	v12 =	vadd.f32 v12, v23;
	v14 =	vadd.f32 v14, v24  }
0x172: {  	v49 =	vld [tilespmem:s18+$0x16CE0];
	v3 =	vadd.f32 v3, v13;
	v4 =	vadd.f32 v4, v15  }
0x173: {  	v50 =	vld [tilespmem:s18+$0x16CF0];
	v8 =	vadd.f32 v18, v8;
	v5 =	vadd.f32 v5, v12  }
0x174: {  	v51 =	vld [tilespmem:s18+$0x16D60];
	v6 =	vadd.f32 v6, v14;
	v11 =	vadd.f32 v19, v11  }
0x175: {  	v52 =	vld [tilespmem:s18+$0x16D70];
	v10 =	vadd.f32 v20, v10;
	v8 =	vadd.f32 v16, v8  }
0x176: {  	v53 =	vld [tilespmem:s18+$0x16DE0];
	v9 =	vadd.f32 v48, v9;
	v11 =	vadd.f32 v17, v11  }
0x177: {  	v54 =	vld [tilespmem:s18+$0x16DF0];
	v3 =	vmul.f32 $4.999999890e-03, v3;
	v10 =	vadd.f32 v49, v10;
	v2 =	vadd.f32 v2, v8  }
0x178: {  	v4 =	vmul.f32 $4.999999890e-03, v4;
	v55 =	vadd.f32 v50, v9;
	v7 =	vadd.f32 v7, v11  }
0x179: {  	v57 =	vmul.f32 $4.999999890e-03, v5;
	[tilespmem:s16+$0x1D180] =	vst v3;
	v56 =	vadd.f32 v51, v10;
	v0 =	vadd.f32 v0, v2  }
0x17a: {  	v59 =	vmul.f32 $4.999999890e-03, v6;
	[tilespmem:s16+$0x1D190] =	vst v4;
	v58 =	vadd.f32 v52, v55;
	v1 =	vadd.f32 v1, v7  }
0x17b: {  	[tilespmem:s16+$0x1D1A0] =	vst v57;
	v60 =	vadd.f32 v53, v56;
	v0 =	vmul.f32 $4.999999890e-03, v0  }
0x17c: {  	[tilespmem:s16+$0x1D1B0] =	vst v59;
	v61 =	vadd.f32 v54, v58;
	v1 =	vmul.f32 $4.999999890e-03, v1  }
0x17d: {  	s17 =	sadd.s32 @!p0 $0x7, s17;
	[tilespmem:s16+$0x1D1C0] =	vst v0;
	v62 =	vmul.f32 $4.999999890e-03, v60  }
0x17e: {  	s18 =	sshll.u32 @!p0 s17, $0x8;
	s17 =	sshll.u32 @!p0 s17, $0x7;
	[tilespmem:s16+$0x1D1D0] =	vst v1;
	v63 =	vmul.f32 $4.999999890e-03, v61  }
0x17f: {  	s18 =	sand.u32 @!p0 $0x3800, s18;
	s17 =	sand.u32 @!p0 $0x380, s17;
	[tilespmem:s16+$0x1D1E0] =	vst v62  }
0x180: {  	[tilespmem:s16+$0x1D1F0] =	vst v63;
	s16 =	sor.u32 @!p0 s17, s18;
	s17 =	simm.s32 @!p0 $0x80;
	s18 =	simm.s32 @!p0 $0x16C00  }
0x181: {  	[tilespmem:s18], [sflag:$0x4] =	stream.indirect.gather @!p0 [hbm4b:s2+s17], $0x80, s16, s17, $0xb8;
	[tilespmem:$0x1D800] =	vst v63  }
0x182: {  	s16 =	sor.u32 @!p0 $0x400, s16;
	s17 =	simm.s32 @!p0 $0x48;
	s18 =	simm.s32 @!p0 $0x1AC00  }
0x183: {  	[tilespmem:s18], [sflag:$0x4] =	stream.indirect.gather @!p0 [hbm4b:s2+s17], $0x80, s16, s17, $0xb8;
	[tilespmem:$0x1D800] =	vst v63  }
0x184: {  	s16 =	sand.u32 @!p0 $0x3, s13  }
0x185: {  	p1 =	sne.s32 @!p0 s16, $0x3  }
0x186: {  	p0 =	por p0, !p1  }
.Ltmp8:
0x187: {  	_ = 	snop;
	(pc) =	sbr.rel @!p0 .LBB2_12-.Ltmp8, $1  }
0x188: {  	_ =	sdelay $0x3  }
0x189: {  	p0 =	seq.s32 s13, $0x0;
	s16 =	simm.s32 $0x1  }
0x18a: {  	s17 =	sshrl.u32 s13, $0x2;
	s16 =	simm.s32 @!p0 $0x0  }
0x18b: {  	s16 =	ssub.s32 s17, s16  }
0x18c: {  	s16 =	sshll.u32 s16, $0xB  }
0x18d: {  	s16 =	sadd.s32 s7, s16  }
0x18e: {  	s16 =	sshrl.u32 s16, $0x3  }
.Ltmp9:
0x18f: {  	s16 =	sadd.s32 s5, s16;
	(pc) =	sbr.rel .LBB2_12-.Ltmp9, $4  }
0x190: {  	[hbm4b:s16+s3] =	stream.linear.scatter [tilespmem:s0], [sflag:$0x6], $0x800, $0x38;
	[tilespmem:$0x1D800] =	vst v63  }
0x191: {  	_ =	swait.ge [sflag:s10], $0x800  }
0x192: {  	[sflag:s10] =	ssyncset.done $0x0  }
0x193: {  	[sflag:s10] =	ssyncadd.s32 $0xFFFFF800  }
.LBB2_14:
0x194: {  	_ =	sfence.sel $0x180000  }
0x195: {  	[bflag:$0x0] =	sbarrier.arrive $0xFFFF  }
0x196: {  	_ =	strace $0x90000047  }
0x197: {  	s0 =	stileid.u32;
	[bflag:$0x2] =	sbarrier.arrive $0xFFFF  }
0x198: {  	p0 =	sne.s32 s0, $0x0;
	s0 =	rddreg [dreg:$0x3]  }
0x199: {  	s0 =	sadd.s32 @!p0 $0x100000, s0  }
0x19a: {  	[sflag:s0] =	ssyncadd.tile.s32 @!p0 $0x1;
	_ =	shalt  }
.Lfunc_end2:
_tile_overlayer_lowered:
.L_overlay_start_2:
0x19b: {  	(tag) =	ssettag $0x2  }
0x19c: {  	s0 =	rddreg [dreg:$0x0];
	s2 =	stileid.u32  }
0x19d: {  	s1 =	rddreg [dreg:$0x1];
	p0 =	sne.s32 s2, $0x0  }
0x19e: {  	s3 =	rddreg [dreg:$0x2];
	[bflag:$0x3] =	sbarrier.arrive $0xFFFF;
	s2 =	simm.s32 @!p0 $0x1C06  }
0x19f: {  	[timem:s3], [sflag:s2] =	dma.local @!p0 [hbm:s0], s1  }
0x1a0: {  	s0 =	simm.s32 @!p0 $0x6  }
0x1a1: {  	_ =	swait.ge @!p0 [sflag:s0], s1  }
0x1a2: {  	s1 =	ssub.s32 @!p0 $0x0, s1;
	[sflag:s0] =	ssyncset.done @!p0 $0x0  }
0x1a3: {  	[sflag:s0] =	ssyncadd.s32 @!p0 s1  }
0x1a4: {  	[bflag:$0x3] =	sbarrier.arrive $0xFFFF  }
0x1a5: {  	_ =	shalt  }

</sc_bundles>
